<compile_context>
chip_gen: v7x
topology: tpu7x:2x2x1
jax: 0.10.2.dev20260603
libtpu: 0.0.44.dev20260713+nightly
codegen_flags: <defaults>
</compile_context>

<pallas_src>
import functools

import jax
import jax.numpy as jnp
from jax import lax
from jax.experimental import pallas as pl
from jax.experimental.pallas import tpu as pltpu
from jax.experimental.pallas import tpu_sc as plsc

N_NODES = 10000
N_EDGES = 320000
D_FEAT = 128
D_HIDDEN = 128
N_CLASSES = 16

NUM_CORES = 2
NUM_SUBCORES = 16
NW = NUM_CORES * NUM_SUBCORES
EDGES_PER_W = N_EDGES // NW
CHUNK = 125
NCHUNKS = EDGES_PER_W // CHUNK
N_PAD = 10240
ROWS_PER_TILE = N_PAD // NUM_SUBCORES
ZROWS = 128

_MM_BLOCK_M = 2000


def _matmul_body(x_ref, w_ref, o_ref):
    o_ref[...] = lax.dot_general(
        x_ref[...], w_ref[...], (((1,), (0,)), ((), ())),
        precision=lax.Precision.HIGHEST, preferred_element_type=jnp.float32)


def _matmul(x, w):
    m, k = x.shape
    n = w.shape[1]
    return pl.pallas_call(
        _matmul_body,
        grid=(m // _MM_BLOCK_M,),
        in_specs=[
            pl.BlockSpec((_MM_BLOCK_M, k), lambda i: (i, 0)),
            pl.BlockSpec((k, n), lambda i: (0, 0)),
        ],
        out_specs=pl.BlockSpec((_MM_BLOCK_M, n), lambda i: (i, 0)),
        out_shape=jax.ShapeDtypeStruct((m, n), jnp.float32),
    )(x, w)


_MID_BLOCK_M = 2048


def _fused_mid_body(p0_ref, p1_ref, b_ref, m_ref, w_ref, o_ref):
    h = jnp.maximum(p0_ref[...] + p1_ref[...] + b_ref[...], 0.0) * m_ref[...]
    o_ref[...] = lax.dot_general(
        h, w_ref[...], (((1,), (0,)), ((), ())),
        precision=lax.Precision.HIGHEST, preferred_element_type=jnp.float32)


def _fused_mid(p0, p1, b1, mult, w2pad):
    m, k = p0.shape
    n = w2pad.shape[1]
    return pl.pallas_call(
        _fused_mid_body,
        grid=(m // _MID_BLOCK_M,),
        in_specs=[
            pl.BlockSpec((_MID_BLOCK_M, k), lambda i: (i, 0)),
            pl.BlockSpec((_MID_BLOCK_M, k), lambda i: (i, 0)),
            pl.BlockSpec((1, k), lambda i: (0, 0)),
            pl.BlockSpec((_MID_BLOCK_M, k), lambda i: (i, 0)),
            pl.BlockSpec((k, n), lambda i: (0, 0)),
        ],
        out_specs=pl.BlockSpec((_MID_BLOCK_M, n), lambda i: (i, 0)),
        out_shape=jax.ShapeDtypeStruct((m, n), jnp.float32),
    )(p0, p1, b1, mult, w2pad)


def _final_body(q0_ref, q1_ref, b_ref, o_ref):
    o_ref[...] = q0_ref[...] + q1_ref[...] + b_ref[...]


def _final_sum(q0, q1, b2t):
    return pl.pallas_call(
        _final_body,
        out_shape=jax.ShapeDtypeStruct(q0.shape, jnp.float32),
    )(q0, q1, b2t)


C128 = 100
NC128 = EDGES_PER_W // C128
NPHASES = 5
PC128 = NC128 // NPHASES
PIPE_ITERS = (PC128 - 2) // 3
assert PC128 == 3 * PIPE_ITERS + 2


def _make_spmm(d):
    mesh = plsc.VectorSubcoreMesh(core_axis_name="c", subcore_axis_name="s")
    scratch = [
        pltpu.VMEM((PC128, C128), jnp.int32),
        pltpu.VMEM((PC128, C128), jnp.int32),
        pltpu.VMEM((C128, d), jnp.float32),
        pltpu.VMEM((C128, d), jnp.float32),
        pltpu.VMEM((C128, d), jnp.float32),
        pltpu.VMEM_SHARED((N_PAD, d), jnp.float32),
        pltpu.SemaphoreType.DMA,
        pltpu.SemaphoreType.DMA,
        pltpu.SemaphoreType.DMA,
    ]

    @functools.partial(
        pl.kernel,
        out_type=jax.ShapeDtypeStruct(
            (NUM_CORES, NUM_SUBCORES, ROWS_PER_TILE, d), jnp.float32),
        mesh=mesh,
        scratch_types=scratch,
    )
    def spmm(src_hbm, dst_hbm, sup_hbm, out_hbm,
             src_v, dst_v, buf0, buf1, buf2, acc_s, sem0, sem1, sem2):
        core = lax.axis_index("c")
        sub = lax.axis_index("s")
        wid = core * NUM_SUBCORES + sub
        stripe = pl.ds(sub * ROWS_PER_TILE, ROWS_PER_TILE)

        @pl.loop(0, C128)
        def _zrow(i):
            @pl.loop(0, d, step=16)
            def _zcol(j):
                buf0[i, pl.ds(j, 16)] = jnp.zeros((16,), jnp.float32)

        @pl.loop(0, 6)
        def _zcopy(k):
            pltpu.sync_copy(
                buf0, acc_s.at[pl.ds(sub * ROWS_PER_TILE + k * C128, C128)])

        pltpu.sync_copy(
            buf0.at[pl.ds(0, 40)],
            acc_s.at[pl.ds(sub * ROWS_PER_TILE + 6 * C128, 40)])

        plsc.subcore_barrier()

        bufs = (buf0, buf1, buf2)
        sems = (sem0, sem1, sem2)

        def gather(j, b):
            pltpu.async_copy(sup_hbm.at[src_v.at[j]], bufs[b], sems[b])

        def consume(j, b):
            pltpu.make_async_copy(
                sup_hbm.at[src_v.at[j]], bufs[b], sems[b]).wait()
            pltpu.sync_copy(bufs[b], acc_s.at[dst_v.at[j]], add=True)

        for phase in range(NPHASES):
            pltpu.sync_copy(src_hbm.at[wid, phase], src_v)
            pltpu.sync_copy(dst_hbm.at[wid, phase], dst_v)

            gather(0, 0)
            gather(1, 1)

            @pl.loop(0, PIPE_ITERS)
            def _trip(k):
                j = 3 * k
                gather(j + 2, 2)
                consume(j, 0)
                gather(j + 3, 0)
                consume(j + 1, 1)
                gather(j + 4, 1)
                consume(j + 2, 2)

            consume(PC128 - 2, 0)
            consume(PC128 - 1, 1)

        plsc.subcore_barrier()

        pltpu.sync_copy(acc_s.at[stripe], out_hbm.at[core, sub])

    return spmm


def _make_spmm_narrow(d):
    mesh = plsc.VectorSubcoreMesh(core_axis_name="c", subcore_axis_name="s")

    @functools.partial(
        pl.kernel,
        out_type=jax.ShapeDtypeStruct(
            (NUM_CORES, NUM_SUBCORES, ROWS_PER_TILE, d), jnp.float32),
        mesh=mesh,
        scratch_types=[
            pltpu.VMEM((NCHUNKS, CHUNK), jnp.int32),
            pltpu.VMEM((NCHUNKS, CHUNK), jnp.int32),
            pltpu.VMEM((ZROWS, d), jnp.float32),
            pltpu.VMEM((ZROWS, d), jnp.float32),
            pltpu.VMEM((ZROWS, d), jnp.float32),
            pltpu.VMEM_SHARED((N_PAD, d), jnp.float32),
            pltpu.SemaphoreType.DMA,
            pltpu.SemaphoreType.DMA,
            pltpu.SemaphoreType.DMA,
        ],
        compiler_params=pltpu.CompilerParams(use_tc_tiling_on_sc=False),
    )
    def spmm(src_hbm, dst_hbm, sup_hbm, out_hbm,
             src_v, dst_v, buf0, buf1, buf2, acc_s, sem0, sem1, sem2):
        core = lax.axis_index("c")
        sub = lax.axis_index("s")
        wid = core * NUM_SUBCORES + sub
        stripe = pl.ds(sub * ROWS_PER_TILE, ROWS_PER_TILE)

        @pl.loop(0, ZROWS)
        def _zrow(i):
            @pl.loop(0, d, step=16)
            def _zcol(j):
                buf0[i, pl.ds(j, 16)] = jnp.zeros((16,), jnp.float32)

        @pl.loop(0, ROWS_PER_TILE // ZROWS)
        def _zcopy(k):
            pltpu.sync_copy(
                buf0, acc_s.at[pl.ds(sub * ROWS_PER_TILE + k * ZROWS, ZROWS)])

        pltpu.sync_copy(src_hbm.at[wid], src_v)
        pltpu.sync_copy(dst_hbm.at[wid], dst_v)
        plsc.subcore_barrier()

        cbuf = pl.ds(0, CHUNK)
        bufs = (buf0, buf1, buf2)
        sems = (sem0, sem1, sem2)

        def gather(j, b):
            pltpu.async_copy(sup_hbm.at[src_v.at[j]], bufs[b].at[cbuf], sems[b])

        def consume(j, b):
            pltpu.make_async_copy(
                sup_hbm.at[src_v.at[j]], bufs[b].at[cbuf], sems[b]).wait()
            pltpu.sync_copy(bufs[b].at[cbuf], acc_s.at[dst_v.at[j]], add=True)

        gather(0, 0)
        gather(1, 1)

        @pl.loop(0, (NCHUNKS - 2) // 3)
        def _trip(k):
            j = 3 * k
            gather(j + 2, 2)
            consume(j, 0)
            gather(j + 3, 0)
            consume(j + 1, 1)
            gather(j + 4, 1)
            consume(j + 2, 2)

        consume(NCHUNKS - 2, 0)
        consume(NCHUNKS - 1, 1)

        plsc.subcore_barrier()
        pltpu.sync_copy(acc_s.at[stripe], out_hbm.at[core, sub])

    return spmm


_spmm128 = _make_spmm(D_HIDDEN)
_spmm16 = _make_spmm_narrow(N_CLASSES)


def kernel(x, edge_index, W1, b1, W2, b2):
    src128 = edge_index[0].reshape(NW, NPHASES, PC128, C128)
    dst128 = edge_index[1].reshape(NW, NPHASES, PC128, C128)
    src = edge_index[0].reshape(NW, NCHUNKS, CHUNK)
    dst = edge_index[1].reshape(NW, NCHUNKS, CHUNK)

    support1 = _matmul(x, W1)

    p1 = _spmm128(src128, dst128, support1).reshape(NUM_CORES, N_PAD, D_HIDDEN)

    mask = jax.random.bernoulli(jax.random.key(42), 0.5, (N_NODES, D_HIDDEN))
    mult = jnp.pad(mask.astype(jnp.float32) * 2.0,
                   ((0, N_PAD - N_NODES), (0, 0)))
    w2pad = jnp.zeros((D_HIDDEN, D_HIDDEN), jnp.float32).at[:, :N_CLASSES].set(W2)
    support2 = _fused_mid(p1[0], p1[1], b1.reshape(1, -1), mult, w2pad)
    support2 = support2[:, :N_CLASSES]

    p2 = _spmm16(src, dst, support2).reshape(NUM_CORES, N_PAD, N_CLASSES)

    q0 = p2[0, :N_NODES].reshape(-1, 128)
    q1 = p2[1, :N_NODES].reshape(-1, 128)
    b2t = jnp.tile(b2, 128 // N_CLASSES).reshape(1, 128)
    out = _final_sum(q0, q1, jnp.broadcast_to(b2t, q0.shape))
    return out.reshape(N_NODES, N_CLASSES)

# --- scband reference (transcript-rebuilt; emitter-appended) ---
"""Pipeline reference for scband-method-gnn-41832981463593 (READ-ONLY COPY).

The authoritative reference and input builder live on the scoring server;
editing this copy changes nothing except your own understanding.
"""

import jax, jax.numpy as jnp
import numpy as np

N_NODES = 10000
N_EDGES = 320000
D_FEAT = 128
D_HIDDEN = 128
N_CLASSES = 16


def setup_inputs(seed: int = 0) -> dict:
    key = jax.random.key(seed)
    k1, k2, k3, k4 = jax.random.split(key, 4)
    x = jax.random.normal(k1, (N_NODES, D_FEAT), dtype=jnp.float32)
    edge_index = jax.random.randint(k2, (2, N_EDGES), 0, N_NODES).astype(jnp.int32)
    # GraphConvolution params. Original torch init: weight=zeros, bias=ones; zeros
    # would make forward degenerate (all outputs == bias), so use small random
    # weights as if trained, keep bias=ones per original init.
    W1 = jax.random.normal(k3, (D_FEAT, D_HIDDEN), dtype=jnp.float32) * 0.05
    b1 = jnp.ones((D_HIDDEN,), dtype=jnp.float32)
    W2 = jax.random.normal(k4, (D_HIDDEN, N_CLASSES), dtype=jnp.float32) * 0.05
    b2 = jnp.ones((N_CLASSES,), dtype=jnp.float32)
    return {"x": x, "edge_index": edge_index, "W1": W1, "b1": b1, "W2": W2, "b2": b2}


def _spmm(edge_index, support):
    # adjacency applied as scatter-add: out[dst] += support[src]
    src = edge_index[0]
    dst = edge_index[1]
    gathered = jnp.take(support, src, axis=0)
    return jax.ops.segment_sum(gathered, dst, num_segments=N_NODES)


def reference(x, edge_index, W1, b1, W2, b2):
    # conv1: support = x @ W1; out = spmm(A, support) + b1
    support1 = x @ W1
    h = _spmm(edge_index, support1) + b1
    h = jax.nn.relu(h)
    # nn.Dropout(0.5) in train mode (fresh module) -> stochastic mask, fixed key for determinism
    mask = jax.random.bernoulli(jax.random.key(42), 0.5, h.shape)
    h = jnp.where(mask, h / 0.5, 0.0)
    # conv2
    support2 = h @ W2
    out = _spmm(edge_index, support2) + b2
    return out

if __name__ == "__main__":
    import jax
    _d = setup_inputs()
    print(jax.jit(kernel)(*tuple(_d.values())))

</pallas_src>

<mosaic_0001>
#map = affine_map<(d0, d1) -> (0, 0, 0)>
#map1 = affine_map<(d0, d1) -> (0, 0)>
#map2 = affine_map<(d0, d1) -> (0, 0, 0, 0)>
module attributes {stable_mosaic.version = 14 : i64} {
  func.func @spmm(%arg0: i32, %arg1: i32, %arg2: memref<32x80x125xi32, #tpu.memory_space<hbm>>, %arg3: memref<32x80x125xi32, #tpu.memory_space<hbm>>, %arg4: memref<10240x16xf32, #tpu.memory_space<hbm>>, %arg5: memref<2x16x640x16xf32, #tpu.memory_space<hbm>>, %arg6: memref<80x125xi32, #tpu.memory_space<vmem>>, %arg7: memref<80x125xi32, #tpu.memory_space<vmem>>, %arg8: memref<128x16xf32, #tpu.memory_space<vmem>>, %arg9: memref<128x16xf32, #tpu.memory_space<vmem>>, %arg10: memref<128x16xf32, #tpu.memory_space<vmem>>, %arg11: memref<10240x16xf32, #tpu.memory_space<vmem_shared>>, %arg12: memref<!tpu.dma_semaphore, #tpu.memory_space<semaphore_mem>>, %arg13: memref<!tpu.dma_semaphore, #tpu.memory_space<semaphore_mem>>, %arg14: memref<!tpu.dma_semaphore, #tpu.memory_space<semaphore_mem>>) attributes {dimension_semantics = [#tpu.dimension_semantics<core_parallel>, #tpu.dimension_semantics<subcore_parallel>], iteration_bounds = array<i64: 2, 16>, scalar_prefetch = 0 : i64, scratch_operands = 9 : i64, tpu.core_type = #tpu.core_type<sc_vector_subcore>, window_params = [{transform_indices = #map}, {transform_indices = #map}, {transform_indices = #map1}, {transform_indices = #map2}]} {
    %mul3A = arith.constant 16 : i32
    %mul3A_0 = arith.muli %arg0, %mul3A : i32
    %add3A = arith.addi %mul3A_0, %arg1 : i32
    %mul3A_1 = arith.constant 640 : i32
    %mul3A_2 = arith.muli %arg1, %mul3A_1 : i32
    %scan3A = arith.constant 0 : i32
    %scan3A_3 = arith.constant 128 : i32
    %scan3A_4 = arith.addi %scan3A, %scan3A_3 : i32
    %scan3A_5 = arith.constant 1 : i32
    scf.for %scan3A_57 = %scan3A to %scan3A_4 step %scan3A_5  : i32 {
      %mul3A_58 = arith.constant 1 : i32
      %mul3A_59 = arith.muli %scan3A_57, %mul3A_58 : i32
      %add3A_60 = arith.constant 0 : i32
      %add3A_61 = arith.addi %add3A_60, %mul3A_59 : i32
      %scan3A_62 = arith.constant 0 : i32
      %mul3A_63 = arith.constant 16 : i32
      %mul3A_64 = arith.muli %scan3A_62, %mul3A_63 : i32
      %add3A_65 = arith.constant 0 : i32
      %add3A_66 = arith.addi %add3A_65, %mul3A_64 : i32
      %broadcast_in_dim3A = arith.constant 0.000000e+00 : f32
      %broadcast_in_dim3A_67 = vector.broadcast %broadcast_in_dim3A : f32 to vector<16xf32>
      %swap3A = arith.index_cast %add3A_61 : i32 to index
      %swap3A_68 = arith.index_cast %add3A_66 : i32 to index
      %swap3A_69 = tpu.vector_load %arg8[%swap3A, %swap3A_68] {strides = array<i32>} : memref<128x16xf32, #tpu.memory_space<vmem>>, vector<1x16xf32>,
      %swap3A_70 = vector.shape_cast %swap3A_69 : vector<1x16xf32> to vector<16xf32>
      %swap3A_71 = vector.shape_cast %broadcast_in_dim3A_67 : vector<16xf32> to vector<1x16xf32>
      tpu.vector_store %arg8[%swap3A, %swap3A_68], %swap3A_71 {strides = array<i32>} : memref<128x16xf32, #tpu.memory_space<vmem>>, vector<1x16xf32>,
      %scan3A_72 = arith.constant 1 : i32
    }
    %scan3A_6 = arith.constant 128 : i32
    %scan3A_7 = arith.constant 0 : i32
    %scan3A_8 = arith.constant 5 : i32
    %scan3A_9 = arith.addi %scan3A_7, %scan3A_8 : i32
    %scan3A_10 = arith.constant 1 : i32
    scf.for %scan3A_57 = %scan3A_7 to %scan3A_9 step %scan3A_10  : i32 {
      %mul3A_58 = arith.constant 1 : i32
      %mul3A_59 = arith.muli %scan3A_57, %mul3A_58 : i32
      %add3A_60 = arith.constant 0 : i32
      %add3A_61 = arith.addi %add3A_60, %mul3A_59 : i32
      %mul3A_62 = arith.constant 640 : i32
      %mul3A_63 = arith.muli %arg1, %mul3A_62 : i32
      %mul3A_64 = arith.constant 128 : i32
      %mul3A_65 = arith.muli %add3A_61, %mul3A_64 : i32
      %add3A_66 = arith.addi %mul3A_63, %mul3A_65 : i32
      "tpu.region"() ({
        %run_scoped3A_67 = tpu.sem_alloc : memref<!tpu.dma_semaphore, #tpu.memory_space<semaphore_mem>>
        %dma_start3A_68 = arith.constant 0 : i32
        %dma_start3A_69 = tpu.memref_slice %arg11[%add3A_66, %dma_start3A_68] : memref<10240x16xf32, #tpu.memory_space<vmem_shared>> -> memref<128x16xf32, #tpu.memory_space<vmem_shared>>
        %dma_start3A_70 = arith.constant 0 : i32
        %dma_start3A_71 = tpu.memref_slice %arg11[%add3A_66, %dma_start3A_70] : memref<10240x16xf32, #tpu.memory_space<vmem_shared>> -> memref<128x16xf32, #tpu.memory_space<vmem_shared>>
        tpu.enqueue_dma source(%arg8 : memref<128x16xf32, #tpu.memory_space<vmem>>) target(%dma_start3A_71 : memref<128x16xf32, #tpu.memory_space<vmem_shared>>) target_semaphore(%run_scoped3A_67 : memref<!tpu.dma_semaphore, #tpu.memory_space<semaphore_mem>>)
        %dma_wait3A_72 = arith.constant 0 : i32
        %dma_wait3A_73 = tpu.memref_slice %arg11[%add3A_66, %dma_wait3A_72] : memref<10240x16xf32, #tpu.memory_space<vmem_shared>> -> memref<128x16xf32, #tpu.memory_space<vmem_shared>>
        %dma_wait3A_74 = arith.constant 0 : i32
        %dma_wait3A_75 = tpu.memref_slice %arg11[%add3A_66, %dma_wait3A_74] : memref<10240x16xf32, #tpu.memory_space<vmem_shared>> -> memref<128x16xf32, #tpu.memory_space<vmem_shared>>
        tpu.wait_dma2 semaphore(%run_scoped3A_67 : memref<!tpu.dma_semaphore, #tpu.memory_space<semaphore_mem>>) src(%arg8 : memref<128x16xf32, #tpu.memory_space<vmem>>) dst(%dma_wait3A_75 : memref<128x16xf32, #tpu.memory_space<vmem_shared>>)
        tpu.yield
      }) : () -> ()
    }
    %scan3A_11 = arith.constant 5 : i32
    "tpu.region"() ({
      %run_scoped3A_57 = tpu.sem_alloc : memref<!tpu.dma_semaphore, #tpu.memory_space<semaphore_mem>>
      %dma_start3A_58 = arith.constant 0 : i32
      %dma_start3A_59 = arith.constant 0 : i32
      %dma_start3A_60 = tpu.memref_slice %arg2[%add3A, %dma_start3A_58, %dma_start3A_59] : memref<32x80x125xi32, #tpu.memory_space<hbm>> -> memref<1x80x125xi32, #tpu.memory_space<hbm>>
      %dma_start3A_61 = tpu.memref_squeeze %dma_start3A_60 : memref<1x80x125xi32, #tpu.memory_space<hbm>> -> memref<80x125xi32, #tpu.memory_space<hbm>>
      %dma_start3A_62 = arith.constant 0 : i32
      %dma_start3A_63 = arith.constant 0 : i32
      %dma_start3A_64 = tpu.memref_slice %arg2[%add3A, %dma_start3A_62, %dma_start3A_63] : memref<32x80x125xi32, #tpu.memory_space<hbm>> -> memref<1x80x125xi32, #tpu.memory_space<hbm>>
      %dma_start3A_65 = tpu.memref_squeeze %dma_start3A_64 : memref<1x80x125xi32, #tpu.memory_space<hbm>> -> memref<80x125xi32, #tpu.memory_space<hbm>>
      tpu.enqueue_dma source(%dma_start3A_65 : memref<80x125xi32, #tpu.memory_space<hbm>>) target(%arg6 : memref<80x125xi32, #tpu.memory_space<vmem>>) target_semaphore(%run_scoped3A_57 : memref<!tpu.dma_semaphore, #tpu.memory_space<semaphore_mem>>)
      %dma_wait3A_66 = arith.constant 0 : i32
      %dma_wait3A_67 = arith.constant 0 : i32
      %dma_wait3A_68 = tpu.memref_slice %arg2[%add3A, %dma_wait3A_66, %dma_wait3A_67] : memref<32x80x125xi32, #tpu.memory_space<hbm>> -> memref<1x80x125xi32, #tpu.memory_space<hbm>>
      %dma_wait3A_69 = tpu.memref_squeeze %dma_wait3A_68 : memref<1x80x125xi32, #tpu.memory_space<hbm>> -> memref<80x125xi32, #tpu.memory_space<hbm>>
      %dma_wait3A_70 = arith.constant 0 : i32
      %dma_wait3A_71 = arith.constant 0 : i32
      %dma_wait3A_72 = tpu.memref_slice %arg2[%add3A, %dma_wait3A_70, %dma_wait3A_71] : memref<32x80x125xi32, #tpu.memory_space<hbm>> -> memref<1x80x125xi32, #tpu.memory_space<hbm>>
      %dma_wait3A_73 = tpu.memref_squeeze %dma_wait3A_72 : memref<1x80x125xi32, #tpu.memory_space<hbm>> -> memref<80x125xi32, #tpu.memory_space<hbm>>
      tpu.wait_dma2 semaphore(%run_scoped3A_57 : memref<!tpu.dma_semaphore, #tpu.memory_space<semaphore_mem>>) src(%dma_wait3A_73 : memref<80x125xi32, #tpu.memory_space<hbm>>) dst(%arg6 : memref<80x125xi32, #tpu.memory_space<vmem>>)
      tpu.yield
    }) : () -> ()
    "tpu.region"() ({
      %run_scoped3A_57 = tpu.sem_alloc : memref<!tpu.dma_semaphore, #tpu.memory_space<semaphore_mem>>
      %dma_start3A_58 = arith.constant 0 : i32
      %dma_start3A_59 = arith.constant 0 : i32
      %dma_start3A_60 = tpu.memref_slice %arg3[%add3A, %dma_start3A_58, %dma_start3A_59] : memref<32x80x125xi32, #tpu.memory_space<hbm>> -> memref<1x80x125xi32, #tpu.memory_space<hbm>>
      %dma_start3A_61 = tpu.memref_squeeze %dma_start3A_60 : memref<1x80x125xi32, #tpu.memory_space<hbm>> -> memref<80x125xi32, #tpu.memory_space<hbm>>
      %dma_start3A_62 = arith.constant 0 : i32
      %dma_start3A_63 = arith.constant 0 : i32
      %dma_start3A_64 = tpu.memref_slice %arg3[%add3A, %dma_start3A_62, %dma_start3A_63] : memref<32x80x125xi32, #tpu.memory_space<hbm>> -> memref<1x80x125xi32, #tpu.memory_space<hbm>>
      %dma_start3A_65 = tpu.memref_squeeze %dma_start3A_64 : memref<1x80x125xi32, #tpu.memory_space<hbm>> -> memref<80x125xi32, #tpu.memory_space<hbm>>
      tpu.enqueue_dma source(%dma_start3A_65 : memref<80x125xi32, #tpu.memory_space<hbm>>) target(%arg7 : memref<80x125xi32, #tpu.memory_space<vmem>>) target_semaphore(%run_scoped3A_57 : memref<!tpu.dma_semaphore, #tpu.memory_space<semaphore_mem>>)
      %dma_wait3A_66 = arith.constant 0 : i32
      %dma_wait3A_67 = arith.constant 0 : i32
      %dma_wait3A_68 = tpu.memref_slice %arg3[%add3A, %dma_wait3A_66, %dma_wait3A_67] : memref<32x80x125xi32, #tpu.memory_space<hbm>> -> memref<1x80x125xi32, #tpu.memory_space<hbm>>
      %dma_wait3A_69 = tpu.memref_squeeze %dma_wait3A_68 : memref<1x80x125xi32, #tpu.memory_space<hbm>> -> memref<80x125xi32, #tpu.memory_space<hbm>>
      %dma_wait3A_70 = arith.constant 0 : i32
      %dma_wait3A_71 = arith.constant 0 : i32
      %dma_wait3A_72 = tpu.memref_slice %arg3[%add3A, %dma_wait3A_70, %dma_wait3A_71] : memref<32x80x125xi32, #tpu.memory_space<hbm>> -> memref<1x80x125xi32, #tpu.memory_space<hbm>>
      %dma_wait3A_73 = tpu.memref_squeeze %dma_wait3A_72 : memref<1x80x125xi32, #tpu.memory_space<hbm>> -> memref<80x125xi32, #tpu.memory_space<hbm>>
      tpu.wait_dma2 semaphore(%run_scoped3A_57 : memref<!tpu.dma_semaphore, #tpu.memory_space<semaphore_mem>>) src(%dma_wait3A_73 : memref<80x125xi32, #tpu.memory_space<hbm>>) dst(%arg7 : memref<80x125xi32, #tpu.memory_space<vmem>>)
      tpu.yield
    }) : () -> ()
    %barrier3A = arith.constant 0 : index
    tpu.barrier barrier_id(%barrier3A)
    %dma_start3A = arith.constant 0 : i32
    %dma_start3A_12 = arith.constant 0 : i32
    %dma_start3A_13 = arith.constant 0 : i32
    %dma_start3A_14 = tpu.memref_slice %arg8[%dma_start3A_12, %dma_start3A_13] : memref<128x16xf32, #tpu.memory_space<vmem>> -> memref<125x16xf32, #tpu.memory_space<vmem>>
    %dma_start3A_15 = arith.constant 0 : i32
    %dma_start3A_16 = tpu.memref_slice %arg6[%dma_start3A, %dma_start3A_15] : memref<80x125xi32, #tpu.memory_space<vmem>> -> memref<1x125xi32, #tpu.memory_space<vmem>>
    %dma_start3A_17 = tpu.memref_squeeze %dma_start3A_16 : memref<1x125xi32, #tpu.memory_space<vmem>> -> memref<125xi32, #tpu.memory_space<vmem>>
    %dma_start3A_18 = arith.constant 0 : i32
    %dma_start3A_19 = arith.constant 0 : i32
    %dma_start3A_20 = tpu.memref_slice %arg4[%dma_start3A_18, %dma_start3A_19] : memref<10240x16xf32, #tpu.memory_space<hbm>> -> memref<10240x16xf32, #tpu.memory_space<hbm>>
    tpu.enqueue_indirect_dma source(%dma_start3A_20 : memref<10240x16xf32, #tpu.memory_space<hbm>>) target(%dma_start3A_14 : memref<125x16xf32, #tpu.memory_space<vmem>>) offsets(%dma_start3A_17 : memref<125xi32, #tpu.memory_space<vmem>>) semaphore(%arg12 : memref<!tpu.dma_semaphore, #tpu.memory_space<semaphore_mem>>)
    %dma_start3A_21 = arith.constant 1 : i32
    %dma_start3A_22 = arith.constant 0 : i32
    %dma_start3A_23 = arith.constant 0 : i32
    %dma_start3A_24 = tpu.memref_slice %arg9[%dma_start3A_22, %dma_start3A_23] : memref<128x16xf32, #tpu.memory_space<vmem>> -> memref<125x16xf32, #tpu.memory_space<vmem>>
    %dma_start3A_25 = arith.constant 0 : i32
    %dma_start3A_26 = tpu.memref_slice %arg6[%dma_start3A_21, %dma_start3A_25] : memref<80x125xi32, #tpu.memory_space<vmem>> -> memref<1x125xi32, #tpu.memory_space<vmem>>
    %dma_start3A_27 = tpu.memref_squeeze %dma_start3A_26 : memref<1x125xi32, #tpu.memory_space<vmem>> -> memref<125xi32, #tpu.memory_space<vmem>>
    %dma_start3A_28 = arith.constant 0 : i32
    %dma_start3A_29 = arith.constant 0 : i32
    %dma_start3A_30 = tpu.memref_slice %arg4[%dma_start3A_28, %dma_start3A_29] : memref<10240x16xf32, #tpu.memory_space<hbm>> -> memref<10240x16xf32, #tpu.memory_space<hbm>>
    tpu.enqueue_indirect_dma source(%dma_start3A_30 : memref<10240x16xf32, #tpu.memory_space<hbm>>) target(%dma_start3A_24 : memref<125x16xf32, #tpu.memory_space<vmem>>) offsets(%dma_start3A_27 : memref<125xi32, #tpu.memory_space<vmem>>) semaphore(%arg13 : memref<!tpu.dma_semaphore, #tpu.memory_space<semaphore_mem>>)
    %scan3A_31 = arith.constant 0 : i32
    %scan3A_32 = arith.constant 26 : i32
    %scan3A_33 = arith.addi %scan3A_31, %scan3A_32 : i32
    %scan3A_34 = arith.constant 1 : i32
    scf.for %scan3A_57 = %scan3A_31 to %scan3A_33 step %scan3A_34  : i32 {
      %mul3A_58 = arith.constant 1 : i32
      %mul3A_59 = arith.muli %scan3A_57, %mul3A_58 : i32
      %add3A_60 = arith.constant 0 : i32
      %add3A_61 = arith.addi %add3A_60, %mul3A_59 : i32
      %mul3A_62 = arith.constant 3 : i32
      %mul3A_63 = arith.muli %mul3A_62, %add3A_61 : i32
      %add3A_64 = arith.constant 2 : i32
      %add3A_65 = arith.addi %mul3A_63, %add3A_64 : i32
      %dma_start3A_66 = arith.constant 0 : i32
      %dma_start3A_67 = arith.constant 0 : i32
      %dma_start3A_68 = tpu.memref_slice %arg10[%dma_start3A_66, %dma_start3A_67] : memref<128x16xf32, #tpu.memory_space<vmem>> -> memref<125x16xf32, #tpu.memory_space<vmem>>
      %dma_start3A_69 = arith.constant 0 : i32
      %dma_start3A_70 = tpu.memref_slice %arg6[%add3A_65, %dma_start3A_69] : memref<80x125xi32, #tpu.memory_space<vmem>> -> memref<1x125xi32, #tpu.memory_space<vmem>>
      %dma_start3A_71 = tpu.memref_squeeze %dma_start3A_70 : memref<1x125xi32, #tpu.memory_space<vmem>> -> memref<125xi32, #tpu.memory_space<vmem>>
      %dma_start3A_72 = arith.constant 0 : i32
      %dma_start3A_73 = arith.constant 0 : i32
      %dma_start3A_74 = tpu.memref_slice %arg4[%dma_start3A_72, %dma_start3A_73] : memref<10240x16xf32, #tpu.memory_space<hbm>> -> memref<10240x16xf32, #tpu.memory_space<hbm>>
      tpu.enqueue_indirect_dma source(%dma_start3A_74 : memref<10240x16xf32, #tpu.memory_space<hbm>>) target(%dma_start3A_68 : memref<125x16xf32, #tpu.memory_space<vmem>>) offsets(%dma_start3A_71 : memref<125xi32, #tpu.memory_space<vmem>>) semaphore(%arg14 : memref<!tpu.dma_semaphore, #tpu.memory_space<semaphore_mem>>)
      %dma_wait3A_75 = arith.constant 0 : i32
      %dma_wait3A_76 = arith.constant 0 : i32
      %dma_wait3A_77 = tpu.memref_slice %arg8[%dma_wait3A_75, %dma_wait3A_76] : memref<128x16xf32, #tpu.memory_space<vmem>> -> memref<125x16xf32, #tpu.memory_space<vmem>>
      %dma_wait3A_78 = arith.constant 0 : i32
      %dma_wait3A_79 = tpu.memref_slice %arg6[%mul3A_63, %dma_wait3A_78] : memref<80x125xi32, #tpu.memory_space<vmem>> -> memref<1x125xi32, #tpu.memory_space<vmem>>
      %dma_wait3A_80 = tpu.memref_squeeze %dma_wait3A_79 : memref<1x125xi32, #tpu.memory_space<vmem>> -> memref<125xi32, #tpu.memory_space<vmem>>
      %dma_wait3A_81 = arith.constant 0 : i32
      %dma_wait3A_82 = arith.constant 0 : i32
      %dma_wait3A_83 = tpu.memref_slice %arg4[%dma_wait3A_81, %dma_wait3A_82] : memref<10240x16xf32, #tpu.memory_space<hbm>> -> memref<10240x16xf32, #tpu.memory_space<hbm>>
      tpu.wait_indirect_dma semaphore(%arg12 : memref<!tpu.dma_semaphore, #tpu.memory_space<semaphore_mem>>) src(%dma_wait3A_83 : memref<10240x16xf32, #tpu.memory_space<hbm>>) dst(%dma_wait3A_77 : memref<125x16xf32, #tpu.memory_space<vmem>>)
      "tpu.region"() ({
        %run_scoped3A_128 = tpu.sem_alloc : memref<!tpu.dma_semaphore, #tpu.memory_space<semaphore_mem>>
        %dma_start3A_129 = arith.constant 0 : i32
        %dma_start3A_130 = arith.constant 0 : i32
        %dma_start3A_131 = tpu.memref_slice %arg8[%dma_start3A_129, %dma_start3A_130] : memref<128x16xf32, #tpu.memory_space<vmem>> -> memref<125x16xf32, #tpu.memory_space<vmem>>
        %dma_start3A_132 = arith.constant 0 : i32
        %dma_start3A_133 = tpu.memref_slice %arg7[%mul3A_63, %dma_start3A_132] : memref<80x125xi32, #tpu.memory_space<vmem>> -> memref<1x125xi32, #tpu.memory_space<vmem>>
        %dma_start3A_134 = tpu.memref_squeeze %dma_start3A_133 : memref<1x125xi32, #tpu.memory_space<vmem>> -> memref<125xi32, #tpu.memory_space<vmem>>
        %dma_start3A_135 = arith.constant 0 : i32
        %dma_start3A_136 = arith.constant 0 : i32
        %dma_start3A_137 = tpu.memref_slice %arg11[%dma_start3A_135, %dma_start3A_136] : memref<10240x16xf32, #tpu.memory_space<vmem_shared>> -> memref<10240x16xf32, #tpu.memory_space<vmem_shared>>
        tpu.enqueue_indirect_dma source(%dma_start3A_131 : memref<125x16xf32, #tpu.memory_space<vmem>>) target(%dma_start3A_137 : memref<10240x16xf32, #tpu.memory_space<vmem_shared>>) offsets(%dma_start3A_134 : memref<125xi32, #tpu.memory_space<vmem>>) semaphore(%run_scoped3A_128 : memref<!tpu.dma_semaphore, #tpu.memory_space<semaphore_mem>>) {add = true}
        %dma_wait3A_138 = arith.constant 0 : i32
        %dma_wait3A_139 = arith.constant 0 : i32
        %dma_wait3A_140 = tpu.memref_slice %arg8[%dma_wait3A_138, %dma_wait3A_139] : memref<128x16xf32, #tpu.memory_space<vmem>> -> memref<125x16xf32, #tpu.memory_space<vmem>>
        %dma_wait3A_141 = arith.constant 0 : i32
        %dma_wait3A_142 = tpu.memref_slice %arg7[%mul3A_63, %dma_wait3A_141] : memref<80x125xi32, #tpu.memory_space<vmem>> -> memref<1x125xi32, #tpu.memory_space<vmem>>
        %dma_wait3A_143 = tpu.memref_squeeze %dma_wait3A_142 : memref<1x125xi32, #tpu.memory_space<vmem>> -> memref<125xi32, #tpu.memory_space<vmem>>
        %dma_wait3A_144 = arith.constant 0 : i32
        %dma_wait3A_145 = arith.constant 0 : i32
        %dma_wait3A_146 = tpu.memref_slice %arg11[%dma_wait3A_144, %dma_wait3A_145] : memref<10240x16xf32, #tpu.memory_space<vmem_shared>> -> memref<10240x16xf32, #tpu.memory_space<vmem_shared>>
        tpu.wait_indirect_dma semaphore(%run_scoped3A_128 : memref<!tpu.dma_semaphore, #tpu.memory_space<semaphore_mem>>) src(%dma_wait3A_140 : memref<125x16xf32, #tpu.memory_space<vmem>>) dst(%dma_wait3A_146 : memref<10240x16xf32, #tpu.memory_space<vmem_shared>>)
        tpu.yield
      }) : () -> ()
      %add3A_84 = arith.constant 3 : i32
      %add3A_85 = arith.addi %mul3A_63, %add3A_84 : i32
      %dma_start3A_86 = arith.constant 0 : i32
      %dma_start3A_87 = arith.constant 0 : i32
      %dma_start3A_88 = tpu.memref_slice %arg8[%dma_start3A_86, %dma_start3A_87] : memref<128x16xf32, #tpu.memory_space<vmem>> -> memref<125x16xf32, #tpu.memory_space<vmem>>
      %dma_start3A_89 = arith.constant 0 : i32
      %dma_start3A_90 = tpu.memref_slice %arg6[%add3A_85, %dma_start3A_89] : memref<80x125xi32, #tpu.memory_space<vmem>> -> memref<1x125xi32, #tpu.memory_space<vmem>>
      %dma_start3A_91 = tpu.memref_squeeze %dma_start3A_90 : memref<1x125xi32, #tpu.memory_space<vmem>> -> memref<125xi32, #tpu.memory_space<vmem>>
      %dma_start3A_92 = arith.constant 0 : i32
      %dma_start3A_93 = arith.constant 0 : i32
      %dma_start3A_94 = tpu.memref_slice %arg4[%dma_start3A_92, %dma_start3A_93] : memref<10240x16xf32, #tpu.memory_space<hbm>> -> memref<10240x16xf32, #tpu.memory_space<hbm>>
      tpu.enqueue_indirect_dma source(%dma_start3A_94 : memref<10240x16xf32, #tpu.memory_space<hbm>>) target(%dma_start3A_88 : memref<125x16xf32, #tpu.memory_space<vmem>>) offsets(%dma_start3A_91 : memref<125xi32, #tpu.memory_space<vmem>>) semaphore(%arg12 : memref<!tpu.dma_semaphore, #tpu.memory_space<semaphore_mem>>)
      %add3A_95 = arith.constant 1 : i32
      %add3A_96 = arith.addi %mul3A_63, %add3A_95 : i32
      %dma_wait3A_97 = arith.constant 0 : i32
      %dma_wait3A_98 = arith.constant 0 : i32
      %dma_wait3A_99 = tpu.memref_slice %arg9[%dma_wait3A_97, %dma_wait3A_98] : memref<128x16xf32, #tpu.memory_space<vmem>> -> memref<125x16xf32, #tpu.memory_space<vmem>>
      %dma_wait3A_100 = arith.constant 0 : i32
      %dma_wait3A_101 = tpu.memref_slice %arg6[%add3A_96, %dma_wait3A_100] : memref<80x125xi32, #tpu.memory_space<vmem>> -> memref<1x125xi32, #tpu.memory_space<vmem>>
      %dma_wait3A_102 = tpu.memref_squeeze %dma_wait3A_101 : memref<1x125xi32, #tpu.memory_space<vmem>> -> memref<125xi32, #tpu.memory_space<vmem>>
      %dma_wait3A_103 = arith.constant 0 : i32
      %dma_wait3A_104 = arith.constant 0 : i32
      %dma_wait3A_105 = tpu.memref_slice %arg4[%dma_wait3A_103, %dma_wait3A_104] : memref<10240x16xf32, #tpu.memory_space<hbm>> -> memref<10240x16xf32, #tpu.memory_space<hbm>>
      tpu.wait_indirect_dma semaphore(%arg13 : memref<!tpu.dma_semaphore, #tpu.memory_space<semaphore_mem>>) src(%dma_wait3A_105 : memref<10240x16xf32, #tpu.memory_space<hbm>>) dst(%dma_wait3A_99 : memref<125x16xf32, #tpu.memory_space<vmem>>)
      "tpu.region"() ({
        %run_scoped3A_128 = tpu.sem_alloc : memref<!tpu.dma_semaphore, #tpu.memory_space<semaphore_mem>>
        %dma_start3A_129 = arith.constant 0 : i32
        %dma_start3A_130 = arith.constant 0 : i32
        %dma_start3A_131 = tpu.memref_slice %arg9[%dma_start3A_129, %dma_start3A_130] : memref<128x16xf32, #tpu.memory_space<vmem>> -> memref<125x16xf32, #tpu.memory_space<vmem>>
        %dma_start3A_132 = arith.constant 0 : i32
        %dma_start3A_133 = tpu.memref_slice %arg7[%add3A_96, %dma_start3A_132] : memref<80x125xi32, #tpu.memory_space<vmem>> -> memref<1x125xi32, #tpu.memory_space<vmem>>
        %dma_start3A_134 = tpu.memref_squeeze %dma_start3A_133 : memref<1x125xi32, #tpu.memory_space<vmem>> -> memref<125xi32, #tpu.memory_space<vmem>>
        %dma_start3A_135 = arith.constant 0 : i32
        %dma_start3A_136 = arith.constant 0 : i32
        %dma_start3A_137 = tpu.memref_slice %arg11[%dma_start3A_135, %dma_start3A_136] : memref<10240x16xf32, #tpu.memory_space<vmem_shared>> -> memref<10240x16xf32, #tpu.memory_space<vmem_shared>>
        tpu.enqueue_indirect_dma source(%dma_start3A_131 : memref<125x16xf32, #tpu.memory_space<vmem>>) target(%dma_start3A_137 : memref<10240x16xf32, #tpu.memory_space<vmem_shared>>) offsets(%dma_start3A_134 : memref<125xi32, #tpu.memory_space<vmem>>) semaphore(%run_scoped3A_128 : memref<!tpu.dma_semaphore, #tpu.memory_space<semaphore_mem>>) {add = true}
        %dma_wait3A_138 = arith.constant 0 : i32
        %dma_wait3A_139 = arith.constant 0 : i32
        %dma_wait3A_140 = tpu.memref_slice %arg9[%dma_wait3A_138, %dma_wait3A_139] : memref<128x16xf32, #tpu.memory_space<vmem>> -> memref<125x16xf32, #tpu.memory_space<vmem>>
        %dma_wait3A_141 = arith.constant 0 : i32
        %dma_wait3A_142 = tpu.memref_slice %arg7[%add3A_96, %dma_wait3A_141] : memref<80x125xi32, #tpu.memory_space<vmem>> -> memref<1x125xi32, #tpu.memory_space<vmem>>
        %dma_wait3A_143 = tpu.memref_squeeze %dma_wait3A_142 : memref<1x125xi32, #tpu.memory_space<vmem>> -> memref<125xi32, #tpu.memory_space<vmem>>
        %dma_wait3A_144 = arith.constant 0 : i32
        %dma_wait3A_145 = arith.constant 0 : i32
        %dma_wait3A_146 = tpu.memref_slice %arg11[%dma_wait3A_144, %dma_wait3A_145] : memref<10240x16xf32, #tpu.memory_space<vmem_shared>> -> memref<10240x16xf32, #tpu.memory_space<vmem_shared>>
        tpu.wait_indirect_dma semaphore(%run_scoped3A_128 : memref<!tpu.dma_semaphore, #tpu.memory_space<semaphore_mem>>) src(%dma_wait3A_140 : memref<125x16xf32, #tpu.memory_space<vmem>>) dst(%dma_wait3A_146 : memref<10240x16xf32, #tpu.memory_space<vmem_shared>>)
        tpu.yield
      }) : () -> ()
      %add3A_106 = arith.constant 4 : i32
      %add3A_107 = arith.addi %mul3A_63, %add3A_106 : i32
      %dma_start3A_108 = arith.constant 0 : i32
      %dma_start3A_109 = arith.constant 0 : i32
      %dma_start3A_110 = tpu.memref_slice %arg9[%dma_start3A_108, %dma_start3A_109] : memref<128x16xf32, #tpu.memory_space<vmem>> -> memref<125x16xf32, #tpu.memory_space<vmem>>
      %dma_start3A_111 = arith.constant 0 : i32
      %dma_start3A_112 = tpu.memref_slice %arg6[%add3A_107, %dma_start3A_111] : memref<80x125xi32, #tpu.memory_space<vmem>> -> memref<1x125xi32, #tpu.memory_space<vmem>>
      %dma_start3A_113 = tpu.memref_squeeze %dma_start3A_112 : memref<1x125xi32, #tpu.memory_space<vmem>> -> memref<125xi32, #tpu.memory_space<vmem>>
      %dma_start3A_114 = arith.constant 0 : i32
      %dma_start3A_115 = arith.constant 0 : i32
      %dma_start3A_116 = tpu.memref_slice %arg4[%dma_start3A_114, %dma_start3A_115] : memref<10240x16xf32, #tpu.memory_space<hbm>> -> memref<10240x16xf32, #tpu.memory_space<hbm>>
      tpu.enqueue_indirect_dma source(%dma_start3A_116 : memref<10240x16xf32, #tpu.memory_space<hbm>>) target(%dma_start3A_110 : memref<125x16xf32, #tpu.memory_space<vmem>>) offsets(%dma_start3A_113 : memref<125xi32, #tpu.memory_space<vmem>>) semaphore(%arg13 : memref<!tpu.dma_semaphore, #tpu.memory_space<semaphore_mem>>)
      %add3A_117 = arith.constant 2 : i32
      %add3A_118 = arith.addi %mul3A_63, %add3A_117 : i32
      %dma_wait3A_119 = arith.constant 0 : i32
      %dma_wait3A_120 = arith.constant 0 : i32
      %dma_wait3A_121 = tpu.memref_slice %arg10[%dma_wait3A_119, %dma_wait3A_120] : memref<128x16xf32, #tpu.memory_space<vmem>> -> memref<125x16xf32, #tpu.memory_space<vmem>>
      %dma_wait3A_122 = arith.constant 0 : i32
      %dma_wait3A_123 = tpu.memref_slice %arg6[%add3A_118, %dma_wait3A_122] : memref<80x125xi32, #tpu.memory_space<vmem>> -> memref<1x125xi32, #tpu.memory_space<vmem>>
      %dma_wait3A_124 = tpu.memref_squeeze %dma_wait3A_123 : memref<1x125xi32, #tpu.memory_space<vmem>> -> memref<125xi32, #tpu.memory_space<vmem>>
      %dma_wait3A_125 = arith.constant 0 : i32
      %dma_wait3A_126 = arith.constant 0 : i32
      %dma_wait3A_127 = tpu.memref_slice %arg4[%dma_wait3A_125, %dma_wait3A_126] : memref<10240x16xf32, #tpu.memory_space<hbm>> -> memref<10240x16xf32, #tpu.memory_space<hbm>>
      tpu.wait_indirect_dma semaphore(%arg14 : memref<!tpu.dma_semaphore, #tpu.memory_space<semaphore_mem>>) src(%dma_wait3A_127 : memref<10240x16xf32, #tpu.memory_space<hbm>>) dst(%dma_wait3A_121 : memref<125x16xf32, #tpu.memory_space<vmem>>)
      "tpu.region"() ({
        %run_scoped3A_128 = tpu.sem_alloc : memref<!tpu.dma_semaphore, #tpu.memory_space<semaphore_mem>>
        %dma_start3A_129 = arith.constant 0 : i32
        %dma_start3A_130 = arith.constant 0 : i32
        %dma_start3A_131 = tpu.memref_slice %arg10[%dma_start3A_129, %dma_start3A_130] : memref<128x16xf32, #tpu.memory_space<vmem>> -> memref<125x16xf32, #tpu.memory_space<vmem>>
        %dma_start3A_132 = arith.constant 0 : i32
        %dma_start3A_133 = tpu.memref_slice %arg7[%add3A_118, %dma_start3A_132] : memref<80x125xi32, #tpu.memory_space<vmem>> -> memref<1x125xi32, #tpu.memory_space<vmem>>
        %dma_start3A_134 = tpu.memref_squeeze %dma_start3A_133 : memref<1x125xi32, #tpu.memory_space<vmem>> -> memref<125xi32, #tpu.memory_space<vmem>>
        %dma_start3A_135 = arith.constant 0 : i32
        %dma_start3A_136 = arith.constant 0 : i32
        %dma_start3A_137 = tpu.memref_slice %arg11[%dma_start3A_135, %dma_start3A_136] : memref<10240x16xf32, #tpu.memory_space<vmem_shared>> -> memref<10240x16xf32, #tpu.memory_space<vmem_shared>>
        tpu.enqueue_indirect_dma source(%dma_start3A_131 : memref<125x16xf32, #tpu.memory_space<vmem>>) target(%dma_start3A_137 : memref<10240x16xf32, #tpu.memory_space<vmem_shared>>) offsets(%dma_start3A_134 : memref<125xi32, #tpu.memory_space<vmem>>) semaphore(%run_scoped3A_128 : memref<!tpu.dma_semaphore, #tpu.memory_space<semaphore_mem>>) {add = true}
        %dma_wait3A_138 = arith.constant 0 : i32
        %dma_wait3A_139 = arith.constant 0 : i32
        %dma_wait3A_140 = tpu.memref_slice %arg10[%dma_wait3A_138, %dma_wait3A_139] : memref<128x16xf32, #tpu.memory_space<vmem>> -> memref<125x16xf32, #tpu.memory_space<vmem>>
        %dma_wait3A_141 = arith.constant 0 : i32
        %dma_wait3A_142 = tpu.memref_slice %arg7[%add3A_118, %dma_wait3A_141] : memref<80x125xi32, #tpu.memory_space<vmem>> -> memref<1x125xi32, #tpu.memory_space<vmem>>
        %dma_wait3A_143 = tpu.memref_squeeze %dma_wait3A_142 : memref<1x125xi32, #tpu.memory_space<vmem>> -> memref<125xi32, #tpu.memory_space<vmem>>
        %dma_wait3A_144 = arith.constant 0 : i32
        %dma_wait3A_145 = arith.constant 0 : i32
        %dma_wait3A_146 = tpu.memref_slice %arg11[%dma_wait3A_144, %dma_wait3A_145] : memref<10240x16xf32, #tpu.memory_space<vmem_shared>> -> memref<10240x16xf32, #tpu.memory_space<vmem_shared>>
        tpu.wait_indirect_dma semaphore(%run_scoped3A_128 : memref<!tpu.dma_semaphore, #tpu.memory_space<semaphore_mem>>) src(%dma_wait3A_140 : memref<125x16xf32, #tpu.memory_space<vmem>>) dst(%dma_wait3A_146 : memref<10240x16xf32, #tpu.memory_space<vmem_shared>>)
        tpu.yield
      }) : () -> ()
    }
    %scan3A_35 = arith.constant 26 : i32
    %dma_wait3A = arith.constant 78 : i32
    %dma_wait3A_36 = arith.constant 0 : i32
    %dma_wait3A_37 = arith.constant 0 : i32
    %dma_wait3A_38 = tpu.memref_slice %arg8[%dma_wait3A_36, %dma_wait3A_37] : memref<128x16xf32, #tpu.memory_space<vmem>> -> memref<125x16xf32, #tpu.memory_space<vmem>>
    %dma_wait3A_39 = arith.constant 0 : i32
    %dma_wait3A_40 = tpu.memref_slice %arg6[%dma_wait3A, %dma_wait3A_39] : memref<80x125xi32, #tpu.memory_space<vmem>> -> memref<1x125xi32, #tpu.memory_space<vmem>>
    %dma_wait3A_41 = tpu.memref_squeeze %dma_wait3A_40 : memref<1x125xi32, #tpu.memory_space<vmem>> -> memref<125xi32, #tpu.memory_space<vmem>>
    %dma_wait3A_42 = arith.constant 0 : i32
    %dma_wait3A_43 = arith.constant 0 : i32
    %dma_wait3A_44 = tpu.memref_slice %arg4[%dma_wait3A_42, %dma_wait3A_43] : memref<10240x16xf32, #tpu.memory_space<hbm>> -> memref<10240x16xf32, #tpu.memory_space<hbm>>
    tpu.wait_indirect_dma semaphore(%arg12 : memref<!tpu.dma_semaphore, #tpu.memory_space<semaphore_mem>>) src(%dma_wait3A_44 : memref<10240x16xf32, #tpu.memory_space<hbm>>) dst(%dma_wait3A_38 : memref<125x16xf32, #tpu.memory_space<vmem>>)
    %run_scoped3A = arith.constant 78 : i32
    "tpu.region"() ({
      %run_scoped3A_57 = tpu.sem_alloc : memref<!tpu.dma_semaphore, #tpu.memory_space<semaphore_mem>>
      %dma_start3A_58 = arith.constant 0 : i32
      %dma_start3A_59 = arith.constant 0 : i32
      %dma_start3A_60 = tpu.memref_slice %arg8[%dma_start3A_58, %dma_start3A_59] : memref<128x16xf32, #tpu.memory_space<vmem>> -> memref<125x16xf32, #tpu.memory_space<vmem>>
      %dma_start3A_61 = arith.constant 0 : i32
      %dma_start3A_62 = tpu.memref_slice %arg7[%run_scoped3A, %dma_start3A_61] : memref<80x125xi32, #tpu.memory_space<vmem>> -> memref<1x125xi32, #tpu.memory_space<vmem>>
      %dma_start3A_63 = tpu.memref_squeeze %dma_start3A_62 : memref<1x125xi32, #tpu.memory_space<vmem>> -> memref<125xi32, #tpu.memory_space<vmem>>
      %dma_start3A_64 = arith.constant 0 : i32
      %dma_start3A_65 = arith.constant 0 : i32
      %dma_start3A_66 = tpu.memref_slice %arg11[%dma_start3A_64, %dma_start3A_65] : memref<10240x16xf32, #tpu.memory_space<vmem_shared>> -> memref<10240x16xf32, #tpu.memory_space<vmem_shared>>
      tpu.enqueue_indirect_dma source(%dma_start3A_60 : memref<125x16xf32, #tpu.memory_space<vmem>>) target(%dma_start3A_66 : memref<10240x16xf32, #tpu.memory_space<vmem_shared>>) offsets(%dma_start3A_63 : memref<125xi32, #tpu.memory_space<vmem>>) semaphore(%run_scoped3A_57 : memref<!tpu.dma_semaphore, #tpu.memory_space<semaphore_mem>>) {add = true}
      %dma_wait3A_67 = arith.constant 0 : i32
      %dma_wait3A_68 = arith.constant 0 : i32
      %dma_wait3A_69 = tpu.memref_slice %arg8[%dma_wait3A_67, %dma_wait3A_68] : memref<128x16xf32, #tpu.memory_space<vmem>> -> memref<125x16xf32, #tpu.memory_space<vmem>>
      %dma_wait3A_70 = arith.constant 0 : i32
      %dma_wait3A_71 = tpu.memref_slice %arg7[%run_scoped3A, %dma_wait3A_70] : memref<80x125xi32, #tpu.memory_space<vmem>> -> memref<1x125xi32, #tpu.memory_space<vmem>>
      %dma_wait3A_72 = tpu.memref_squeeze %dma_wait3A_71 : memref<1x125xi32, #tpu.memory_space<vmem>> -> memref<125xi32, #tpu.memory_space<vmem>>
      %dma_wait3A_73 = arith.constant 0 : i32
      %dma_wait3A_74 = arith.constant 0 : i32
      %dma_wait3A_75 = tpu.memref_slice %arg11[%dma_wait3A_73, %dma_wait3A_74] : memref<10240x16xf32, #tpu.memory_space<vmem_shared>> -> memref<10240x16xf32, #tpu.memory_space<vmem_shared>>
      tpu.wait_indirect_dma semaphore(%run_scoped3A_57 : memref<!tpu.dma_semaphore, #tpu.memory_space<semaphore_mem>>) src(%dma_wait3A_69 : memref<125x16xf32, #tpu.memory_space<vmem>>) dst(%dma_wait3A_75 : memref<10240x16xf32, #tpu.memory_space<vmem_shared>>)
      tpu.yield
    }) : () -> ()
    %dma_wait3A_45 = arith.constant 79 : i32
    %dma_wait3A_46 = arith.constant 0 : i32
    %dma_wait3A_47 = arith.constant 0 : i32
    %dma_wait3A_48 = tpu.memref_slice %arg9[%dma_wait3A_46, %dma_wait3A_47] : memref<128x16xf32, #tpu.memory_space<vmem>> -> memref<125x16xf32, #tpu.memory_space<vmem>>
    %dma_wait3A_49 = arith.constant 0 : i32
    %dma_wait3A_50 = tpu.memref_slice %arg6[%dma_wait3A_45, %dma_wait3A_49] : memref<80x125xi32, #tpu.memory_space<vmem>> -> memref<1x125xi32, #tpu.memory_space<vmem>>
    %dma_wait3A_51 = tpu.memref_squeeze %dma_wait3A_50 : memref<1x125xi32, #tpu.memory_space<vmem>> -> memref<125xi32, #tpu.memory_space<vmem>>
    %dma_wait3A_52 = arith.constant 0 : i32
    %dma_wait3A_53 = arith.constant 0 : i32
    %dma_wait3A_54 = tpu.memref_slice %arg4[%dma_wait3A_52, %dma_wait3A_53] : memref<10240x16xf32, #tpu.memory_space<hbm>> -> memref<10240x16xf32, #tpu.memory_space<hbm>>
    tpu.wait_indirect_dma semaphore(%arg13 : memref<!tpu.dma_semaphore, #tpu.memory_space<semaphore_mem>>) src(%dma_wait3A_54 : memref<10240x16xf32, #tpu.memory_space<hbm>>) dst(%dma_wait3A_48 : memref<125x16xf32, #tpu.memory_space<vmem>>)
    %run_scoped3A_55 = arith.constant 79 : i32
    "tpu.region"() ({
      %run_scoped3A_57 = tpu.sem_alloc : memref<!tpu.dma_semaphore, #tpu.memory_space<semaphore_mem>>
      %dma_start3A_58 = arith.constant 0 : i32
      %dma_start3A_59 = arith.constant 0 : i32
      %dma_start3A_60 = tpu.memref_slice %arg9[%dma_start3A_58, %dma_start3A_59] : memref<128x16xf32, #tpu.memory_space<vmem>> -> memref<125x16xf32, #tpu.memory_space<vmem>>
      %dma_start3A_61 = arith.constant 0 : i32
      %dma_start3A_62 = tpu.memref_slice %arg7[%run_scoped3A_55, %dma_start3A_61] : memref<80x125xi32, #tpu.memory_space<vmem>> -> memref<1x125xi32, #tpu.memory_space<vmem>>
      %dma_start3A_63 = tpu.memref_squeeze %dma_start3A_62 : memref<1x125xi32, #tpu.memory_space<vmem>> -> memref<125xi32, #tpu.memory_space<vmem>>
      %dma_start3A_64 = arith.constant 0 : i32
      %dma_start3A_65 = arith.constant 0 : i32
      %dma_start3A_66 = tpu.memref_slice %arg11[%dma_start3A_64, %dma_start3A_65] : memref<10240x16xf32, #tpu.memory_space<vmem_shared>> -> memref<10240x16xf32, #tpu.memory_space<vmem_shared>>
      tpu.enqueue_indirect_dma source(%dma_start3A_60 : memref<125x16xf32, #tpu.memory_space<vmem>>) target(%dma_start3A_66 : memref<10240x16xf32, #tpu.memory_space<vmem_shared>>) offsets(%dma_start3A_63 : memref<125xi32, #tpu.memory_space<vmem>>) semaphore(%run_scoped3A_57 : memref<!tpu.dma_semaphore, #tpu.memory_space<semaphore_mem>>) {add = true}
      %dma_wait3A_67 = arith.constant 0 : i32
      %dma_wait3A_68 = arith.constant 0 : i32
      %dma_wait3A_69 = tpu.memref_slice %arg9[%dma_wait3A_67, %dma_wait3A_68] : memref<128x16xf32, #tpu.memory_space<vmem>> -> memref<125x16xf32, #tpu.memory_space<vmem>>
      %dma_wait3A_70 = arith.constant 0 : i32
      %dma_wait3A_71 = tpu.memref_slice %arg7[%run_scoped3A_55, %dma_wait3A_70] : memref<80x125xi32, #tpu.memory_space<vmem>> -> memref<1x125xi32, #tpu.memory_space<vmem>>
      %dma_wait3A_72 = tpu.memref_squeeze %dma_wait3A_71 : memref<1x125xi32, #tpu.memory_space<vmem>> -> memref<125xi32, #tpu.memory_space<vmem>>
      %dma_wait3A_73 = arith.constant 0 : i32
      %dma_wait3A_74 = arith.constant 0 : i32
      %dma_wait3A_75 = tpu.memref_slice %arg11[%dma_wait3A_73, %dma_wait3A_74] : memref<10240x16xf32, #tpu.memory_space<vmem_shared>> -> memref<10240x16xf32, #tpu.memory_space<vmem_shared>>
      tpu.wait_indirect_dma semaphore(%run_scoped3A_57 : memref<!tpu.dma_semaphore, #tpu.memory_space<semaphore_mem>>) src(%dma_wait3A_69 : memref<125x16xf32, #tpu.memory_space<vmem>>) dst(%dma_wait3A_75 : memref<10240x16xf32, #tpu.memory_space<vmem_shared>>)
      tpu.yield
    }) : () -> ()
    %barrier3A_56 = arith.constant 0 : index
    tpu.barrier barrier_id(%barrier3A_56)
    "tpu.region"() ({
      %run_scoped3A_57 = tpu.sem_alloc : memref<!tpu.dma_semaphore, #tpu.memory_space<semaphore_mem>>
      %dma_start3A_58 = arith.constant 0 : i32
      %dma_start3A_59 = arith.constant 0 : i32
      %dma_start3A_60 = tpu.memref_slice %arg5[%arg0, %arg1, %dma_start3A_58, %dma_start3A_59] : memref<2x16x640x16xf32, #tpu.memory_space<hbm>> -> memref<1x1x640x16xf32, #tpu.memory_space<hbm>>
      %dma_start3A_61 = tpu.memref_squeeze %dma_start3A_60 : memref<1x1x640x16xf32, #tpu.memory_space<hbm>> -> memref<640x16xf32, #tpu.memory_space<hbm>>
      %dma_start3A_62 = arith.constant 0 : i32
      %dma_start3A_63 = tpu.memref_slice %arg11[%mul3A_2, %dma_start3A_62] : memref<10240x16xf32, #tpu.memory_space<vmem_shared>> -> memref<640x16xf32, #tpu.memory_space<vmem_shared>>
      tpu.enqueue_dma source(%dma_start3A_63 : memref<640x16xf32, #tpu.memory_space<vmem_shared>>) target(%dma_start3A_61 : memref<640x16xf32, #tpu.memory_space<hbm>>) target_semaphore(%run_scoped3A_57 : memref<!tpu.dma_semaphore, #tpu.memory_space<semaphore_mem>>)
      %dma_wait3A_64 = arith.constant 0 : i32
      %dma_wait3A_65 = arith.constant 0 : i32
      %dma_wait3A_66 = tpu.memref_slice %arg5[%arg0, %arg1, %dma_wait3A_64, %dma_wait3A_65] : memref<2x16x640x16xf32, #tpu.memory_space<hbm>> -> memref<1x1x640x16xf32, #tpu.memory_space<hbm>>
      %dma_wait3A_67 = tpu.memref_squeeze %dma_wait3A_66 : memref<1x1x640x16xf32, #tpu.memory_space<hbm>> -> memref<640x16xf32, #tpu.memory_space<hbm>>
      %dma_wait3A_68 = arith.constant 0 : i32
      %dma_wait3A_69 = tpu.memref_slice %arg11[%mul3A_2, %dma_wait3A_68] : memref<10240x16xf32, #tpu.memory_space<vmem_shared>> -> memref<640x16xf32, #tpu.memory_space<vmem_shared>>
      tpu.wait_dma2 semaphore(%run_scoped3A_57 : memref<!tpu.dma_semaphore, #tpu.memory_space<semaphore_mem>>) src(%dma_wait3A_69 : memref<640x16xf32, #tpu.memory_space<vmem_shared>>) dst(%dma_wait3A_67 : memref<640x16xf32, #tpu.memory_space<hbm>>)
      tpu.yield
    }) : () -> ()
    return
  }
}

#map = affine_map<(d0, d1) -> (0, 0, 0, 0)>
#map1 = affine_map<(d0, d1) -> (0, 0)>
module attributes {stable_mosaic.version = 14 : i64} {
  func.func @spmm(%arg0: i32, %arg1: i32, %arg2: memref<32x5x20x100xi32, #tpu.memory_space<hbm>>, %arg3: memref<32x5x20x100xi32, #tpu.memory_space<hbm>>, %arg4: memref<10000x128xf32, #tpu.memory_space<hbm>>, %arg5: memref<2x16x640x128xf32, #tpu.memory_space<hbm>>, %arg6: memref<20x100xi32, #tpu.memory_space<vmem>>, %arg7: memref<20x100xi32, #tpu.memory_space<vmem>>, %arg8: memref<100x128xf32, #tpu.memory_space<vmem>>, %arg9: memref<100x128xf32, #tpu.memory_space<vmem>>, %arg10: memref<100x128xf32, #tpu.memory_space<vmem>>, %arg11: memref<10240x128xf32, #tpu.memory_space<vmem_shared>>, %arg12: memref<!tpu.dma_semaphore, #tpu.memory_space<semaphore_mem>>, %arg13: memref<!tpu.dma_semaphore, #tpu.memory_space<semaphore_mem>>, %arg14: memref<!tpu.dma_semaphore, #tpu.memory_space<semaphore_mem>>) attributes {dimension_semantics = [#tpu.dimension_semantics<core_parallel>, #tpu.dimension_semantics<subcore_parallel>], iteration_bounds = array<i64: 2, 16>, scalar_prefetch = 0 : i64, scratch_operands = 9 : i64, tpu.core_type = #tpu.core_type<sc_vector_subcore>, window_params = [{transform_indices = #map}, {transform_indices = #map}, {transform_indices = #map1}, {transform_indices = #map}]} {
    %mul3A = arith.constant 16 : i32
    %mul3A_0 = arith.muli %arg0, %mul3A : i32
    %add3A = arith.addi %mul3A_0, %arg1 : i32
    %mul3A_1 = arith.constant 640 : i32
    %mul3A_2 = arith.muli %arg1, %mul3A_1 : i32
    %scan3A = arith.constant 0 : i32
    %scan3A_3 = arith.constant 100 : i32
    %scan3A_4 = arith.addi %scan3A, %scan3A_3 : i32
    %scan3A_5 = arith.constant 1 : i32
    scf.for %scan3A_199 = %scan3A to %scan3A_4 step %scan3A_5  : i32 {
      %mul3A_200 = arith.constant 1 : i32
      %mul3A_201 = arith.muli %scan3A_199, %mul3A_200 : i32
      %add3A_202 = arith.constant 0 : i32
      %add3A_203 = arith.addi %add3A_202, %mul3A_201 : i32
      %scan3A_204 = arith.constant 0 : i32
      %scan3A_205 = arith.constant 8 : i32
      %scan3A_206 = arith.addi %scan3A_204, %scan3A_205 : i32
      %scan3A_207 = arith.constant 1 : i32
      scf.for %scan3A_209 = %scan3A_204 to %scan3A_206 step %scan3A_207  : i32 {
        %mul3A_210 = arith.constant 16 : i32
        %mul3A_211 = arith.muli %scan3A_209, %mul3A_210 : i32
        %add3A_212 = arith.constant 0 : i32
        %add3A_213 = arith.addi %add3A_212, %mul3A_211 : i32
        %broadcast_in_dim3A = arith.constant 0.000000e+00 : f32
        %broadcast_in_dim3A_214 = vector.broadcast %broadcast_in_dim3A : f32 to vector<16xf32>
        %swap3A = arith.index_cast %add3A_203 : i32 to index
        %swap3A_215 = arith.index_cast %add3A_213 : i32 to index
        %swap3A_216 = tpu.vector_load %arg8[%swap3A, %swap3A_215] {strides = array<i32>} : memref<100x128xf32, #tpu.memory_space<vmem>>, vector<1x16xf32>,
        %swap3A_217 = vector.shape_cast %swap3A_216 : vector<1x16xf32> to vector<16xf32>
        %swap3A_218 = vector.shape_cast %broadcast_in_dim3A_214 : vector<16xf32> to vector<1x16xf32>
        tpu.vector_store %arg8[%swap3A, %swap3A_215], %swap3A_218 {strides = array<i32>} : memref<100x128xf32, #tpu.memory_space<vmem>>, vector<1x16xf32>,
      }
      %scan3A_208 = arith.constant 8 : i32
    }
    %scan3A_6 = arith.constant 100 : i32
    %scan3A_7 = arith.constant 0 : i32
    %scan3A_8 = arith.constant 6 : i32
    %scan3A_9 = arith.addi %scan3A_7, %scan3A_8 : i32
    %scan3A_10 = arith.constant 1 : i32
    scf.for %scan3A_199 = %scan3A_7 to %scan3A_9 step %scan3A_10  : i32 {
      %mul3A_200 = arith.constant 1 : i32
      %mul3A_201 = arith.muli %scan3A_199, %mul3A_200 : i32
      %add3A_202 = arith.constant 0 : i32
      %add3A_203 = arith.addi %add3A_202, %mul3A_201 : i32
      %mul3A_204 = arith.constant 640 : i32
      %mul3A_205 = arith.muli %arg1, %mul3A_204 : i32
      %mul3A_206 = arith.constant 100 : i32
      %mul3A_207 = arith.muli %add3A_203, %mul3A_206 : i32
      %add3A_208 = arith.addi %mul3A_205, %mul3A_207 : i32
      "tpu.region"() ({
        %run_scoped3A_209 = tpu.sem_alloc : memref<!tpu.dma_semaphore, #tpu.memory_space<semaphore_mem>>
        %dma_start3A_210 = arith.constant 0 : i32
        %dma_start3A_211 = tpu.memref_slice %arg11[%add3A_208, %dma_start3A_210] : memref<10240x128xf32, #tpu.memory_space<vmem_shared>> -> memref<100x128xf32, #tpu.memory_space<vmem_shared>>
        %dma_start3A_212 = arith.constant 0 : i32
        %dma_start3A_213 = tpu.memref_slice %arg11[%add3A_208, %dma_start3A_212] : memref<10240x128xf32, #tpu.memory_space<vmem_shared>> -> memref<100x128xf32, #tpu.memory_space<vmem_shared>>
        tpu.enqueue_dma source(%arg8 : memref<100x128xf32, #tpu.memory_space<vmem>>) target(%dma_start3A_213 : memref<100x128xf32, #tpu.memory_space<vmem_shared>>) target_semaphore(%run_scoped3A_209 : memref<!tpu.dma_semaphore, #tpu.memory_space<semaphore_mem>>)
        %dma_wait3A_214 = arith.constant 0 : i32
        %dma_wait3A_215 = tpu.memref_slice %arg11[%add3A_208, %dma_wait3A_214] : memref<10240x128xf32, #tpu.memory_space<vmem_shared>> -> memref<100x128xf32, #tpu.memory_space<vmem_shared>>
        %dma_wait3A_216 = arith.constant 0 : i32
        %dma_wait3A_217 = tpu.memref_slice %arg11[%add3A_208, %dma_wait3A_216] : memref<10240x128xf32, #tpu.memory_space<vmem_shared>> -> memref<100x128xf32, #tpu.memory_space<vmem_shared>>
        tpu.wait_dma2 semaphore(%run_scoped3A_209 : memref<!tpu.dma_semaphore, #tpu.memory_space<semaphore_mem>>) src(%arg8 : memref<100x128xf32, #tpu.memory_space<vmem>>) dst(%dma_wait3A_217 : memref<100x128xf32, #tpu.memory_space<vmem_shared>>)
        tpu.yield
      }) : () -> ()
    }
    %scan3A_11 = arith.constant 6 : i32
    %mul3A_12 = arith.constant 640 : i32
    %mul3A_13 = arith.muli %arg1, %mul3A_12 : i32
    %add3A_14 = arith.constant 600 : i32
    %add3A_15 = arith.addi %mul3A_13, %add3A_14 : i32
    "tpu.region"() ({
      %run_scoped3A_199 = tpu.sem_alloc : memref<!tpu.dma_semaphore, #tpu.memory_space<semaphore_mem>>
      %dma_start3A_200 = arith.constant 0 : i32
      %dma_start3A_201 = arith.constant 0 : i32
      %dma_start3A_202 = tpu.memref_slice %arg8[%dma_start3A_200, %dma_start3A_201] : memref<100x128xf32, #tpu.memory_space<vmem>> -> memref<40x128xf32, #tpu.memory_space<vmem>>
      %dma_start3A_203 = arith.constant 0 : i32
      %dma_start3A_204 = tpu.memref_slice %arg11[%add3A_15, %dma_start3A_203] : memref<10240x128xf32, #tpu.memory_space<vmem_shared>> -> memref<40x128xf32, #tpu.memory_space<vmem_shared>>
      %dma_start3A_205 = arith.constant 0 : i32
      %dma_start3A_206 = tpu.memref_slice %arg11[%add3A_15, %dma_start3A_205] : memref<10240x128xf32, #tpu.memory_space<vmem_shared>> -> memref<40x128xf32, #tpu.memory_space<vmem_shared>>
      %dma_start3A_207 = arith.constant 0 : i32
      %dma_start3A_208 = arith.constant 0 : i32
      %dma_start3A_209 = tpu.memref_slice %arg8[%dma_start3A_207, %dma_start3A_208] : memref<100x128xf32, #tpu.memory_space<vmem>> -> memref<40x128xf32, #tpu.memory_space<vmem>>
      tpu.enqueue_dma source(%dma_start3A_209 : memref<40x128xf32, #tpu.memory_space<vmem>>) target(%dma_start3A_206 : memref<40x128xf32, #tpu.memory_space<vmem_shared>>) target_semaphore(%run_scoped3A_199 : memref<!tpu.dma_semaphore, #tpu.memory_space<semaphore_mem>>)
      %dma_wait3A_210 = arith.constant 0 : i32
      %dma_wait3A_211 = arith.constant 0 : i32
      %dma_wait3A_212 = tpu.memref_slice %arg8[%dma_wait3A_210, %dma_wait3A_211] : memref<100x128xf32, #tpu.memory_space<vmem>> -> memref<40x128xf32, #tpu.memory_space<vmem>>
      %dma_wait3A_213 = arith.constant 0 : i32
      %dma_wait3A_214 = tpu.memref_slice %arg11[%add3A_15, %dma_wait3A_213] : memref<10240x128xf32, #tpu.memory_space<vmem_shared>> -> memref<40x128xf32, #tpu.memory_space<vmem_shared>>
      %dma_wait3A_215 = arith.constant 0 : i32
      %dma_wait3A_216 = tpu.memref_slice %arg11[%add3A_15, %dma_wait3A_215] : memref<10240x128xf32, #tpu.memory_space<vmem_shared>> -> memref<40x128xf32, #tpu.memory_space<vmem_shared>>
      %dma_wait3A_217 = arith.constant 0 : i32
      %dma_wait3A_218 = arith.constant 0 : i32
      %dma_wait3A_219 = tpu.memref_slice %arg8[%dma_wait3A_217, %dma_wait3A_218] : memref<100x128xf32, #tpu.memory_space<vmem>> -> memref<40x128xf32, #tpu.memory_space<vmem>>
      tpu.wait_dma2 semaphore(%run_scoped3A_199 : memref<!tpu.dma_semaphore, #tpu.memory_space<semaphore_mem>>) src(%dma_wait3A_219 : memref<40x128xf32, #tpu.memory_space<vmem>>) dst(%dma_wait3A_216 : memref<40x128xf32, #tpu.memory_space<vmem_shared>>)
      tpu.yield
    }) : () -> ()
    %barrier3A = arith.constant 0 : index
    tpu.barrier barrier_id(%barrier3A)
    %run_scoped3A = arith.constant 0 : i32
    "tpu.region"() ({
      %run_scoped3A_199 = tpu.sem_alloc : memref<!tpu.dma_semaphore, #tpu.memory_space<semaphore_mem>>
      %dma_start3A_200 = arith.constant 0 : i32
      %dma_start3A_201 = arith.constant 0 : i32
      %dma_start3A_202 = tpu.memref_slice %arg2[%add3A, %run_scoped3A, %dma_start3A_200, %dma_start3A_201] : memref<32x5x20x100xi32, #tpu.memory_space<hbm>> -> memref<1x1x20x100xi32, #tpu.memory_space<hbm>>
      %dma_start3A_203 = tpu.memref_squeeze %dma_start3A_202 : memref<1x1x20x100xi32, #tpu.memory_space<hbm>> -> memref<20x100xi32, #tpu.memory_space<hbm>>
      %dma_start3A_204 = arith.constant 0 : i32
      %dma_start3A_205 = arith.constant 0 : i32
      %dma_start3A_206 = tpu.memref_slice %arg2[%add3A, %run_scoped3A, %dma_start3A_204, %dma_start3A_205] : memref<32x5x20x100xi32, #tpu.memory_space<hbm>> -> memref<1x1x20x100xi32, #tpu.memory_space<hbm>>
      %dma_start3A_207 = tpu.memref_squeeze %dma_start3A_206 : memref<1x1x20x100xi32, #tpu.memory_space<hbm>> -> memref<20x100xi32, #tpu.memory_space<hbm>>
      tpu.enqueue_dma source(%dma_start3A_207 : memref<20x100xi32, #tpu.memory_space<hbm>>) target(%arg6 : memref<20x100xi32, #tpu.memory_space<vmem>>) target_semaphore(%run_scoped3A_199 : memref<!tpu.dma_semaphore, #tpu.memory_space<semaphore_mem>>)
      %dma_wait3A_208 = arith.constant 0 : i32
      %dma_wait3A_209 = arith.constant 0 : i32
      %dma_wait3A_210 = tpu.memref_slice %arg2[%add3A, %run_scoped3A, %dma_wait3A_208, %dma_wait3A_209] : memref<32x5x20x100xi32, #tpu.memory_space<hbm>> -> memref<1x1x20x100xi32, #tpu.memory_space<hbm>>
      %dma_wait3A_211 = tpu.memref_squeeze %dma_wait3A_210 : memref<1x1x20x100xi32, #tpu.memory_space<hbm>> -> memref<20x100xi32, #tpu.memory_space<hbm>>
      %dma_wait3A_212 = arith.constant 0 : i32
      %dma_wait3A_213 = arith.constant 0 : i32
      %dma_wait3A_214 = tpu.memref_slice %arg2[%add3A, %run_scoped3A, %dma_wait3A_212, %dma_wait3A_213] : memref<32x5x20x100xi32, #tpu.memory_space<hbm>> -> memref<1x1x20x100xi32, #tpu.memory_space<hbm>>
      %dma_wait3A_215 = tpu.memref_squeeze %dma_wait3A_214 : memref<1x1x20x100xi32, #tpu.memory_space<hbm>> -> memref<20x100xi32, #tpu.memory_space<hbm>>
      tpu.wait_dma2 semaphore(%run_scoped3A_199 : memref<!tpu.dma_semaphore, #tpu.memory_space<semaphore_mem>>) src(%dma_wait3A_215 : memref<20x100xi32, #tpu.memory_space<hbm>>) dst(%arg6 : memref<20x100xi32, #tpu.memory_space<vmem>>)
      tpu.yield
    }) : () -> ()
    %run_scoped3A_16 = arith.constant 0 : i32
    "tpu.region"() ({
      %run_scoped3A_199 = tpu.sem_alloc : memref<!tpu.dma_semaphore, #tpu.memory_space<semaphore_mem>>
      %dma_start3A_200 = arith.constant 0 : i32
      %dma_start3A_201 = arith.constant 0 : i32
      %dma_start3A_202 = tpu.memref_slice %arg3[%add3A, %run_scoped3A_16, %dma_start3A_200, %dma_start3A_201] : memref<32x5x20x100xi32, #tpu.memory_space<hbm>> -> memref<1x1x20x100xi32, #tpu.memory_space<hbm>>
      %dma_start3A_203 = tpu.memref_squeeze %dma_start3A_202 : memref<1x1x20x100xi32, #tpu.memory_space<hbm>> -> memref<20x100xi32, #tpu.memory_space<hbm>>
      %dma_start3A_204 = arith.constant 0 : i32
      %dma_start3A_205 = arith.constant 0 : i32
      %dma_start3A_206 = tpu.memref_slice %arg3[%add3A, %run_scoped3A_16, %dma_start3A_204, %dma_start3A_205] : memref<32x5x20x100xi32, #tpu.memory_space<hbm>> -> memref<1x1x20x100xi32, #tpu.memory_space<hbm>>
      %dma_start3A_207 = tpu.memref_squeeze %dma_start3A_206 : memref<1x1x20x100xi32, #tpu.memory_space<hbm>> -> memref<20x100xi32, #tpu.memory_space<hbm>>
      tpu.enqueue_dma source(%dma_start3A_207 : memref<20x100xi32, #tpu.memory_space<hbm>>) target(%arg7 : memref<20x100xi32, #tpu.memory_space<vmem>>) target_semaphore(%run_scoped3A_199 : memref<!tpu.dma_semaphore, #tpu.memory_space<semaphore_mem>>)
      %dma_wait3A_208 = arith.constant 0 : i32
      %dma_wait3A_209 = arith.constant 0 : i32
      %dma_wait3A_210 = tpu.memref_slice %arg3[%add3A, %run_scoped3A_16, %dma_wait3A_208, %dma_wait3A_209] : memref<32x5x20x100xi32, #tpu.memory_space<hbm>> -> memref<1x1x20x100xi32, #tpu.memory_space<hbm>>
      %dma_wait3A_211 = tpu.memref_squeeze %dma_wait3A_210 : memref<1x1x20x100xi32, #tpu.memory_space<hbm>> -> memref<20x100xi32, #tpu.memory_space<hbm>>
      %dma_wait3A_212 = arith.constant 0 : i32
      %dma_wait3A_213 = arith.constant 0 : i32
      %dma_wait3A_214 = tpu.memref_slice %arg3[%add3A, %run_scoped3A_16, %dma_wait3A_212, %dma_wait3A_213] : memref<32x5x20x100xi32, #tpu.memory_space<hbm>> -> memref<1x1x20x100xi32, #tpu.memory_space<hbm>>
      %dma_wait3A_215 = tpu.memref_squeeze %dma_wait3A_214 : memref<1x1x20x100xi32, #tpu.memory_space<hbm>> -> memref<20x100xi32, #tpu.memory_space<hbm>>
      tpu.wait_dma2 semaphore(%run_scoped3A_199 : memref<!tpu.dma_semaphore, #tpu.memory_space<semaphore_mem>>) src(%dma_wait3A_215 : memref<20x100xi32, #tpu.memory_space<hbm>>) dst(%arg7 : memref<20x100xi32, #tpu.memory_space<vmem>>)
      tpu.yield
    }) : () -> ()
    %dma_start3A = arith.constant 0 : i32
    %dma_start3A_17 = arith.constant 0 : i32
    %dma_start3A_18 = tpu.memref_slice %arg6[%dma_start3A, %dma_start3A_17] : memref<20x100xi32, #tpu.memory_space<vmem>> -> memref<1x100xi32, #tpu.memory_space<vmem>>
    %dma_start3A_19 = tpu.memref_squeeze %dma_start3A_18 : memref<1x100xi32, #tpu.memory_space<vmem>> -> memref<100xi32, #tpu.memory_space<vmem>>
    %dma_start3A_20 = arith.constant 0 : i32
    %dma_start3A_21 = arith.constant 0 : i32
    %dma_start3A_22 = tpu.memref_slice %arg4[%dma_start3A_20, %dma_start3A_21] : memref<10000x128xf32, #tpu.memory_space<hbm>> -> memref<10000x128xf32, #tpu.memory_space<hbm>>
    tpu.enqueue_indirect_dma source(%dma_start3A_22 : memref<10000x128xf32, #tpu.memory_space<hbm>>) target(%arg8 : memref<100x128xf32, #tpu.memory_space<vmem>>) offsets(%dma_start3A_19 : memref<100xi32, #tpu.memory_space<vmem>>) semaphore(%arg12 : memref<!tpu.dma_semaphore, #tpu.memory_space<semaphore_mem>>)
    %dma_start3A_23 = arith.constant 1 : i32
    %dma_start3A_24 = arith.constant 0 : i32
    %dma_start3A_25 = tpu.memref_slice %arg6[%dma_start3A_23, %dma_start3A_24] : memref<20x100xi32, #tpu.memory_space<vmem>> -> memref<1x100xi32, #tpu.memory_space<vmem>>
    %dma_start3A_26 = tpu.memref_squeeze %dma_start3A_25 : memref<1x100xi32, #tpu.memory_space<vmem>> -> memref<100xi32, #tpu.memory_space<vmem>>
    %dma_start3A_27 = arith.constant 0 : i32
    %dma_start3A_28 = arith.constant 0 : i32
    %dma_start3A_29 = tpu.memref_slice %arg4[%dma_start3A_27, %dma_start3A_28] : memref<10000x128xf32, #tpu.memory_space<hbm>> -> memref<10000x128xf32, #tpu.memory_space<hbm>>
    tpu.enqueue_indirect_dma source(%dma_start3A_29 : memref<10000x128xf32, #tpu.memory_space<hbm>>) target(%arg9 : memref<100x128xf32, #tpu.memory_space<vmem>>) offsets(%dma_start3A_26 : memref<100xi32, #tpu.memory_space<vmem>>) semaphore(%arg13 : memref<!tpu.dma_semaphore, #tpu.memory_space<semaphore_mem>>)
    %scan3A_30 = arith.constant 0 : i32
    %scan3A_31 = arith.constant 6 : i32
    %scan3A_32 = arith.addi %scan3A_30, %scan3A_31 : i32
    %scan3A_33 = arith.constant 1 : i32
    scf.for %scan3A_199 = %scan3A_30 to %scan3A_32 step %scan3A_33  : i32 {
      %mul3A_200 = arith.constant 1 : i32
      %mul3A_201 = arith.muli %scan3A_199, %mul3A_200 : i32
      %add3A_202 = arith.constant 0 : i32
      %add3A_203 = arith.addi %add3A_202, %mul3A_201 : i32
      %mul3A_204 = arith.constant 3 : i32
      %mul3A_205 = arith.muli %mul3A_204, %add3A_203 : i32
      %add3A_206 = arith.constant 2 : i32
      %add3A_207 = arith.addi %mul3A_205, %add3A_206 : i32
      %dma_start3A_208 = arith.constant 0 : i32
      %dma_start3A_209 = tpu.memref_slice %arg6[%add3A_207, %dma_start3A_208] : memref<20x100xi32, #tpu.memory_space<vmem>> -> memref<1x100xi32, #tpu.memory_space<vmem>>
      %dma_start3A_210 = tpu.memref_squeeze %dma_start3A_209 : memref<1x100xi32, #tpu.memory_space<vmem>> -> memref<100xi32, #tpu.memory_space<vmem>>
      %dma_start3A_211 = arith.constant 0 : i32
      %dma_start3A_212 = arith.constant 0 : i32
      %dma_start3A_213 = tpu.memref_slice %arg4[%dma_start3A_211, %dma_start3A_212] : memref<10000x128xf32, #tpu.memory_space<hbm>> -> memref<10000x128xf32, #tpu.memory_space<hbm>>
      tpu.enqueue_indirect_dma source(%dma_start3A_213 : memref<10000x128xf32, #tpu.memory_space<hbm>>) target(%arg10 : memref<100x128xf32, #tpu.memory_space<vmem>>) offsets(%dma_start3A_210 : memref<100xi32, #tpu.memory_space<vmem>>) semaphore(%arg14 : memref<!tpu.dma_semaphore, #tpu.memory_space<semaphore_mem>>)
      %dma_wait3A_214 = arith.constant 0 : i32
      %dma_wait3A_215 = tpu.memref_slice %arg6[%mul3A_205, %dma_wait3A_214] : memref<20x100xi32, #tpu.memory_space<vmem>> -> memref<1x100xi32, #tpu.memory_space<vmem>>
      %dma_wait3A_216 = tpu.memref_squeeze %dma_wait3A_215 : memref<1x100xi32, #tpu.memory_space<vmem>> -> memref<100xi32, #tpu.memory_space<vmem>>
      %dma_wait3A_217 = arith.constant 0 : i32
      %dma_wait3A_218 = arith.constant 0 : i32
      %dma_wait3A_219 = tpu.memref_slice %arg4[%dma_wait3A_217, %dma_wait3A_218] : memref<10000x128xf32, #tpu.memory_space<hbm>> -> memref<10000x128xf32, #tpu.memory_space<hbm>>
      tpu.wait_indirect_dma semaphore(%arg12 : memref<!tpu.dma_semaphore, #tpu.memory_space<semaphore_mem>>) src(%dma_wait3A_219 : memref<10000x128xf32, #tpu.memory_space<hbm>>) dst(%arg8 : memref<100x128xf32, #tpu.memory_space<vmem>>)
      "tpu.region"() ({
        %run_scoped3A_252 = tpu.sem_alloc : memref<!tpu.dma_semaphore, #tpu.memory_space<semaphore_mem>>
        %dma_start3A_253 = arith.constant 0 : i32
        %dma_start3A_254 = tpu.memref_slice %arg7[%mul3A_205, %dma_start3A_253] : memref<20x100xi32, #tpu.memory_space<vmem>> -> memref<1x100xi32, #tpu.memory_space<vmem>>
        %dma_start3A_255 = tpu.memref_squeeze %dma_start3A_254 : memref<1x100xi32, #tpu.memory_space<vmem>> -> memref<100xi32, #tpu.memory_space<vmem>>
        %dma_start3A_256 = arith.constant 0 : i32
        %dma_start3A_257 = arith.constant 0 : i32
        %dma_start3A_258 = tpu.memref_slice %arg11[%dma_start3A_256, %dma_start3A_257] : memref<10240x128xf32, #tpu.memory_space<vmem_shared>> -> memref<10240x128xf32, #tpu.memory_space<vmem_shared>>
        tpu.enqueue_indirect_dma source(%arg8 : memref<100x128xf32, #tpu.memory_space<vmem>>) target(%dma_start3A_258 : memref<10240x128xf32, #tpu.memory_space<vmem_shared>>) offsets(%dma_start3A_255 : memref<100xi32, #tpu.memory_space<vmem>>) semaphore(%run_scoped3A_252 : memref<!tpu.dma_semaphore, #tpu.memory_space<semaphore_mem>>) {add = true}
        %dma_wait3A_259 = arith.constant 0 : i32
        %dma_wait3A_260 = tpu.memref_slice %arg7[%mul3A_205, %dma_wait3A_259] : memref<20x100xi32, #tpu.memory_space<vmem>> -> memref<1x100xi32, #tpu.memory_space<vmem>>
        %dma_wait3A_261 = tpu.memref_squeeze %dma_wait3A_260 : memref<1x100xi32, #tpu.memory_space<vmem>> -> memref<100xi32, #tpu.memory_space<vmem>>
        %dma_wait3A_262 = arith.constant 0 : i32
        %dma_wait3A_263 = arith.constant 0 : i32
        %dma_wait3A_264 = tpu.memref_slice %arg11[%dma_wait3A_262, %dma_wait3A_263] : memref<10240x128xf32, #tpu.memory_space<vmem_shared>> -> memref<10240x128xf32, #tpu.memory_space<vmem_shared>>
        tpu.wait_indirect_dma semaphore(%run_scoped3A_252 : memref<!tpu.dma_semaphore, #tpu.memory_space<semaphore_mem>>) src(%arg8 : memref<100x128xf32, #tpu.memory_space<vmem>>) dst(%dma_wait3A_264 : memref<10240x128xf32, #tpu.memory_space<vmem_shared>>)
        tpu.yield
      }) : () -> ()
      %add3A_220 = arith.constant 3 : i32
      %add3A_221 = arith.addi %mul3A_205, %add3A_220 : i32
      %dma_start3A_222 = arith.constant 0 : i32
      %dma_start3A_223 = tpu.memref_slice %arg6[%add3A_221, %dma_start3A_222] : memref<20x100xi32, #tpu.memory_space<vmem>> -> memref<1x100xi32, #tpu.memory_space<vmem>>
      %dma_start3A_224 = tpu.memref_squeeze %dma_start3A_223 : memref<1x100xi32, #tpu.memory_space<vmem>> -> memref<100xi32, #tpu.memory_space<vmem>>
      %dma_start3A_225 = arith.constant 0 : i32
      %dma_start3A_226 = arith.constant 0 : i32
      %dma_start3A_227 = tpu.memref_slice %arg4[%dma_start3A_225, %dma_start3A_226] : memref<10000x128xf32, #tpu.memory_space<hbm>> -> memref<10000x128xf32, #tpu.memory_space<hbm>>
      tpu.enqueue_indirect_dma source(%dma_start3A_227 : memref<10000x128xf32, #tpu.memory_space<hbm>>) target(%arg8 : memref<100x128xf32, #tpu.memory_space<vmem>>) offsets(%dma_start3A_224 : memref<100xi32, #tpu.memory_space<vmem>>) semaphore(%arg12 : memref<!tpu.dma_semaphore, #tpu.memory_space<semaphore_mem>>)
      %add3A_228 = arith.constant 1 : i32
      %add3A_229 = arith.addi %mul3A_205, %add3A_228 : i32
      %dma_wait3A_230 = arith.constant 0 : i32
      %dma_wait3A_231 = tpu.memref_slice %arg6[%add3A_229, %dma_wait3A_230] : memref<20x100xi32, #tpu.memory_space<vmem>> -> memref<1x100xi32, #tpu.memory_space<vmem>>
      %dma_wait3A_232 = tpu.memref_squeeze %dma_wait3A_231 : memref<1x100xi32, #tpu.memory_space<vmem>> -> memref<100xi32, #tpu.memory_space<vmem>>
      %dma_wait3A_233 = arith.constant 0 : i32
      %dma_wait3A_234 = arith.constant 0 : i32
      %dma_wait3A_235 = tpu.memref_slice %arg4[%dma_wait3A_233, %dma_wait3A_234] : memref<10000x128xf32, #tpu.memory_space<hbm>> -> memref<10000x128xf32, #tpu.memory_space<hbm>>
      tpu.wait_indirect_dma semaphore(%arg13 : memref<!tpu.dma_semaphore, #tpu.memory_space<semaphore_mem>>) src(%dma_wait3A_235 : memref<10000x128xf32, #tpu.memory_space<hbm>>) dst(%arg9 : memref<100x128xf32, #tpu.memory_space<vmem>>)
      "tpu.region"() ({
        %run_scoped3A_252 = tpu.sem_alloc : memref<!tpu.dma_semaphore, #tpu.memory_space<semaphore_mem>>
        %dma_start3A_253 = arith.constant 0 : i32
        %dma_start3A_254 = tpu.memref_slice %arg7[%add3A_229, %dma_start3A_253] : memref<20x100xi32, #tpu.memory_space<vmem>> -> memref<1x100xi32, #tpu.memory_space<vmem>>
        %dma_start3A_255 = tpu.memref_squeeze %dma_start3A_254 : memref<1x100xi32, #tpu.memory_space<vmem>> -> memref<100xi32, #tpu.memory_space<vmem>>
        %dma_start3A_256 = arith.constant 0 : i32
        %dma_start3A_257 = arith.constant 0 : i32
        %dma_start3A_258 = tpu.memref_slice %arg11[%dma_start3A_256, %dma_start3A_257] : memref<10240x128xf32, #tpu.memory_space<vmem_shared>> -> memref<10240x128xf32, #tpu.memory_space<vmem_shared>>
        tpu.enqueue_indirect_dma source(%arg9 : memref<100x128xf32, #tpu.memory_space<vmem>>) target(%dma_start3A_258 : memref<10240x128xf32, #tpu.memory_space<vmem_shared>>) offsets(%dma_start3A_255 : memref<100xi32, #tpu.memory_space<vmem>>) semaphore(%run_scoped3A_252 : memref<!tpu.dma_semaphore, #tpu.memory_space<semaphore_mem>>) {add = true}
        %dma_wait3A_259 = arith.constant 0 : i32
        %dma_wait3A_260 = tpu.memref_slice %arg7[%add3A_229, %dma_wait3A_259] : memref<20x100xi32, #tpu.memory_space<vmem>> -> memref<1x100xi32, #tpu.memory_space<vmem>>
        %dma_wait3A_261 = tpu.memref_squeeze %dma_wait3A_260 : memref<1x100xi32, #tpu.memory_space<vmem>> -> memref<100xi32, #tpu.memory_space<vmem>>
        %dma_wait3A_262 = arith.constant 0 : i32
        %dma_wait3A_263 = arith.constant 0 : i32
        %dma_wait3A_264 = tpu.memref_slice %arg11[%dma_wait3A_262, %dma_wait3A_263] : memref<10240x128xf32, #tpu.memory_space<vmem_shared>> -> memref<10240x128xf32, #tpu.memory_space<vmem_shared>>
        tpu.wait_indirect_dma semaphore(%run_scoped3A_252 : memref<!tpu.dma_semaphore, #tpu.memory_space<semaphore_mem>>) src(%arg9 : memref<100x128xf32, #tpu.memory_space<vmem>>) dst(%dma_wait3A_264 : memref<10240x128xf32, #tpu.memory_space<vmem_shared>>)
        tpu.yield
      }) : () -> ()
      %add3A_236 = arith.constant 4 : i32
      %add3A_237 = arith.addi %mul3A_205, %add3A_236 : i32
      %dma_start3A_238 = arith.constant 0 : i32
      %dma_start3A_239 = tpu.memref_slice %arg6[%add3A_237, %dma_start3A_238] : memref<20x100xi32, #tpu.memory_space<vmem>> -> memref<1x100xi32, #tpu.memory_space<vmem>>
      %dma_start3A_240 = tpu.memref_squeeze %dma_start3A_239 : memref<1x100xi32, #tpu.memory_space<vmem>> -> memref<100xi32, #tpu.memory_space<vmem>>
      %dma_start3A_241 = arith.constant 0 : i32
      %dma_start3A_242 = arith.constant 0 : i32
      %dma_start3A_243 = tpu.memref_slice %arg4[%dma_start3A_241, %dma_start3A_242] : memref<10000x128xf32, #tpu.memory_space<hbm>> -> memref<10000x128xf32, #tpu.memory_space<hbm>>
      tpu.enqueue_indirect_dma source(%dma_start3A_243 : memref<10000x128xf32, #tpu.memory_space<hbm>>) target(%arg9 : memref<100x128xf32, #tpu.memory_space<vmem>>) offsets(%dma_start3A_240 : memref<100xi32, #tpu.memory_space<vmem>>) semaphore(%arg13 : memref<!tpu.dma_semaphore, #tpu.memory_space<semaphore_mem>>)
      %add3A_244 = arith.constant 2 : i32
      %add3A_245 = arith.addi %mul3A_205, %add3A_244 : i32
      %dma_wait3A_246 = arith.constant 0 : i32
      %dma_wait3A_247 = tpu.memref_slice %arg6[%add3A_245, %dma_wait3A_246] : memref<20x100xi32, #tpu.memory_space<vmem>> -> memref<1x100xi32, #tpu.memory_space<vmem>>
      %dma_wait3A_248 = tpu.memref_squeeze %dma_wait3A_247 : memref<1x100xi32, #tpu.memory_space<vmem>> -> memref<100xi32, #tpu.memory_space<vmem>>
      %dma_wait3A_249 = arith.constant 0 : i32
      %dma_wait3A_250 = arith.constant 0 : i32
      %dma_wait3A_251 = tpu.memref_slice %arg4[%dma_wait3A_249, %dma_wait3A_250] : memref<10000x128xf32, #tpu.memory_space<hbm>> -> memref<10000x128xf32, #tpu.memory_space<hbm>>
      tpu.wait_indirect_dma semaphore(%arg14 : memref<!tpu.dma_semaphore, #tpu.memory_space<semaphore_mem>>) src(%dma_wait3A_251 : memref<10000x128xf32, #tpu.memory_space<hbm>>) dst(%arg10 : memref<100x128xf32, #tpu.memory_space<vmem>>)
      "tpu.region"() ({
        %run_scoped3A_252 = tpu.sem_alloc : memref<!tpu.dma_semaphore, #tpu.memory_space<semaphore_mem>>
        %dma_start3A_253 = arith.constant 0 : i32
        %dma_start3A_254 = tpu.memref_slice %arg7[%add3A_245, %dma_start3A_253] : memref<20x100xi32, #tpu.memory_space<vmem>> -> memref<1x100xi32, #tpu.memory_space<vmem>>
        %dma_start3A_255 = tpu.memref_squeeze %dma_start3A_254 : memref<1x100xi32, #tpu.memory_space<vmem>> -> memref<100xi32, #tpu.memory_space<vmem>>
        %dma_start3A_256 = arith.constant 0 : i32
        %dma_start3A_257 = arith.constant 0 : i32
        %dma_start3A_258 = tpu.memref_slice %arg11[%dma_start3A_256, %dma_start3A_257] : memref<10240x128xf32, #tpu.memory_space<vmem_shared>> -> memref<10240x128xf32, #tpu.memory_space<vmem_shared>>
        tpu.enqueue_indirect_dma source(%arg10 : memref<100x128xf32, #tpu.memory_space<vmem>>) target(%dma_start3A_258 : memref<10240x128xf32, #tpu.memory_space<vmem_shared>>) offsets(%dma_start3A_255 : memref<100xi32, #tpu.memory_space<vmem>>) semaphore(%run_scoped3A_252 : memref<!tpu.dma_semaphore, #tpu.memory_space<semaphore_mem>>) {add = true}
        %dma_wait3A_259 = arith.constant 0 : i32
        %dma_wait3A_260 = tpu.memref_slice %arg7[%add3A_245, %dma_wait3A_259] : memref<20x100xi32, #tpu.memory_space<vmem>> -> memref<1x100xi32, #tpu.memory_space<vmem>>
        %dma_wait3A_261 = tpu.memref_squeeze %dma_wait3A_260 : memref<1x100xi32, #tpu.memory_space<vmem>> -> memref<100xi32, #tpu.memory_space<vmem>>
        %dma_wait3A_262 = arith.constant 0 : i32
        %dma_wait3A_263 = arith.constant 0 : i32
        %dma_wait3A_264 = tpu.memref_slice %arg11[%dma_wait3A_262, %dma_wait3A_263] : memref<10240x128xf32, #tpu.memory_space<vmem_shared>> -> memref<10240x128xf32, #tpu.memory_space<vmem_shared>>
        tpu.wait_indirect_dma semaphore(%run_scoped3A_252 : memref<!tpu.dma_semaphore, #tpu.memory_space<semaphore_mem>>) src(%arg10 : memref<100x128xf32, #tpu.memory_space<vmem>>) dst(%dma_wait3A_264 : memref<10240x128xf32, #tpu.memory_space<vmem_shared>>)
        tpu.yield
      }) : () -> ()
    }
    %scan3A_34 = arith.constant 6 : i32
    %dma_wait3A = arith.constant 18 : i32
    %dma_wait3A_35 = arith.constant 0 : i32
    %dma_wait3A_36 = tpu.memref_slice %arg6[%dma_wait3A, %dma_wait3A_35] : memref<20x100xi32, #tpu.memory_space<vmem>> -> memref<1x100xi32, #tpu.memory_space<vmem>>
    %dma_wait3A_37 = tpu.memref_squeeze %dma_wait3A_36 : memref<1x100xi32, #tpu.memory_space<vmem>> -> memref<100xi32, #tpu.memory_space<vmem>>
    %dma_wait3A_38 = arith.constant 0 : i32
    %dma_wait3A_39 = arith.constant 0 : i32
    %dma_wait3A_40 = tpu.memref_slice %arg4[%dma_wait3A_38, %dma_wait3A_39] : memref<10000x128xf32, #tpu.memory_space<hbm>> -> memref<10000x128xf32, #tpu.memory_space<hbm>>
    tpu.wait_indirect_dma semaphore(%arg12 : memref<!tpu.dma_semaphore, #tpu.memory_space<semaphore_mem>>) src(%dma_wait3A_40 : memref<10000x128xf32, #tpu.memory_space<hbm>>) dst(%arg8 : memref<100x128xf32, #tpu.memory_space<vmem>>)
    %run_scoped3A_41 = arith.constant 18 : i32
    "tpu.region"() ({
      %run_scoped3A_199 = tpu.sem_alloc : memref<!tpu.dma_semaphore, #tpu.memory_space<semaphore_mem>>
      %dma_start3A_200 = arith.constant 0 : i32
      %dma_start3A_201 = tpu.memref_slice %arg7[%run_scoped3A_41, %dma_start3A_200] : memref<20x100xi32, #tpu.memory_space<vmem>> -> memref<1x100xi32, #tpu.memory_space<vmem>>
      %dma_start3A_202 = tpu.memref_squeeze %dma_start3A_201 : memref<1x100xi32, #tpu.memory_space<vmem>> -> memref<100xi32, #tpu.memory_space<vmem>>
      %dma_start3A_203 = arith.constant 0 : i32
      %dma_start3A_204 = arith.constant 0 : i32
      %dma_start3A_205 = tpu.memref_slice %arg11[%dma_start3A_203, %dma_start3A_204] : memref<10240x128xf32, #tpu.memory_space<vmem_shared>> -> memref<10240x128xf32, #tpu.memory_space<vmem_shared>>
      tpu.enqueue_indirect_dma source(%arg8 : memref<100x128xf32, #tpu.memory_space<vmem>>) target(%dma_start3A_205 : memref<10240x128xf32, #tpu.memory_space<vmem_shared>>) offsets(%dma_start3A_202 : memref<100xi32, #tpu.memory_space<vmem>>) semaphore(%run_scoped3A_199 : memref<!tpu.dma_semaphore, #tpu.memory_space<semaphore_mem>>) {add = true}
      %dma_wait3A_206 = arith.constant 0 : i32
      %dma_wait3A_207 = tpu.memref_slice %arg7[%run_scoped3A_41, %dma_wait3A_206] : memref<20x100xi32, #tpu.memory_space<vmem>> -> memref<1x100xi32, #tpu.memory_space<vmem>>
      %dma_wait3A_208 = tpu.memref_squeeze %dma_wait3A_207 : memref<1x100xi32, #tpu.memory_space<vmem>> -> memref<100xi32, #tpu.memory_space<vmem>>
      %dma_wait3A_209 = arith.constant 0 : i32
      %dma_wait3A_210 = arith.constant 0 : i32
      %dma_wait3A_211 = tpu.memref_slice %arg11[%dma_wait3A_209, %dma_wait3A_210] : memref<10240x128xf32, #tpu.memory_space<vmem_shared>> -> memref<10240x128xf32, #tpu.memory_space<vmem_shared>>
      tpu.wait_indirect_dma semaphore(%run_scoped3A_199 : memref<!tpu.dma_semaphore, #tpu.memory_space<semaphore_mem>>) src(%arg8 : memref<100x128xf32, #tpu.memory_space<vmem>>) dst(%dma_wait3A_211 : memref<10240x128xf32, #tpu.memory_space<vmem_shared>>)
      tpu.yield
    }) : () -> ()
    %dma_wait3A_42 = arith.constant 19 : i32
    %dma_wait3A_43 = arith.constant 0 : i32
    %dma_wait3A_44 = tpu.memref_slice %arg6[%dma_wait3A_42, %dma_wait3A_43] : memref<20x100xi32, #tpu.memory_space<vmem>> -> memref<1x100xi32, #tpu.memory_space<vmem>>
    %dma_wait3A_45 = tpu.memref_squeeze %dma_wait3A_44 : memref<1x100xi32, #tpu.memory_space<vmem>> -> memref<100xi32, #tpu.memory_space<vmem>>
    %dma_wait3A_46 = arith.constant 0 : i32
    %dma_wait3A_47 = arith.constant 0 : i32
    %dma_wait3A_48 = tpu.memref_slice %arg4[%dma_wait3A_46, %dma_wait3A_47] : memref<10000x128xf32, #tpu.memory_space<hbm>> -> memref<10000x128xf32, #tpu.memory_space<hbm>>
    tpu.wait_indirect_dma semaphore(%arg13 : memref<!tpu.dma_semaphore, #tpu.memory_space<semaphore_mem>>) src(%dma_wait3A_48 : memref<10000x128xf32, #tpu.memory_space<hbm>>) dst(%arg9 : memref<100x128xf32, #tpu.memory_space<vmem>>)
    %run_scoped3A_49 = arith.constant 19 : i32
    "tpu.region"() ({
      %run_scoped3A_199 = tpu.sem_alloc : memref<!tpu.dma_semaphore, #tpu.memory_space<semaphore_mem>>
      %dma_start3A_200 = arith.constant 0 : i32
      %dma_start3A_201 = tpu.memref_slice %arg7[%run_scoped3A_49, %dma_start3A_200] : memref<20x100xi32, #tpu.memory_space<vmem>> -> memref<1x100xi32, #tpu.memory_space<vmem>>
      %dma_start3A_202 = tpu.memref_squeeze %dma_start3A_201 : memref<1x100xi32, #tpu.memory_space<vmem>> -> memref<100xi32, #tpu.memory_space<vmem>>
      %dma_start3A_203 = arith.constant 0 : i32
      %dma_start3A_204 = arith.constant 0 : i32
      %dma_start3A_205 = tpu.memref_slice %arg11[%dma_start3A_203, %dma_start3A_204] : memref<10240x128xf32, #tpu.memory_space<vmem_shared>> -> memref<10240x128xf32, #tpu.memory_space<vmem_shared>>
      tpu.enqueue_indirect_dma source(%arg9 : memref<100x128xf32, #tpu.memory_space<vmem>>) target(%dma_start3A_205 : memref<10240x128xf32, #tpu.memory_space<vmem_shared>>) offsets(%dma_start3A_202 : memref<100xi32, #tpu.memory_space<vmem>>) semaphore(%run_scoped3A_199 : memref<!tpu.dma_semaphore, #tpu.memory_space<semaphore_mem>>) {add = true}
      %dma_wait3A_206 = arith.constant 0 : i32
      %dma_wait3A_207 = tpu.memref_slice %arg7[%run_scoped3A_49, %dma_wait3A_206] : memref<20x100xi32, #tpu.memory_space<vmem>> -> memref<1x100xi32, #tpu.memory_space<vmem>>
      %dma_wait3A_208 = tpu.memref_squeeze %dma_wait3A_207 : memref<1x100xi32, #tpu.memory_space<vmem>> -> memref<100xi32, #tpu.memory_space<vmem>>
      %dma_wait3A_209 = arith.constant 0 : i32
      %dma_wait3A_210 = arith.constant 0 : i32
      %dma_wait3A_211 = tpu.memref_slice %arg11[%dma_wait3A_209, %dma_wait3A_210] : memref<10240x128xf32, #tpu.memory_space<vmem_shared>> -> memref<10240x128xf32, #tpu.memory_space<vmem_shared>>
      tpu.wait_indirect_dma semaphore(%run_scoped3A_199 : memref<!tpu.dma_semaphore, #tpu.memory_space<semaphore_mem>>) src(%arg9 : memref<100x128xf32, #tpu.memory_space<vmem>>) dst(%dma_wait3A_211 : memref<10240x128xf32, #tpu.memory_space<vmem_shared>>)
      tpu.yield
    }) : () -> ()
    %run_scoped3A_50 = arith.constant 1 : i32
    "tpu.region"() ({
      %run_scoped3A_199 = tpu.sem_alloc : memref<!tpu.dma_semaphore, #tpu.memory_space<semaphore_mem>>
      %dma_start3A_200 = arith.constant 0 : i32
      %dma_start3A_201 = arith.constant 0 : i32
      %dma_start3A_202 = tpu.memref_slice %arg2[%add3A, %run_scoped3A_50, %dma_start3A_200, %dma_start3A_201] : memref<32x5x20x100xi32, #tpu.memory_space<hbm>> -> memref<1x1x20x100xi32, #tpu.memory_space<hbm>>
      %dma_start3A_203 = tpu.memref_squeeze %dma_start3A_202 : memref<1x1x20x100xi32, #tpu.memory_space<hbm>> -> memref<20x100xi32, #tpu.memory_space<hbm>>
      %dma_start3A_204 = arith.constant 0 : i32
      %dma_start3A_205 = arith.constant 0 : i32
      %dma_start3A_206 = tpu.memref_slice %arg2[%add3A, %run_scoped3A_50, %dma_start3A_204, %dma_start3A_205] : memref<32x5x20x100xi32, #tpu.memory_space<hbm>> -> memref<1x1x20x100xi32, #tpu.memory_space<hbm>>
      %dma_start3A_207 = tpu.memref_squeeze %dma_start3A_206 : memref<1x1x20x100xi32, #tpu.memory_space<hbm>> -> memref<20x100xi32, #tpu.memory_space<hbm>>
      tpu.enqueue_dma source(%dma_start3A_207 : memref<20x100xi32, #tpu.memory_space<hbm>>) target(%arg6 : memref<20x100xi32, #tpu.memory_space<vmem>>) target_semaphore(%run_scoped3A_199 : memref<!tpu.dma_semaphore, #tpu.memory_space<semaphore_mem>>)
      %dma_wait3A_208 = arith.constant 0 : i32
      %dma_wait3A_209 = arith.constant 0 : i32
      %dma_wait3A_210 = tpu.memref_slice %arg2[%add3A, %run_scoped3A_50, %dma_wait3A_208, %dma_wait3A_209] : memref<32x5x20x100xi32, #tpu.memory_space<hbm>> -> memref<1x1x20x100xi32, #tpu.memory_space<hbm>>
      %dma_wait3A_211 = tpu.memref_squeeze %dma_wait3A_210 : memref<1x1x20x100xi32, #tpu.memory_space<hbm>> -> memref<20x100xi32, #tpu.memory_space<hbm>>
      %dma_wait3A_212 = arith.constant 0 : i32
      %dma_wait3A_213 = arith.constant 0 : i32
      %dma_wait3A_214 = tpu.memref_slice %arg2[%add3A, %run_scoped3A_50, %dma_wait3A_212, %dma_wait3A_213] : memref<32x5x20x100xi32, #tpu.memory_space<hbm>> -> memref<1x1x20x100xi32, #tpu.memory_space<hbm>>
      %dma_wait3A_215 = tpu.memref_squeeze %dma_wait3A_214 : memref<1x1x20x100xi32, #tpu.memory_space<hbm>> -> memref<20x100xi32, #tpu.memory_space<hbm>>
      tpu.wait_dma2 semaphore(%run_scoped3A_199 : memref<!tpu.dma_semaphore, #tpu.memory_space<semaphore_mem>>) src(%dma_wait3A_215 : memref<20x100xi32, #tpu.memory_space<hbm>>) dst(%arg6 : memref<20x100xi32, #tpu.memory_space<vmem>>)
      tpu.yield
    }) : () -> ()
    %run_scoped3A_51 = arith.constant 1 : i32
    "tpu.region"() ({
      %run_scoped3A_199 = tpu.sem_alloc : memref<!tpu.dma_semaphore, #tpu.memory_space<semaphore_mem>>
      %dma_start3A_200 = arith.constant 0 : i32
      %dma_start3A_201 = arith.constant 0 : i32
      %dma_start3A_202 = tpu.memref_slice %arg3[%add3A, %run_scoped3A_51, %dma_start3A_200, %dma_start3A_201] : memref<32x5x20x100xi32, #tpu.memory_space<hbm>> -> memref<1x1x20x100xi32, #tpu.memory_space<hbm>>
      %dma_start3A_203 = tpu.memref_squeeze %dma_start3A_202 : memref<1x1x20x100xi32, #tpu.memory_space<hbm>> -> memref<20x100xi32, #tpu.memory_space<hbm>>
      %dma_start3A_204 = arith.constant 0 : i32
      %dma_start3A_205 = arith.constant 0 : i32
      %dma_start3A_206 = tpu.memref_slice %arg3[%add3A, %run_scoped3A_51, %dma_start3A_204, %dma_start3A_205] : memref<32x5x20x100xi32, #tpu.memory_space<hbm>> -> memref<1x1x20x100xi32, #tpu.memory_space<hbm>>
      %dma_start3A_207 = tpu.memref_squeeze %dma_start3A_206 : memref<1x1x20x100xi32, #tpu.memory_space<hbm>> -> memref<20x100xi32, #tpu.memory_space<hbm>>
      tpu.enqueue_dma source(%dma_start3A_207 : memref<20x100xi32, #tpu.memory_space<hbm>>) target(%arg7 : memref<20x100xi32, #tpu.memory_space<vmem>>) target_semaphore(%run_scoped3A_199 : memref<!tpu.dma_semaphore, #tpu.memory_space<semaphore_mem>>)
      %dma_wait3A_208 = arith.constant 0 : i32
      %dma_wait3A_209 = arith.constant 0 : i32
      %dma_wait3A_210 = tpu.memref_slice %arg3[%add3A, %run_scoped3A_51, %dma_wait3A_208, %dma_wait3A_209] : memref<32x5x20x100xi32, #tpu.memory_space<hbm>> -> memref<1x1x20x100xi32, #tpu.memory_space<hbm>>
      %dma_wait3A_211 = tpu.memref_squeeze %dma_wait3A_210 : memref<1x1x20x100xi32, #tpu.memory_space<hbm>> -> memref<20x100xi32, #tpu.memory_space<hbm>>
      %dma_wait3A_212 = arith.constant 0 : i32
      %dma_wait3A_213 = arith.constant 0 : i32
      %dma_wait3A_214 = tpu.memref_slice %arg3[%add3A, %run_scoped3A_51, %dma_wait3A_212, %dma_wait3A_213] : memref<32x5x20x100xi32, #tpu.memory_space<hbm>> -> memref<1x1x20x100xi32, #tpu.memory_space<hbm>>
      %dma_wait3A_215 = tpu.memref_squeeze %dma_wait3A_214 : memref<1x1x20x100xi32, #tpu.memory_space<hbm>> -> memref<20x100xi32, #tpu.memory_space<hbm>>
      tpu.wait_dma2 semaphore(%run_scoped3A_199 : memref<!tpu.dma_semaphore, #tpu.memory_space<semaphore_mem>>) src(%dma_wait3A_215 : memref<20x100xi32, #tpu.memory_space<hbm>>) dst(%arg7 : memref<20x100xi32, #tpu.memory_space<vmem>>)
      tpu.yield
    }) : () -> ()
    %dma_start3A_52 = arith.constant 0 : i32
    %dma_start3A_53 = arith.constant 0 : i32
    %dma_start3A_54 = tpu.memref_slice %arg6[%dma_start3A_52, %dma_start3A_53] : memref<20x100xi32, #tpu.memory_space<vmem>> -> memref<1x100xi32, #tpu.memory_space<vmem>>
    %dma_start3A_55 = tpu.memref_squeeze %dma_start3A_54 : memref<1x100xi32, #tpu.memory_space<vmem>> -> memref<100xi32, #tpu.memory_space<vmem>>
    %dma_start3A_56 = arith.constant 0 : i32
    %dma_start3A_57 = arith.constant 0 : i32
    %dma_start3A_58 = tpu.memref_slice %arg4[%dma_start3A_56, %dma_start3A_57] : memref<10000x128xf32, #tpu.memory_space<hbm>> -> memref<10000x128xf32, #tpu.memory_space<hbm>>
    tpu.enqueue_indirect_dma source(%dma_start3A_58 : memref<10000x128xf32, #tpu.memory_space<hbm>>) target(%arg8 : memref<100x128xf32, #tpu.memory_space<vmem>>) offsets(%dma_start3A_55 : memref<100xi32, #tpu.memory_space<vmem>>) semaphore(%arg12 : memref<!tpu.dma_semaphore, #tpu.memory_space<semaphore_mem>>)
    %dma_start3A_59 = arith.constant 1 : i32
    %dma_start3A_60 = arith.constant 0 : i32
    %dma_start3A_61 = tpu.memref_slice %arg6[%dma_start3A_59, %dma_start3A_60] : memref<20x100xi32, #tpu.memory_space<vmem>> -> memref<1x100xi32, #tpu.memory_space<vmem>>
    %dma_start3A_62 = tpu.memref_squeeze %dma_start3A_61 : memref<1x100xi32, #tpu.memory_space<vmem>> -> memref<100xi32, #tpu.memory_space<vmem>>
    %dma_start3A_63 = arith.constant 0 : i32
    %dma_start3A_64 = arith.constant 0 : i32
    %dma_start3A_65 = tpu.memref_slice %arg4[%dma_start3A_63, %dma_start3A_64] : memref<10000x128xf32, #tpu.memory_space<hbm>> -> memref<10000x128xf32, #tpu.memory_space<hbm>>
    tpu.enqueue_indirect_dma source(%dma_start3A_65 : memref<10000x128xf32, #tpu.memory_space<hbm>>) target(%arg9 : memref<100x128xf32, #tpu.memory_space<vmem>>) offsets(%dma_start3A_62 : memref<100xi32, #tpu.memory_space<vmem>>) semaphore(%arg13 : memref<!tpu.dma_semaphore, #tpu.memory_space<semaphore_mem>>)
    %scan3A_66 = arith.constant 0 : i32
    %scan3A_67 = arith.constant 6 : i32
    %scan3A_68 = arith.addi %scan3A_66, %scan3A_67 : i32
    %scan3A_69 = arith.constant 1 : i32
    scf.for %scan3A_199 = %scan3A_66 to %scan3A_68 step %scan3A_69  : i32 {
      %mul3A_200 = arith.constant 1 : i32
      %mul3A_201 = arith.muli %scan3A_199, %mul3A_200 : i32
      %add3A_202 = arith.constant 0 : i32
      %add3A_203 = arith.addi %add3A_202, %mul3A_201 : i32
      %mul3A_204 = arith.constant 3 : i32
      %mul3A_205 = arith.muli %mul3A_204, %add3A_203 : i32
      %add3A_206 = arith.constant 2 : i32
      %add3A_207 = arith.addi %mul3A_205, %add3A_206 : i32
      %dma_start3A_208 = arith.constant 0 : i32
      %dma_start3A_209 = tpu.memref_slice %arg6[%add3A_207, %dma_start3A_208] : memref<20x100xi32, #tpu.memory_space<vmem>> -> memref<1x100xi32, #tpu.memory_space<vmem>>
      %dma_start3A_210 = tpu.memref_squeeze %dma_start3A_209 : memref<1x100xi32, #tpu.memory_space<vmem>> -> memref<100xi32, #tpu.memory_space<vmem>>
      %dma_start3A_211 = arith.constant 0 : i32
      %dma_start3A_212 = arith.constant 0 : i32
      %dma_start3A_213 = tpu.memref_slice %arg4[%dma_start3A_211, %dma_start3A_212] : memref<10000x128xf32, #tpu.memory_space<hbm>> -> memref<10000x128xf32, #tpu.memory_space<hbm>>
      tpu.enqueue_indirect_dma source(%dma_start3A_213 : memref<10000x128xf32, #tpu.memory_space<hbm>>) target(%arg10 : memref<100x128xf32, #tpu.memory_space<vmem>>) offsets(%dma_start3A_210 : memref<100xi32, #tpu.memory_space<vmem>>) semaphore(%arg14 : memref<!tpu.dma_semaphore, #tpu.memory_space<semaphore_mem>>)
      %dma_wait3A_214 = arith.constant 0 : i32
      %dma_wait3A_215 = tpu.memref_slice %arg6[%mul3A_205, %dma_wait3A_214] : memref<20x100xi32, #tpu.memory_space<vmem>> -> memref<1x100xi32, #tpu.memory_space<vmem>>
      %dma_wait3A_216 = tpu.memref_squeeze %dma_wait3A_215 : memref<1x100xi32, #tpu.memory_space<vmem>> -> memref<100xi32, #tpu.memory_space<vmem>>
      %dma_wait3A_217 = arith.constant 0 : i32
      %dma_wait3A_218 = arith.constant 0 : i32
      %dma_wait3A_219 = tpu.memref_slice %arg4[%dma_wait3A_217, %dma_wait3A_218] : memref<10000x128xf32, #tpu.memory_space<hbm>> -> memref<10000x128xf32, #tpu.memory_space<hbm>>
      tpu.wait_indirect_dma semaphore(%arg12 : memref<!tpu.dma_semaphore, #tpu.memory_space<semaphore_mem>>) src(%dma_wait3A_219 : memref<10000x128xf32, #tpu.memory_space<hbm>>) dst(%arg8 : memref<100x128xf32, #tpu.memory_space<vmem>>)
      "tpu.region"() ({
        %run_scoped3A_252 = tpu.sem_alloc : memref<!tpu.dma_semaphore, #tpu.memory_space<semaphore_mem>>
        %dma_start3A_253 = arith.constant 0 : i32
        %dma_start3A_254 = tpu.memref_slice %arg7[%mul3A_205, %dma_start3A_253] : memref<20x100xi32, #tpu.memory_space<vmem>> -> memref<1x100xi32, #tpu.memory_space<vmem>>
        %dma_start3A_255 = tpu.memref_squeeze %dma_start3A_254 : memref<1x100xi32, #tpu.memory_space<vmem>> -> memref<100xi32, #tpu.memory_space<vmem>>
        %dma_start3A_256 = arith.constant 0 : i32
        %dma_start3A_257 = arith.constant 0 : i32
        %dma_start3A_258 = tpu.memref_slice %arg11[%dma_start3A_256, %dma_start3A_257] : memref<10240x128xf32, #tpu.memory_space<vmem_shared>> -> memref<10240x128xf32, #tpu.memory_space<vmem_shared>>
        tpu.enqueue_indirect_dma source(%arg8 : memref<100x128xf32, #tpu.memory_space<vmem>>) target(%dma_start3A_258 : memref<10240x128xf32, #tpu.memory_space<vmem_shared>>) offsets(%dma_start3A_255 : memref<100xi32, #tpu.memory_space<vmem>>) semaphore(%run_scoped3A_252 : memref<!tpu.dma_semaphore, #tpu.memory_space<semaphore_mem>>) {add = true}
        %dma_wait3A_259 = arith.constant 0 : i32
        %dma_wait3A_260 = tpu.memref_slice %arg7[%mul3A_205, %dma_wait3A_259] : memref<20x100xi32, #tpu.memory_space<vmem>> -> memref<1x100xi32, #tpu.memory_space<vmem>>
        %dma_wait3A_261 = tpu.memref_squeeze %dma_wait3A_260 : memref<1x100xi32, #tpu.memory_space<vmem>> -> memref<100xi32, #tpu.memory_space<vmem>>
        %dma_wait3A_262 = arith.constant 0 : i32
        %dma_wait3A_263 = arith.constant 0 : i32
        %dma_wait3A_264 = tpu.memref_slice %arg11[%dma_wait3A_262, %dma_wait3A_263] : memref<10240x128xf32, #tpu.memory_space<vmem_shared>> -> memref<10240x128xf32, #tpu.memory_space<vmem_shared>>
        tpu.wait_indirect_dma semaphore(%run_scoped3A_252 : memref<!tpu.dma_semaphore, #tpu.memory_space<semaphore_mem>>) src(%arg8 : memref<100x128xf32, #tpu.memory_space<vmem>>) dst(%dma_wait3A_264 : memref<10240x128xf32, #tpu.memory_space<vmem_shared>>)
        tpu.yield
      }) : () -> ()
      %add3A_220 = arith.constant 3 : i32
      %add3A_221 = arith.addi %mul3A_205, %add3A_220 : i32
      %dma_start3A_222 = arith.constant 0 : i32
      %dma_start3A_223 = tpu.memref_slice %arg6[%add3A_221, %dma_start3A_222] : memref<20x100xi32, #tpu.memory_space<vmem>> -> memref<1x100xi32, #tpu.memory_space<vmem>>
      %dma_start3A_224 = tpu.memref_squeeze %dma_start3A_223 : memref<1x100xi32, #tpu.memory_space<vmem>> -> memref<100xi32, #tpu.memory_space<vmem>>
      %dma_start3A_225 = arith.constant 0 : i32
      %dma_start3A_226 = arith.constant 0 : i32
      %dma_start3A_227 = tpu.memref_slice %arg4[%dma_start3A_225, %dma_start3A_226] : memref<10000x128xf32, #tpu.memory_space<hbm>> -> memref<10000x128xf32, #tpu.memory_space<hbm>>
      tpu.enqueue_indirect_dma source(%dma_start3A_227 : memref<10000x128xf32, #tpu.memory_space<hbm>>) target(%arg8 : memref<100x128xf32, #tpu.memory_space<vmem>>) offsets(%dma_start3A_224 : memref<100xi32, #tpu.memory_space<vmem>>) semaphore(%arg12 : memref<!tpu.dma_semaphore, #tpu.memory_space<semaphore_mem>>)
      %add3A_228 = arith.constant 1 : i32
      %add3A_229 = arith.addi %mul3A_205, %add3A_228 : i32
      %dma_wait3A_230 = arith.constant 0 : i32
      %dma_wait3A_231 = tpu.memref_slice %arg6[%add3A_229, %dma_wait3A_230] : memref<20x100xi32, #tpu.memory_space<vmem>> -> memref<1x100xi32, #tpu.memory_space<vmem>>
      %dma_wait3A_232 = tpu.memref_squeeze %dma_wait3A_231 : memref<1x100xi32, #tpu.memory_space<vmem>> -> memref<100xi32, #tpu.memory_space<vmem>>
      %dma_wait3A_233 = arith.constant 0 : i32
      %dma_wait3A_234 = arith.constant 0 : i32
      %dma_wait3A_235 = tpu.memref_slice %arg4[%dma_wait3A_233, %dma_wait3A_234] : memref<10000x128xf32, #tpu.memory_space<hbm>> -> memref<10000x128xf32, #tpu.memory_space<hbm>>
      tpu.wait_indirect_dma semaphore(%arg13 : memref<!tpu.dma_semaphore, #tpu.memory_space<semaphore_mem>>) src(%dma_wait3A_235 : memref<10000x128xf32, #tpu.memory_space<hbm>>) dst(%arg9 : memref<100x128xf32, #tpu.memory_space<vmem>>)
      "tpu.region"() ({
        %run_scoped3A_252 = tpu.sem_alloc : memref<!tpu.dma_semaphore, #tpu.memory_space<semaphore_mem>>
        %dma_start3A_253 = arith.constant 0 : i32
        %dma_start3A_254 = tpu.memref_slice %arg7[%add3A_229, %dma_start3A_253] : memref<20x100xi32, #tpu.memory_space<vmem>> -> memref<1x100xi32, #tpu.memory_space<vmem>>
        %dma_start3A_255 = tpu.memref_squeeze %dma_start3A_254 : memref<1x100xi32, #tpu.memory_space<vmem>> -> memref<100xi32, #tpu.memory_space<vmem>>
        %dma_start3A_256 = arith.constant 0 : i32
        %dma_start3A_257 = arith.constant 0 : i32
        %dma_start3A_258 = tpu.memref_slice %arg11[%dma_start3A_256, %dma_start3A_257] : memref<10240x128xf32, #tpu.memory_space<vmem_shared>> -> memref<10240x128xf32, #tpu.memory_space<vmem_shared>>
        tpu.enqueue_indirect_dma source(%arg9 : memref<100x128xf32, #tpu.memory_space<vmem>>) target(%dma_start3A_258 : memref<10240x128xf32, #tpu.memory_space<vmem_shared>>) offsets(%dma_start3A_255 : memref<100xi32, #tpu.memory_space<vmem>>) semaphore(%run_scoped3A_252 : memref<!tpu.dma_semaphore, #tpu.memory_space<semaphore_mem>>) {add = true}
        %dma_wait3A_259 = arith.constant 0 : i32
        %dma_wait3A_260 = tpu.memref_slice %arg7[%add3A_229, %dma_wait3A_259] : memref<20x100xi32, #tpu.memory_space<vmem>> -> memref<1x100xi32, #tpu.memory_space<vmem>>
        %dma_wait3A_261 = tpu.memref_squeeze %dma_wait3A_260 : memref<1x100xi32, #tpu.memory_space<vmem>> -> memref<100xi32, #tpu.memory_space<vmem>>
        %dma_wait3A_262 = arith.constant 0 : i32
        %dma_wait3A_263 = arith.constant 0 : i32
        %dma_wait3A_264 = tpu.memref_slice %arg11[%dma_wait3A_262, %dma_wait3A_263] : memref<10240x128xf32, #tpu.memory_space<vmem_shared>> -> memref<10240x128xf32, #tpu.memory_space<vmem_shared>>
        tpu.wait_indirect_dma semaphore(%run_scoped3A_252 : memref<!tpu.dma_semaphore, #tpu.memory_space<semaphore_mem>>) src(%arg9 : memref<100x128xf32, #tpu.memory_space<vmem>>) dst(%dma_wait3A_264 : memref<10240x128xf32, #tpu.memory_space<vmem_shared>>)
        tpu.yield
      }) : () -> ()
      %add3A_236 = arith.constant 4 : i32
      %add3A_237 = arith.addi %mul3A_205, %add3A_236 : i32
      %dma_start3A_238 = arith.constant 0 : i32
      %dma_start3A_239 = tpu.memref_slice %arg6[%add3A_237, %dma_start3A_238] : memref<20x100xi32, #tpu.memory_space<vmem>> -> memref<1x100xi32, #tpu.memory_space<vmem>>
      %dma_start3A_240 = tpu.memref_squeeze %dma_start3A_239 : memref<1x100xi32, #tpu.memory_space<vmem>> -> memref<100xi32, #tpu.memory_space<vmem>>
      %dma_start3A_241 = arith.constant 0 : i32
      %dma_start3A_242 = arith.constant 0 : i32
      %dma_start3A_243 = tpu.memref_slice %arg4[%dma_start3A_241, %dma_start3A_242] : memref<10000x128xf32, #tpu.memory_space<hbm>> -> memref<10000x128xf32, #tpu.memory_space<hbm>>
      tpu.enqueue_indirect_dma source(%dma_start3A_243 : memref<10000x128xf32, #tpu.memory_space<hbm>>) target(%arg9 : memref<100x128xf32, #tpu.memory_space<vmem>>) offsets(%dma_start3A_240 : memref<100xi32, #tpu.memory_space<vmem>>) semaphore(%arg13 : memref<!tpu.dma_semaphore, #tpu.memory_space<semaphore_mem>>)
      %add3A_244 = arith.constant 2 : i32
      %add3A_245 = arith.addi %mul3A_205, %add3A_244 : i32
      %dma_wait3A_246 = arith.constant 0 : i32
      %dma_wait3A_247 = tpu.memref_slice %arg6[%add3A_245, %dma_wait3A_246] : memref<20x100xi32, #tpu.memory_space<vmem>> -> memref<1x100xi32, #tpu.memory_space<vmem>>
      %dma_wait3A_248 = tpu.memref_squeeze %dma_wait3A_247 : memref<1x100xi32, #tpu.memory_space<vmem>> -> memref<100xi32, #tpu.memory_space<vmem>>
      %dma_wait3A_249 = arith.constant 0 : i32
      %dma_wait3A_250 = arith.constant 0 : i32
      %dma_wait3A_251 = tpu.memref_slice %arg4[%dma_wait3A_249, %dma_wait3A_250] : memref<10000x128xf32, #tpu.memory_space<hbm>> -> memref<10000x128xf32, #tpu.memory_space<hbm>>
      tpu.wait_indirect_dma semaphore(%arg14 : memref<!tpu.dma_semaphore, #tpu.memory_space<semaphore_mem>>) src(%dma_wait3A_251 : memref<10000x128xf32, #tpu.memory_space<hbm>>) dst(%arg10 : memref<100x128xf32, #tpu.memory_space<vmem>>)
      "tpu.region"() ({
        %run_scoped3A_252 = tpu.sem_alloc : memref<!tpu.dma_semaphore, #tpu.memory_space<semaphore_mem>>
        %dma_start3A_253 = arith.constant 0 : i32
        %dma_start3A_254 = tpu.memref_slice %arg7[%add3A_245, %dma_start3A_253] : memref<20x100xi32, #tpu.memory_space<vmem>> -> memref<1x100xi32, #tpu.memory_space<vmem>>
        %dma_start3A_255 = tpu.memref_squeeze %dma_start3A_254 : memref<1x100xi32, #tpu.memory_space<vmem>> -> memref<100xi32, #tpu.memory_space<vmem>>
        %dma_start3A_256 = arith.constant 0 : i32
        %dma_start3A_257 = arith.constant 0 : i32
        %dma_start3A_258 = tpu.memref_slice %arg11[%dma_start3A_256, %dma_start3A_257] : memref<10240x128xf32, #tpu.memory_space<vmem_shared>> -> memref<10240x128xf32, #tpu.memory_space<vmem_shared>>
        tpu.enqueue_indirect_dma source(%arg10 : memref<100x128xf32, #tpu.memory_space<vmem>>) target(%dma_start3A_258 : memref<10240x128xf32, #tpu.memory_space<vmem_shared>>) offsets(%dma_start3A_255 : memref<100xi32, #tpu.memory_space<vmem>>) semaphore(%run_scoped3A_252 : memref<!tpu.dma_semaphore, #tpu.memory_space<semaphore_mem>>) {add = true}
        %dma_wait3A_259 = arith.constant 0 : i32
        %dma_wait3A_260 = tpu.memref_slice %arg7[%add3A_245, %dma_wait3A_259] : memref<20x100xi32, #tpu.memory_space<vmem>> -> memref<1x100xi32, #tpu.memory_space<vmem>>
        %dma_wait3A_261 = tpu.memref_squeeze %dma_wait3A_260 : memref<1x100xi32, #tpu.memory_space<vmem>> -> memref<100xi32, #tpu.memory_space<vmem>>
        %dma_wait3A_262 = arith.constant 0 : i32
        %dma_wait3A_263 = arith.constant 0 : i32
        %dma_wait3A_264 = tpu.memref_slice %arg11[%dma_wait3A_262, %dma_wait3A_263] : memref<10240x128xf32, #tpu.memory_space<vmem_shared>> -> memref<10240x128xf32, #tpu.memory_space<vmem_shared>>
        tpu.wait_indirect_dma semaphore(%run_scoped3A_252 : memref<!tpu.dma_semaphore, #tpu.memory_space<semaphore_mem>>) src(%arg10 : memref<100x128xf32, #tpu.memory_space<vmem>>) dst(%dma_wait3A_264 : memref<10240x128xf32, #tpu.memory_space<vmem_shared>>)
        tpu.yield
      }) : () -> ()
    }
    %scan3A_70 = arith.constant 6 : i32
    %dma_wait3A_71 = arith.constant 18 : i32
    %dma_wait3A_72 = arith.constant 0 : i32
    %dma_wait3A_73 = tpu.memref_slice %arg6[%dma_wait3A_71, %dma_wait3A_72] : memref<20x100xi32, #tpu.memory_space<vmem>> -> memref<1x100xi32, #tpu.memory_space<vmem>>
    %dma_wait3A_74 = tpu.memref_squeeze %dma_wait3A_73 : memref<1x100xi32, #tpu.memory_space<vmem>> -> memref<100xi32, #tpu.memory_space<vmem>>
    %dma_wait3A_75 = arith.constant 0 : i32
    %dma_wait3A_76 = arith.constant 0 : i32
    %dma_wait3A_77 = tpu.memref_slice %arg4[%dma_wait3A_75, %dma_wait3A_76] : memref<10000x128xf32, #tpu.memory_space<hbm>> -> memref<10000x128xf32, #tpu.memory_space<hbm>>
    tpu.wait_indirect_dma semaphore(%arg12 : memref<!tpu.dma_semaphore, #tpu.memory_space<semaphore_mem>>) src(%dma_wait3A_77 : memref<10000x128xf32, #tpu.memory_space<hbm>>) dst(%arg8 : memref<100x128xf32, #tpu.memory_space<vmem>>)
    %run_scoped3A_78 = arith.constant 18 : i32
    "tpu.region"() ({
      %run_scoped3A_199 = tpu.sem_alloc : memref<!tpu.dma_semaphore, #tpu.memory_space<semaphore_mem>>
      %dma_start3A_200 = arith.constant 0 : i32
      %dma_start3A_201 = tpu.memref_slice %arg7[%run_scoped3A_78, %dma_start3A_200] : memref<20x100xi32, #tpu.memory_space<vmem>> -> memref<1x100xi32, #tpu.memory_space<vmem>>
      %dma_start3A_202 = tpu.memref_squeeze %dma_start3A_201 : memref<1x100xi32, #tpu.memory_space<vmem>> -> memref<100xi32, #tpu.memory_space<vmem>>
      %dma_start3A_203 = arith.constant 0 : i32
      %dma_start3A_204 = arith.constant 0 : i32
      %dma_start3A_205 = tpu.memref_slice %arg11[%dma_start3A_203, %dma_start3A_204] : memref<10240x128xf32, #tpu.memory_space<vmem_shared>> -> memref<10240x128xf32, #tpu.memory_space<vmem_shared>>
      tpu.enqueue_indirect_dma source(%arg8 : memref<100x128xf32, #tpu.memory_space<vmem>>) target(%dma_start3A_205 : memref<10240x128xf32, #tpu.memory_space<vmem_shared>>) offsets(%dma_start3A_202 : memref<100xi32, #tpu.memory_space<vmem>>) semaphore(%run_scoped3A_199 : memref<!tpu.dma_semaphore, #tpu.memory_space<semaphore_mem>>) {add = true}
      %dma_wait3A_206 = arith.constant 0 : i32
      %dma_wait3A_207 = tpu.memref_slice %arg7[%run_scoped3A_78, %dma_wait3A_206] : memref<20x100xi32, #tpu.memory_space<vmem>> -> memref<1x100xi32, #tpu.memory_space<vmem>>
      %dma_wait3A_208 = tpu.memref_squeeze %dma_wait3A_207 : memref<1x100xi32, #tpu.memory_space<vmem>> -> memref<100xi32, #tpu.memory_space<vmem>>
      %dma_wait3A_209 = arith.constant 0 : i32
      %dma_wait3A_210 = arith.constant 0 : i32
      %dma_wait3A_211 = tpu.memref_slice %arg11[%dma_wait3A_209, %dma_wait3A_210] : memref<10240x128xf32, #tpu.memory_space<vmem_shared>> -> memref<10240x128xf32, #tpu.memory_space<vmem_shared>>
      tpu.wait_indirect_dma semaphore(%run_scoped3A_199 : memref<!tpu.dma_semaphore, #tpu.memory_space<semaphore_mem>>) src(%arg8 : memref<100x128xf32, #tpu.memory_space<vmem>>) dst(%dma_wait3A_211 : memref<10240x128xf32, #tpu.memory_space<vmem_shared>>)
      tpu.yield
    }) : () -> ()
    %dma_wait3A_79 = arith.constant 19 : i32
    %dma_wait3A_80 = arith.constant 0 : i32
    %dma_wait3A_81 = tpu.memref_slice %arg6[%dma_wait3A_79, %dma_wait3A_80] : memref<20x100xi32, #tpu.memory_space<vmem>> -> memref<1x100xi32, #tpu.memory_space<vmem>>
    %dma_wait3A_82 = tpu.memref_squeeze %dma_wait3A_81 : memref<1x100xi32, #tpu.memory_space<vmem>> -> memref<100xi32, #tpu.memory_space<vmem>>
    %dma_wait3A_83 = arith.constant 0 : i32
    %dma_wait3A_84 = arith.constant 0 : i32
    %dma_wait3A_85 = tpu.memref_slice %arg4[%dma_wait3A_83, %dma_wait3A_84] : memref<10000x128xf32, #tpu.memory_space<hbm>> -> memref<10000x128xf32, #tpu.memory_space<hbm>>
    tpu.wait_indirect_dma semaphore(%arg13 : memref<!tpu.dma_semaphore, #tpu.memory_space<semaphore_mem>>) src(%dma_wait3A_85 : memref<10000x128xf32, #tpu.memory_space<hbm>>) dst(%arg9 : memref<100x128xf32, #tpu.memory_space<vmem>>)
    %run_scoped3A_86 = arith.constant 19 : i32
    "tpu.region"() ({
      %run_scoped3A_199 = tpu.sem_alloc : memref<!tpu.dma_semaphore, #tpu.memory_space<semaphore_mem>>
      %dma_start3A_200 = arith.constant 0 : i32
      %dma_start3A_201 = tpu.memref_slice %arg7[%run_scoped3A_86, %dma_start3A_200] : memref<20x100xi32, #tpu.memory_space<vmem>> -> memref<1x100xi32, #tpu.memory_space<vmem>>
      %dma_start3A_202 = tpu.memref_squeeze %dma_start3A_201 : memref<1x100xi32, #tpu.memory_space<vmem>> -> memref<100xi32, #tpu.memory_space<vmem>>
      %dma_start3A_203 = arith.constant 0 : i32
      %dma_start3A_204 = arith.constant 0 : i32
      %dma_start3A_205 = tpu.memref_slice %arg11[%dma_start3A_203, %dma_start3A_204] : memref<10240x128xf32, #tpu.memory_space<vmem_shared>> -> memref<10240x128xf32, #tpu.memory_space<vmem_shared>>
      tpu.enqueue_indirect_dma source(%arg9 : memref<100x128xf32, #tpu.memory_space<vmem>>) target(%dma_start3A_205 : memref<10240x128xf32, #tpu.memory_space<vmem_shared>>) offsets(%dma_start3A_202 : memref<100xi32, #tpu.memory_space<vmem>>) semaphore(%run_scoped3A_199 : memref<!tpu.dma_semaphore, #tpu.memory_space<semaphore_mem>>) {add = true}
      %dma_wait3A_206 = arith.constant 0 : i32
      %dma_wait3A_207 = tpu.memref_slice %arg7[%run_scoped3A_86, %dma_wait3A_206] : memref<20x100xi32, #tpu.memory_space<vmem>> -> memref<1x100xi32, #tpu.memory_space<vmem>>
      %dma_wait3A_208 = tpu.memref_squeeze %dma_wait3A_207 : memref<1x100xi32, #tpu.memory_space<vmem>> -> memref<100xi32, #tpu.memory_space<vmem>>
      %dma_wait3A_209 = arith.constant 0 : i32
      %dma_wait3A_210 = arith.constant 0 : i32
      %dma_wait3A_211 = tpu.memref_slice %arg11[%dma_wait3A_209, %dma_wait3A_210] : memref<10240x128xf32, #tpu.memory_space<vmem_shared>> -> memref<10240x128xf32, #tpu.memory_space<vmem_shared>>
      tpu.wait_indirect_dma semaphore(%run_scoped3A_199 : memref<!tpu.dma_semaphore, #tpu.memory_space<semaphore_mem>>) src(%arg9 : memref<100x128xf32, #tpu.memory_space<vmem>>) dst(%dma_wait3A_211 : memref<10240x128xf32, #tpu.memory_space<vmem_shared>>)
      tpu.yield
    }) : () -> ()
    %run_scoped3A_87 = arith.constant 2 : i32
    "tpu.region"() ({
      %run_scoped3A_199 = tpu.sem_alloc : memref<!tpu.dma_semaphore, #tpu.memory_space<semaphore_mem>>
      %dma_start3A_200 = arith.constant 0 : i32
      %dma_start3A_201 = arith.constant 0 : i32
      %dma_start3A_202 = tpu.memref_slice %arg2[%add3A, %run_scoped3A_87, %dma_start3A_200, %dma_start3A_201] : memref<32x5x20x100xi32, #tpu.memory_space<hbm>> -> memref<1x1x20x100xi32, #tpu.memory_space<hbm>>
      %dma_start3A_203 = tpu.memref_squeeze %dma_start3A_202 : memref<1x1x20x100xi32, #tpu.memory_space<hbm>> -> memref<20x100xi32, #tpu.memory_space<hbm>>
      %dma_start3A_204 = arith.constant 0 : i32
      %dma_start3A_205 = arith.constant 0 : i32
      %dma_start3A_206 = tpu.memref_slice %arg2[%add3A, %run_scoped3A_87, %dma_start3A_204, %dma_start3A_205] : memref<32x5x20x100xi32, #tpu.memory_space<hbm>> -> memref<1x1x20x100xi32, #tpu.memory_space<hbm>>
      %dma_start3A_207 = tpu.memref_squeeze %dma_start3A_206 : memref<1x1x20x100xi32, #tpu.memory_space<hbm>> -> memref<20x100xi32, #tpu.memory_space<hbm>>
      tpu.enqueue_dma source(%dma_start3A_207 : memref<20x100xi32, #tpu.memory_space<hbm>>) target(%arg6 : memref<20x100xi32, #tpu.memory_space<vmem>>) target_semaphore(%run_scoped3A_199 : memref<!tpu.dma_semaphore, #tpu.memory_space<semaphore_mem>>)
      %dma_wait3A_208 = arith.constant 0 : i32
      %dma_wait3A_209 = arith.constant 0 : i32
      %dma_wait3A_210 = tpu.memref_slice %arg2[%add3A, %run_scoped3A_87, %dma_wait3A_208, %dma_wait3A_209] : memref<32x5x20x100xi32, #tpu.memory_space<hbm>> -> memref<1x1x20x100xi32, #tpu.memory_space<hbm>>
      %dma_wait3A_211 = tpu.memref_squeeze %dma_wait3A_210 : memref<1x1x20x100xi32, #tpu.memory_space<hbm>> -> memref<20x100xi32, #tpu.memory_space<hbm>>
      %dma_wait3A_212 = arith.constant 0 : i32
      %dma_wait3A_213 = arith.constant 0 : i32
      %dma_wait3A_214 = tpu.memref_slice %arg2[%add3A, %run_scoped3A_87, %dma_wait3A_212, %dma_wait3A_213] : memref<32x5x20x100xi32, #tpu.memory_space<hbm>> -> memref<1x1x20x100xi32, #tpu.memory_space<hbm>>
      %dma_wait3A_215 = tpu.memref_squeeze %dma_wait3A_214 : memref<1x1x20x100xi32, #tpu.memory_space<hbm>> -> memref<20x100xi32, #tpu.memory_space<hbm>>
      tpu.wait_dma2 semaphore(%run_scoped3A_199 : memref<!tpu.dma_semaphore, #tpu.memory_space<semaphore_mem>>) src(%dma_wait3A_215 : memref<20x100xi32, #tpu.memory_space<hbm>>) dst(%arg6 : memref<20x100xi32, #tpu.memory_space<vmem>>)
      tpu.yield
    }) : () -> ()
    %run_scoped3A_88 = arith.constant 2 : i32
    "tpu.region"() ({
      %run_scoped3A_199 = tpu.sem_alloc : memref<!tpu.dma_semaphore, #tpu.memory_space<semaphore_mem>>
      %dma_start3A_200 = arith.constant 0 : i32
      %dma_start3A_201 = arith.constant 0 : i32
      %dma_start3A_202 = tpu.memref_slice %arg3[%add3A, %run_scoped3A_88, %dma_start3A_200, %dma_start3A_201] : memref<32x5x20x100xi32, #tpu.memory_space<hbm>> -> memref<1x1x20x100xi32, #tpu.memory_space<hbm>>
      %dma_start3A_203 = tpu.memref_squeeze %dma_start3A_202 : memref<1x1x20x100xi32, #tpu.memory_space<hbm>> -> memref<20x100xi32, #tpu.memory_space<hbm>>
      %dma_start3A_204 = arith.constant 0 : i32
      %dma_start3A_205 = arith.constant 0 : i32
      %dma_start3A_206 = tpu.memref_slice %arg3[%add3A, %run_scoped3A_88, %dma_start3A_204, %dma_start3A_205] : memref<32x5x20x100xi32, #tpu.memory_space<hbm>> -> memref<1x1x20x100xi32, #tpu.memory_space<hbm>>
      %dma_start3A_207 = tpu.memref_squeeze %dma_start3A_206 : memref<1x1x20x100xi32, #tpu.memory_space<hbm>> -> memref<20x100xi32, #tpu.memory_space<hbm>>
      tpu.enqueue_dma source(%dma_start3A_207 : memref<20x100xi32, #tpu.memory_space<hbm>>) target(%arg7 : memref<20x100xi32, #tpu.memory_space<vmem>>) target_semaphore(%run_scoped3A_199 : memref<!tpu.dma_semaphore, #tpu.memory_space<semaphore_mem>>)
      %dma_wait3A_208 = arith.constant 0 : i32
      %dma_wait3A_209 = arith.constant 0 : i32
      %dma_wait3A_210 = tpu.memref_slice %arg3[%add3A, %run_scoped3A_88, %dma_wait3A_208, %dma_wait3A_209] : memref<32x5x20x100xi32, #tpu.memory_space<hbm>> -> memref<1x1x20x100xi32, #tpu.memory_space<hbm>>
      %dma_wait3A_211 = tpu.memref_squeeze %dma_wait3A_210 : memref<1x1x20x100xi32, #tpu.memory_space<hbm>> -> memref<20x100xi32, #tpu.memory_space<hbm>>
      %dma_wait3A_212 = arith.constant 0 : i32
      %dma_wait3A_213 = arith.constant 0 : i32
      %dma_wait3A_214 = tpu.memref_slice %arg3[%add3A, %run_scoped3A_88, %dma_wait3A_212, %dma_wait3A_213] : memref<32x5x20x100xi32, #tpu.memory_space<hbm>> -> memref<1x1x20x100xi32, #tpu.memory_space<hbm>>
      %dma_wait3A_215 = tpu.memref_squeeze %dma_wait3A_214 : memref<1x1x20x100xi32, #tpu.memory_space<hbm>> -> memref<20x100xi32, #tpu.memory_space<hbm>>
      tpu.wait_dma2 semaphore(%run_scoped3A_199 : memref<!tpu.dma_semaphore, #tpu.memory_space<semaphore_mem>>) src(%dma_wait3A_215 : memref<20x100xi32, #tpu.memory_space<hbm>>) dst(%arg7 : memref<20x100xi32, #tpu.memory_space<vmem>>)
      tpu.yield
    }) : () -> ()
    %dma_start3A_89 = arith.constant 0 : i32
    %dma_start3A_90 = arith.constant 0 : i32
    %dma_start3A_91 = tpu.memref_slice %arg6[%dma_start3A_89, %dma_start3A_90] : memref<20x100xi32, #tpu.memory_space<vmem>> -> memref<1x100xi32, #tpu.memory_space<vmem>>
    %dma_start3A_92 = tpu.memref_squeeze %dma_start3A_91 : memref<1x100xi32, #tpu.memory_space<vmem>> -> memref<100xi32, #tpu.memory_space<vmem>>
    %dma_start3A_93 = arith.constant 0 : i32
    %dma_start3A_94 = arith.constant 0 : i32
    %dma_start3A_95 = tpu.memref_slice %arg4[%dma_start3A_93, %dma_start3A_94] : memref<10000x128xf32, #tpu.memory_space<hbm>> -> memref<10000x128xf32, #tpu.memory_space<hbm>>
    tpu.enqueue_indirect_dma source(%dma_start3A_95 : memref<10000x128xf32, #tpu.memory_space<hbm>>) target(%arg8 : memref<100x128xf32, #tpu.memory_space<vmem>>) offsets(%dma_start3A_92 : memref<100xi32, #tpu.memory_space<vmem>>) semaphore(%arg12 : memref<!tpu.dma_semaphore, #tpu.memory_space<semaphore_mem>>)
    %dma_start3A_96 = arith.constant 1 : i32
    %dma_start3A_97 = arith.constant 0 : i32
    %dma_start3A_98 = tpu.memref_slice %arg6[%dma_start3A_96, %dma_start3A_97] : memref<20x100xi32, #tpu.memory_space<vmem>> -> memref<1x100xi32, #tpu.memory_space<vmem>>
    %dma_start3A_99 = tpu.memref_squeeze %dma_start3A_98 : memref<1x100xi32, #tpu.memory_space<vmem>> -> memref<100xi32, #tpu.memory_space<vmem>>
    %dma_start3A_100 = arith.constant 0 : i32
    %dma_start3A_101 = arith.constant 0 : i32
    %dma_start3A_102 = tpu.memref_slice %arg4[%dma_start3A_100, %dma_start3A_101] : memref<10000x128xf32, #tpu.memory_space<hbm>> -> memref<10000x128xf32, #tpu.memory_space<hbm>>
    tpu.enqueue_indirect_dma source(%dma_start3A_102 : memref<10000x128xf32, #tpu.memory_space<hbm>>) target(%arg9 : memref<100x128xf32, #tpu.memory_space<vmem>>) offsets(%dma_start3A_99 : memref<100xi32, #tpu.memory_space<vmem>>) semaphore(%arg13 : memref<!tpu.dma_semaphore, #tpu.memory_space<semaphore_mem>>)
    %scan3A_103 = arith.constant 0 : i32
    %scan3A_104 = arith.constant 6 : i32
    %scan3A_105 = arith.addi %scan3A_103, %scan3A_104 : i32
    %scan3A_106 = arith.constant 1 : i32
    scf.for %scan3A_199 = %scan3A_103 to %scan3A_105 step %scan3A_106  : i32 {
      %mul3A_200 = arith.constant 1 : i32
      %mul3A_201 = arith.muli %scan3A_199, %mul3A_200 : i32
      %add3A_202 = arith.constant 0 : i32
      %add3A_203 = arith.addi %add3A_202, %mul3A_201 : i32
      %mul3A_204 = arith.constant 3 : i32
      %mul3A_205 = arith.muli %mul3A_204, %add3A_203 : i32
      %add3A_206 = arith.constant 2 : i32
      %add3A_207 = arith.addi %mul3A_205, %add3A_206 : i32
      %dma_start3A_208 = arith.constant 0 : i32
      %dma_start3A_209 = tpu.memref_slice %arg6[%add3A_207, %dma_start3A_208] : memref<20x100xi32, #tpu.memory_space<vmem>> -> memref<1x100xi32, #tpu.memory_space<vmem>>
      %dma_start3A_210 = tpu.memref_squeeze %dma_start3A_209 : memref<1x100xi32, #tpu.memory_space<vmem>> -> memref<100xi32, #tpu.memory_space<vmem>>
      %dma_start3A_211 = arith.constant 0 : i32
      %dma_start3A_212 = arith.constant 0 : i32
      %dma_start3A_213 = tpu.memref_slice %arg4[%dma_start3A_211, %dma_start3A_212] : memref<10000x128xf32, #tpu.memory_space<hbm>> -> memref<10000x128xf32, #tpu.memory_space<hbm>>
      tpu.enqueue_indirect_dma source(%dma_start3A_213 : memref<10000x128xf32, #tpu.memory_space<hbm>>) target(%arg10 : memref<100x128xf32, #tpu.memory_space<vmem>>) offsets(%dma_start3A_210 : memref<100xi32, #tpu.memory_space<vmem>>) semaphore(%arg14 : memref<!tpu.dma_semaphore, #tpu.memory_space<semaphore_mem>>)
      %dma_wait3A_214 = arith.constant 0 : i32
      %dma_wait3A_215 = tpu.memref_slice %arg6[%mul3A_205, %dma_wait3A_214] : memref<20x100xi32, #tpu.memory_space<vmem>> -> memref<1x100xi32, #tpu.memory_space<vmem>>
      %dma_wait3A_216 = tpu.memref_squeeze %dma_wait3A_215 : memref<1x100xi32, #tpu.memory_space<vmem>> -> memref<100xi32, #tpu.memory_space<vmem>>
      %dma_wait3A_217 = arith.constant 0 : i32
      %dma_wait3A_218 = arith.constant 0 : i32
      %dma_wait3A_219 = tpu.memref_slice %arg4[%dma_wait3A_217, %dma_wait3A_218] : memref<10000x128xf32, #tpu.memory_space<hbm>> -> memref<10000x128xf32, #tpu.memory_space<hbm>>
      tpu.wait_indirect_dma semaphore(%arg12 : memref<!tpu.dma_semaphore, #tpu.memory_space<semaphore_mem>>) src(%dma_wait3A_219 : memref<10000x128xf32, #tpu.memory_space<hbm>>) dst(%arg8 : memref<100x128xf32, #tpu.memory_space<vmem>>)
      "tpu.region"() ({
        %run_scoped3A_252 = tpu.sem_alloc : memref<!tpu.dma_semaphore, #tpu.memory_space<semaphore_mem>>
        %dma_start3A_253 = arith.constant 0 : i32
        %dma_start3A_254 = tpu.memref_slice %arg7[%mul3A_205, %dma_start3A_253] : memref<20x100xi32, #tpu.memory_space<vmem>> -> memref<1x100xi32, #tpu.memory_space<vmem>>
        %dma_start3A_255 = tpu.memref_squeeze %dma_start3A_254 : memref<1x100xi32, #tpu.memory_space<vmem>> -> memref<100xi32, #tpu.memory_space<vmem>>
        %dma_start3A_256 = arith.constant 0 : i32
        %dma_start3A_257 = arith.constant 0 : i32
        %dma_start3A_258 = tpu.memref_slice %arg11[%dma_start3A_256, %dma_start3A_257] : memref<10240x128xf32, #tpu.memory_space<vmem_shared>> -> memref<10240x128xf32, #tpu.memory_space<vmem_shared>>
        tpu.enqueue_indirect_dma source(%arg8 : memref<100x128xf32, #tpu.memory_space<vmem>>) target(%dma_start3A_258 : memref<10240x128xf32, #tpu.memory_space<vmem_shared>>) offsets(%dma_start3A_255 : memref<100xi32, #tpu.memory_space<vmem>>) semaphore(%run_scoped3A_252 : memref<!tpu.dma_semaphore, #tpu.memory_space<semaphore_mem>>) {add = true}
        %dma_wait3A_259 = arith.constant 0 : i32
        %dma_wait3A_260 = tpu.memref_slice %arg7[%mul3A_205, %dma_wait3A_259] : memref<20x100xi32, #tpu.memory_space<vmem>> -> memref<1x100xi32, #tpu.memory_space<vmem>>
        %dma_wait3A_261 = tpu.memref_squeeze %dma_wait3A_260 : memref<1x100xi32, #tpu.memory_space<vmem>> -> memref<100xi32, #tpu.memory_space<vmem>>
        %dma_wait3A_262 = arith.constant 0 : i32
        %dma_wait3A_263 = arith.constant 0 : i32
        %dma_wait3A_264 = tpu.memref_slice %arg11[%dma_wait3A_262, %dma_wait3A_263] : memref<10240x128xf32, #tpu.memory_space<vmem_shared>> -> memref<10240x128xf32, #tpu.memory_space<vmem_shared>>
        tpu.wait_indirect_dma semaphore(%run_scoped3A_252 : memref<!tpu.dma_semaphore, #tpu.memory_space<semaphore_mem>>) src(%arg8 : memref<100x128xf32, #tpu.memory_space<vmem>>) dst(%dma_wait3A_264 : memref<10240x128xf32, #tpu.memory_space<vmem_shared>>)
        tpu.yield
      }) : () -> ()
      %add3A_220 = arith.constant 3 : i32
      %add3A_221 = arith.addi %mul3A_205, %add3A_220 : i32
      %dma_start3A_222 = arith.constant 0 : i32
      %dma_start3A_223 = tpu.memref_slice %arg6[%add3A_221, %dma_start3A_222] : memref<20x100xi32, #tpu.memory_space<vmem>> -> memref<1x100xi32, #tpu.memory_space<vmem>>
      %dma_start3A_224 = tpu.memref_squeeze %dma_start3A_223 : memref<1x100xi32, #tpu.memory_space<vmem>> -> memref<100xi32, #tpu.memory_space<vmem>>
      %dma_start3A_225 = arith.constant 0 : i32
      %dma_start3A_226 = arith.constant 0 : i32
      %dma_start3A_227 = tpu.memref_slice %arg4[%dma_start3A_225, %dma_start3A_226] : memref<10000x128xf32, #tpu.memory_space<hbm>> -> memref<10000x128xf32, #tpu.memory_space<hbm>>
      tpu.enqueue_indirect_dma source(%dma_start3A_227 : memref<10000x128xf32, #tpu.memory_space<hbm>>) target(%arg8 : memref<100x128xf32, #tpu.memory_space<vmem>>) offsets(%dma_start3A_224 : memref<100xi32, #tpu.memory_space<vmem>>) semaphore(%arg12 : memref<!tpu.dma_semaphore, #tpu.memory_space<semaphore_mem>>)
      %add3A_228 = arith.constant 1 : i32
      %add3A_229 = arith.addi %mul3A_205, %add3A_228 : i32
      %dma_wait3A_230 = arith.constant 0 : i32
      %dma_wait3A_231 = tpu.memref_slice %arg6[%add3A_229, %dma_wait3A_230] : memref<20x100xi32, #tpu.memory_space<vmem>> -> memref<1x100xi32, #tpu.memory_space<vmem>>
      %dma_wait3A_232 = tpu.memref_squeeze %dma_wait3A_231 : memref<1x100xi32, #tpu.memory_space<vmem>> -> memref<100xi32, #tpu.memory_space<vmem>>
      %dma_wait3A_233 = arith.constant 0 : i32
      %dma_wait3A_234 = arith.constant 0 : i32
      %dma_wait3A_235 = tpu.memref_slice %arg4[%dma_wait3A_233, %dma_wait3A_234] : memref<10000x128xf32, #tpu.memory_space<hbm>> -> memref<10000x128xf32, #tpu.memory_space<hbm>>
      tpu.wait_indirect_dma semaphore(%arg13 : memref<!tpu.dma_semaphore, #tpu.memory_space<semaphore_mem>>) src(%dma_wait3A_235 : memref<10000x128xf32, #tpu.memory_space<hbm>>) dst(%arg9 : memref<100x128xf32, #tpu.memory_space<vmem>>)
      "tpu.region"() ({
        %run_scoped3A_252 = tpu.sem_alloc : memref<!tpu.dma_semaphore, #tpu.memory_space<semaphore_mem>>
        %dma_start3A_253 = arith.constant 0 : i32
        %dma_start3A_254 = tpu.memref_slice %arg7[%add3A_229, %dma_start3A_253] : memref<20x100xi32, #tpu.memory_space<vmem>> -> memref<1x100xi32, #tpu.memory_space<vmem>>
        %dma_start3A_255 = tpu.memref_squeeze %dma_start3A_254 : memref<1x100xi32, #tpu.memory_space<vmem>> -> memref<100xi32, #tpu.memory_space<vmem>>
        %dma_start3A_256 = arith.constant 0 : i32
        %dma_start3A_257 = arith.constant 0 : i32
        %dma_start3A_258 = tpu.memref_slice %arg11[%dma_start3A_256, %dma_start3A_257] : memref<10240x128xf32, #tpu.memory_space<vmem_shared>> -> memref<10240x128xf32, #tpu.memory_space<vmem_shared>>
        tpu.enqueue_indirect_dma source(%arg9 : memref<100x128xf32, #tpu.memory_space<vmem>>) target(%dma_start3A_258 : memref<10240x128xf32, #tpu.memory_space<vmem_shared>>) offsets(%dma_start3A_255 : memref<100xi32, #tpu.memory_space<vmem>>) semaphore(%run_scoped3A_252 : memref<!tpu.dma_semaphore, #tpu.memory_space<semaphore_mem>>) {add = true}
        %dma_wait3A_259 = arith.constant 0 : i32
        %dma_wait3A_260 = tpu.memref_slice %arg7[%add3A_229, %dma_wait3A_259] : memref<20x100xi32, #tpu.memory_space<vmem>> -> memref<1x100xi32, #tpu.memory_space<vmem>>
        %dma_wait3A_261 = tpu.memref_squeeze %dma_wait3A_260 : memref<1x100xi32, #tpu.memory_space<vmem>> -> memref<100xi32, #tpu.memory_space<vmem>>
        %dma_wait3A_262 = arith.constant 0 : i32
        %dma_wait3A_263 = arith.constant 0 : i32
        %dma_wait3A_264 = tpu.memref_slice %arg11[%dma_wait3A_262, %dma_wait3A_263] : memref<10240x128xf32, #tpu.memory_space<vmem_shared>> -> memref<10240x128xf32, #tpu.memory_space<vmem_shared>>
        tpu.wait_indirect_dma semaphore(%run_scoped3A_252 : memref<!tpu.dma_semaphore, #tpu.memory_space<semaphore_mem>>) src(%arg9 : memref<100x128xf32, #tpu.memory_space<vmem>>) dst(%dma_wait3A_264 : memref<10240x128xf32, #tpu.memory_space<vmem_shared>>)
        tpu.yield
      }) : () -> ()
      %add3A_236 = arith.constant 4 : i32
      %add3A_237 = arith.addi %mul3A_205, %add3A_236 : i32
      %dma_start3A_238 = arith.constant 0 : i32
      %dma_start3A_239 = tpu.memref_slice %arg6[%add3A_237, %dma_start3A_238] : memref<20x100xi32, #tpu.memory_space<vmem>> -> memref<1x100xi32, #tpu.memory_space<vmem>>
      %dma_start3A_240 = tpu.memref_squeeze %dma_start3A_239 : memref<1x100xi32, #tpu.memory_space<vmem>> -> memref<100xi32, #tpu.memory_space<vmem>>
      %dma_start3A_241 = arith.constant 0 : i32
      %dma_start3A_242 = arith.constant 0 : i32
      %dma_start3A_243 = tpu.memref_slice %arg4[%dma_start3A_241, %dma_start3A_242] : memref<10000x128xf32, #tpu.memory_space<hbm>> -> memref<10000x128xf32, #tpu.memory_space<hbm>>
      tpu.enqueue_indirect_dma source(%dma_start3A_243 : memref<10000x128xf32, #tpu.memory_space<hbm>>) target(%arg9 : memref<100x128xf32, #tpu.memory_space<vmem>>) offsets(%dma_start3A_240 : memref<100xi32, #tpu.memory_space<vmem>>) semaphore(%arg13 : memref<!tpu.dma_semaphore, #tpu.memory_space<semaphore_mem>>)
      %add3A_244 = arith.constant 2 : i32
      %add3A_245 = arith.addi %mul3A_205, %add3A_244 : i32
      %dma_wait3A_246 = arith.constant 0 : i32
      %dma_wait3A_247 = tpu.memref_slice %arg6[%add3A_245, %dma_wait3A_246] : memref<20x100xi32, #tpu.memory_space<vmem>> -> memref<1x100xi32, #tpu.memory_space<vmem>>
      %dma_wait3A_248 = tpu.memref_squeeze %dma_wait3A_247 : memref<1x100xi32, #tpu.memory_space<vmem>> -> memref<100xi32, #tpu.memory_space<vmem>>
      %dma_wait3A_249 = arith.constant 0 : i32
      %dma_wait3A_250 = arith.constant 0 : i32
      %dma_wait3A_251 = tpu.memref_slice %arg4[%dma_wait3A_249, %dma_wait3A_250] : memref<10000x128xf32, #tpu.memory_space<hbm>> -> memref<10000x128xf32, #tpu.memory_space<hbm>>
      tpu.wait_indirect_dma semaphore(%arg14 : memref<!tpu.dma_semaphore, #tpu.memory_space<semaphore_mem>>) src(%dma_wait3A_251 : memref<10000x128xf32, #tpu.memory_space<hbm>>) dst(%arg10 : memref<100x128xf32, #tpu.memory_space<vmem>>)
      "tpu.region"() ({
        %run_scoped3A_252 = tpu.sem_alloc : memref<!tpu.dma_semaphore, #tpu.memory_space<semaphore_mem>>
        %dma_start3A_253 = arith.constant 0 : i32
        %dma_start3A_254 = tpu.memref_slice %arg7[%add3A_245, %dma_start3A_253] : memref<20x100xi32, #tpu.memory_space<vmem>> -> memref<1x100xi32, #tpu.memory_space<vmem>>
        %dma_start3A_255 = tpu.memref_squeeze %dma_start3A_254 : memref<1x100xi32, #tpu.memory_space<vmem>> -> memref<100xi32, #tpu.memory_space<vmem>>
        %dma_start3A_256 = arith.constant 0 : i32
        %dma_start3A_257 = arith.constant 0 : i32
        %dma_start3A_258 = tpu.memref_slice %arg11[%dma_start3A_256, %dma_start3A_257] : memref<10240x128xf32, #tpu.memory_space<vmem_shared>> -> memref<10240x128xf32, #tpu.memory_space<vmem_shared>>
        tpu.enqueue_indirect_dma source(%arg10 : memref<100x128xf32, #tpu.memory_space<vmem>>) target(%dma_start3A_258 : memref<10240x128xf32, #tpu.memory_space<vmem_shared>>) offsets(%dma_start3A_255 : memref<100xi32, #tpu.memory_space<vmem>>) semaphore(%run_scoped3A_252 : memref<!tpu.dma_semaphore, #tpu.memory_space<semaphore_mem>>) {add = true}
        %dma_wait3A_259 = arith.constant 0 : i32
        %dma_wait3A_260 = tpu.memref_slice %arg7[%add3A_245, %dma_wait3A_259] : memref<20x100xi32, #tpu.memory_space<vmem>> -> memref<1x100xi32, #tpu.memory_space<vmem>>
        %dma_wait3A_261 = tpu.memref_squeeze %dma_wait3A_260 : memref<1x100xi32, #tpu.memory_space<vmem>> -> memref<100xi32, #tpu.memory_space<vmem>>
        %dma_wait3A_262 = arith.constant 0 : i32
        %dma_wait3A_263 = arith.constant 0 : i32
        %dma_wait3A_264 = tpu.memref_slice %arg11[%dma_wait3A_262, %dma_wait3A_263] : memref<10240x128xf32, #tpu.memory_space<vmem_shared>> -> memref<10240x128xf32, #tpu.memory_space<vmem_shared>>
        tpu.wait_indirect_dma semaphore(%run_scoped3A_252 : memref<!tpu.dma_semaphore, #tpu.memory_space<semaphore_mem>>) src(%arg10 : memref<100x128xf32, #tpu.memory_space<vmem>>) dst(%dma_wait3A_264 : memref<10240x128xf32, #tpu.memory_space<vmem_shared>>)
        tpu.yield
      }) : () -> ()
    }
    %scan3A_107 = arith.constant 6 : i32
    %dma_wait3A_108 = arith.constant 18 : i32
    %dma_wait3A_109 = arith.constant 0 : i32
    %dma_wait3A_110 = tpu.memref_slice %arg6[%dma_wait3A_108, %dma_wait3A_109] : memref<20x100xi32, #tpu.memory_space<vmem>> -> memref<1x100xi32, #tpu.memory_space<vmem>>
    %dma_wait3A_111 = tpu.memref_squeeze %dma_wait3A_110 : memref<1x100xi32, #tpu.memory_space<vmem>> -> memref<100xi32, #tpu.memory_space<vmem>>
    %dma_wait3A_112 = arith.constant 0 : i32
    %dma_wait3A_113 = arith.constant 0 : i32
    %dma_wait3A_114 = tpu.memref_slice %arg4[%dma_wait3A_112, %dma_wait3A_113] : memref<10000x128xf32, #tpu.memory_space<hbm>> -> memref<10000x128xf32, #tpu.memory_space<hbm>>
    tpu.wait_indirect_dma semaphore(%arg12 : memref<!tpu.dma_semaphore, #tpu.memory_space<semaphore_mem>>) src(%dma_wait3A_114 : memref<10000x128xf32, #tpu.memory_space<hbm>>) dst(%arg8 : memref<100x128xf32, #tpu.memory_space<vmem>>)
    %run_scoped3A_115 = arith.constant 18 : i32
    "tpu.region"() ({
      %run_scoped3A_199 = tpu.sem_alloc : memref<!tpu.dma_semaphore, #tpu.memory_space<semaphore_mem>>
      %dma_start3A_200 = arith.constant 0 : i32
      %dma_start3A_201 = tpu.memref_slice %arg7[%run_scoped3A_115, %dma_start3A_200] : memref<20x100xi32, #tpu.memory_space<vmem>> -> memref<1x100xi32, #tpu.memory_space<vmem>>
      %dma_start3A_202 = tpu.memref_squeeze %dma_start3A_201 : memref<1x100xi32, #tpu.memory_space<vmem>> -> memref<100xi32, #tpu.memory_space<vmem>>
      %dma_start3A_203 = arith.constant 0 : i32
      %dma_start3A_204 = arith.constant 0 : i32
      %dma_start3A_205 = tpu.memref_slice %arg11[%dma_start3A_203, %dma_start3A_204] : memref<10240x128xf32, #tpu.memory_space<vmem_shared>> -> memref<10240x128xf32, #tpu.memory_space<vmem_shared>>
      tpu.enqueue_indirect_dma source(%arg8 : memref<100x128xf32, #tpu.memory_space<vmem>>) target(%dma_start3A_205 : memref<10240x128xf32, #tpu.memory_space<vmem_shared>>) offsets(%dma_start3A_202 : memref<100xi32, #tpu.memory_space<vmem>>) semaphore(%run_scoped3A_199 : memref<!tpu.dma_semaphore, #tpu.memory_space<semaphore_mem>>) {add = true}
      %dma_wait3A_206 = arith.constant 0 : i32
      %dma_wait3A_207 = tpu.memref_slice %arg7[%run_scoped3A_115, %dma_wait3A_206] : memref<20x100xi32, #tpu.memory_space<vmem>> -> memref<1x100xi32, #tpu.memory_space<vmem>>
      %dma_wait3A_208 = tpu.memref_squeeze %dma_wait3A_207 : memref<1x100xi32, #tpu.memory_space<vmem>> -> memref<100xi32, #tpu.memory_space<vmem>>
      %dma_wait3A_209 = arith.constant 0 : i32
      %dma_wait3A_210 = arith.constant 0 : i32
      %dma_wait3A_211 = tpu.memref_slice %arg11[%dma_wait3A_209, %dma_wait3A_210] : memref<10240x128xf32, #tpu.memory_space<vmem_shared>> -> memref<10240x128xf32, #tpu.memory_space<vmem_shared>>
      tpu.wait_indirect_dma semaphore(%run_scoped3A_199 : memref<!tpu.dma_semaphore, #tpu.memory_space<semaphore_mem>>) src(%arg8 : memref<100x128xf32, #tpu.memory_space<vmem>>) dst(%dma_wait3A_211 : memref<10240x128xf32, #tpu.memory_space<vmem_shared>>)
      tpu.yield
    }) : () -> ()
    %dma_wait3A_116 = arith.constant 19 : i32
    %dma_wait3A_117 = arith.constant 0 : i32
    %dma_wait3A_118 = tpu.memref_slice %arg6[%dma_wait3A_116, %dma_wait3A_117] : memref<20x100xi32, #tpu.memory_space<vmem>> -> memref<1x100xi32, #tpu.memory_space<vmem>>
    %dma_wait3A_119 = tpu.memref_squeeze %dma_wait3A_118 : memref<1x100xi32, #tpu.memory_space<vmem>> -> memref<100xi32, #tpu.memory_space<vmem>>
    %dma_wait3A_120 = arith.constant 0 : i32
    %dma_wait3A_121 = arith.constant 0 : i32
    %dma_wait3A_122 = tpu.memref_slice %arg4[%dma_wait3A_120, %dma_wait3A_121] : memref<10000x128xf32, #tpu.memory_space<hbm>> -> memref<10000x128xf32, #tpu.memory_space<hbm>>
    tpu.wait_indirect_dma semaphore(%arg13 : memref<!tpu.dma_semaphore, #tpu.memory_space<semaphore_mem>>) src(%dma_wait3A_122 : memref<10000x128xf32, #tpu.memory_space<hbm>>) dst(%arg9 : memref<100x128xf32, #tpu.memory_space<vmem>>)
    %run_scoped3A_123 = arith.constant 19 : i32
    "tpu.region"() ({
      %run_scoped3A_199 = tpu.sem_alloc : memref<!tpu.dma_semaphore, #tpu.memory_space<semaphore_mem>>
      %dma_start3A_200 = arith.constant 0 : i32
      %dma_start3A_201 = tpu.memref_slice %arg7[%run_scoped3A_123, %dma_start3A_200] : memref<20x100xi32, #tpu.memory_space<vmem>> -> memref<1x100xi32, #tpu.memory_space<vmem>>
      %dma_start3A_202 = tpu.memref_squeeze %dma_start3A_201 : memref<1x100xi32, #tpu.memory_space<vmem>> -> memref<100xi32, #tpu.memory_space<vmem>>
      %dma_start3A_203 = arith.constant 0 : i32
      %dma_start3A_204 = arith.constant 0 : i32
      %dma_start3A_205 = tpu.memref_slice %arg11[%dma_start3A_203, %dma_start3A_204] : memref<10240x128xf32, #tpu.memory_space<vmem_shared>> -> memref<10240x128xf32, #tpu.memory_space<vmem_shared>>
      tpu.enqueue_indirect_dma source(%arg9 : memref<100x128xf32, #tpu.memory_space<vmem>>) target(%dma_start3A_205 : memref<10240x128xf32, #tpu.memory_space<vmem_shared>>) offsets(%dma_start3A_202 : memref<100xi32, #tpu.memory_space<vmem>>) semaphore(%run_scoped3A_199 : memref<!tpu.dma_semaphore, #tpu.memory_space<semaphore_mem>>) {add = true}
      %dma_wait3A_206 = arith.constant 0 : i32
      %dma_wait3A_207 = tpu.memref_slice %arg7[%run_scoped3A_123, %dma_wait3A_206] : memref<20x100xi32, #tpu.memory_space<vmem>> -> memref<1x100xi32, #tpu.memory_space<vmem>>
      %dma_wait3A_208 = tpu.memref_squeeze %dma_wait3A_207 : memref<1x100xi32, #tpu.memory_space<vmem>> -> memref<100xi32, #tpu.memory_space<vmem>>
      %dma_wait3A_209 = arith.constant 0 : i32
      %dma_wait3A_210 = arith.constant 0 : i32
      %dma_wait3A_211 = tpu.memref_slice %arg11[%dma_wait3A_209, %dma_wait3A_210] : memref<10240x128xf32, #tpu.memory_space<vmem_shared>> -> memref<10240x128xf32, #tpu.memory_space<vmem_shared>>
      tpu.wait_indirect_dma semaphore(%run_scoped3A_199 : memref<!tpu.dma_semaphore, #tpu.memory_space<semaphore_mem>>) src(%arg9 : memref<100x128xf32, #tpu.memory_space<vmem>>) dst(%dma_wait3A_211 : memref<10240x128xf32, #tpu.memory_space<vmem_shared>>)
      tpu.yield
    }) : () -> ()
    %run_scoped3A_124 = arith.constant 3 : i32
    "tpu.region"() ({
      %run_scoped3A_199 = tpu.sem_alloc : memref<!tpu.dma_semaphore, #tpu.memory_space<semaphore_mem>>
      %dma_start3A_200 = arith.constant 0 : i32
      %dma_start3A_201 = arith.constant 0 : i32
      %dma_start3A_202 = tpu.memref_slice %arg2[%add3A, %run_scoped3A_124, %dma_start3A_200, %dma_start3A_201] : memref<32x5x20x100xi32, #tpu.memory_space<hbm>> -> memref<1x1x20x100xi32, #tpu.memory_space<hbm>>
      %dma_start3A_203 = tpu.memref_squeeze %dma_start3A_202 : memref<1x1x20x100xi32, #tpu.memory_space<hbm>> -> memref<20x100xi32, #tpu.memory_space<hbm>>
      %dma_start3A_204 = arith.constant 0 : i32
      %dma_start3A_205 = arith.constant 0 : i32
      %dma_start3A_206 = tpu.memref_slice %arg2[%add3A, %run_scoped3A_124, %dma_start3A_204, %dma_start3A_205] : memref<32x5x20x100xi32, #tpu.memory_space<hbm>> -> memref<1x1x20x100xi32, #tpu.memory_space<hbm>>
      %dma_start3A_207 = tpu.memref_squeeze %dma_start3A_206 : memref<1x1x20x100xi32, #tpu.memory_space<hbm>> -> memref<20x100xi32, #tpu.memory_space<hbm>>
      tpu.enqueue_dma source(%dma_start3A_207 : memref<20x100xi32, #tpu.memory_space<hbm>>) target(%arg6 : memref<20x100xi32, #tpu.memory_space<vmem>>) target_semaphore(%run_scoped3A_199 : memref<!tpu.dma_semaphore, #tpu.memory_space<semaphore_mem>>)
      %dma_wait3A_208 = arith.constant 0 : i32
      %dma_wait3A_209 = arith.constant 0 : i32
      %dma_wait3A_210 = tpu.memref_slice %arg2[%add3A, %run_scoped3A_124, %dma_wait3A_208, %dma_wait3A_209] : memref<32x5x20x100xi32, #tpu.memory_space<hbm>> -> memref<1x1x20x100xi32, #tpu.memory_space<hbm>>
      %dma_wait3A_211 = tpu.memref_squeeze %dma_wait3A_210 : memref<1x1x20x100xi32, #tpu.memory_space<hbm>> -> memref<20x100xi32, #tpu.memory_space<hbm>>
      %dma_wait3A_212 = arith.constant 0 : i32
      %dma_wait3A_213 = arith.constant 0 : i32
      %dma_wait3A_214 = tpu.memref_slice %arg2[%add3A, %run_scoped3A_124, %dma_wait3A_212, %dma_wait3A_213] : memref<32x5x20x100xi32, #tpu.memory_space<hbm>> -> memref<1x1x20x100xi32, #tpu.memory_space<hbm>>
      %dma_wait3A_215 = tpu.memref_squeeze %dma_wait3A_214 : memref<1x1x20x100xi32, #tpu.memory_space<hbm>> -> memref<20x100xi32, #tpu.memory_space<hbm>>
      tpu.wait_dma2 semaphore(%run_scoped3A_199 : memref<!tpu.dma_semaphore, #tpu.memory_space<semaphore_mem>>) src(%dma_wait3A_215 : memref<20x100xi32, #tpu.memory_space<hbm>>) dst(%arg6 : memref<20x100xi32, #tpu.memory_space<vmem>>)
      tpu.yield
    }) : () -> ()
    %run_scoped3A_125 = arith.constant 3 : i32
    "tpu.region"() ({
      %run_scoped3A_199 = tpu.sem_alloc : memref<!tpu.dma_semaphore, #tpu.memory_space<semaphore_mem>>
      %dma_start3A_200 = arith.constant 0 : i32
      %dma_start3A_201 = arith.constant 0 : i32
      %dma_start3A_202 = tpu.memref_slice %arg3[%add3A, %run_scoped3A_125, %dma_start3A_200, %dma_start3A_201] : memref<32x5x20x100xi32, #tpu.memory_space<hbm>> -> memref<1x1x20x100xi32, #tpu.memory_space<hbm>>
      %dma_start3A_203 = tpu.memref_squeeze %dma_start3A_202 : memref<1x1x20x100xi32, #tpu.memory_space<hbm>> -> memref<20x100xi32, #tpu.memory_space<hbm>>
      %dma_start3A_204 = arith.constant 0 : i32
      %dma_start3A_205 = arith.constant 0 : i32
      %dma_start3A_206 = tpu.memref_slice %arg3[%add3A, %run_scoped3A_125, %dma_start3A_204, %dma_start3A_205] : memref<32x5x20x100xi32, #tpu.memory_space<hbm>> -> memref<1x1x20x100xi32, #tpu.memory_space<hbm>>
      %dma_start3A_207 = tpu.memref_squeeze %dma_start3A_206 : memref<1x1x20x100xi32, #tpu.memory_space<hbm>> -> memref<20x100xi32, #tpu.memory_space<hbm>>
      tpu.enqueue_dma source(%dma_start3A_207 : memref<20x100xi32, #tpu.memory_space<hbm>>) target(%arg7 : memref<20x100xi32, #tpu.memory_space<vmem>>) target_semaphore(%run_scoped3A_199 : memref<!tpu.dma_semaphore, #tpu.memory_space<semaphore_mem>>)
      %dma_wait3A_208 = arith.constant 0 : i32
      %dma_wait3A_209 = arith.constant 0 : i32
      %dma_wait3A_210 = tpu.memref_slice %arg3[%add3A, %run_scoped3A_125, %dma_wait3A_208, %dma_wait3A_209] : memref<32x5x20x100xi32, #tpu.memory_space<hbm>> -> memref<1x1x20x100xi32, #tpu.memory_space<hbm>>
      %dma_wait3A_211 = tpu.memref_squeeze %dma_wait3A_210 : memref<1x1x20x100xi32, #tpu.memory_space<hbm>> -> memref<20x100xi32, #tpu.memory_space<hbm>>
      %dma_wait3A_212 = arith.constant 0 : i32
      %dma_wait3A_213 = arith.constant 0 : i32
      %dma_wait3A_214 = tpu.memref_slice %arg3[%add3A, %run_scoped3A_125, %dma_wait3A_212, %dma_wait3A_213] : memref<32x5x20x100xi32, #tpu.memory_space<hbm>> -> memref<1x1x20x100xi32, #tpu.memory_space<hbm>>
      %dma_wait3A_215 = tpu.memref_squeeze %dma_wait3A_214 : memref<1x1x20x100xi32, #tpu.memory_space<hbm>> -> memref<20x100xi32, #tpu.memory_space<hbm>>
      tpu.wait_dma2 semaphore(%run_scoped3A_199 : memref<!tpu.dma_semaphore, #tpu.memory_space<semaphore_mem>>) src(%dma_wait3A_215 : memref<20x100xi32, #tpu.memory_space<hbm>>) dst(%arg7 : memref<20x100xi32, #tpu.memory_space<vmem>>)
      tpu.yield
    }) : () -> ()
    %dma_start3A_126 = arith.constant 0 : i32
    %dma_start3A_127 = arith.constant 0 : i32
    %dma_start3A_128 = tpu.memref_slice %arg6[%dma_start3A_126, %dma_start3A_127] : memref<20x100xi32, #tpu.memory_space<vmem>> -> memref<1x100xi32, #tpu.memory_space<vmem>>
    %dma_start3A_129 = tpu.memref_squeeze %dma_start3A_128 : memref<1x100xi32, #tpu.memory_space<vmem>> -> memref<100xi32, #tpu.memory_space<vmem>>
    %dma_start3A_130 = arith.constant 0 : i32
    %dma_start3A_131 = arith.constant 0 : i32
    %dma_start3A_132 = tpu.memref_slice %arg4[%dma_start3A_130, %dma_start3A_131] : memref<10000x128xf32, #tpu.memory_space<hbm>> -> memref<10000x128xf32, #tpu.memory_space<hbm>>
    tpu.enqueue_indirect_dma source(%dma_start3A_132 : memref<10000x128xf32, #tpu.memory_space<hbm>>) target(%arg8 : memref<100x128xf32, #tpu.memory_space<vmem>>) offsets(%dma_start3A_129 : memref<100xi32, #tpu.memory_space<vmem>>) semaphore(%arg12 : memref<!tpu.dma_semaphore, #tpu.memory_space<semaphore_mem>>)
    %dma_start3A_133 = arith.constant 1 : i32
    %dma_start3A_134 = arith.constant 0 : i32
    %dma_start3A_135 = tpu.memref_slice %arg6[%dma_start3A_133, %dma_start3A_134] : memref<20x100xi32, #tpu.memory_space<vmem>> -> memref<1x100xi32, #tpu.memory_space<vmem>>
    %dma_start3A_136 = tpu.memref_squeeze %dma_start3A_135 : memref<1x100xi32, #tpu.memory_space<vmem>> -> memref<100xi32, #tpu.memory_space<vmem>>
    %dma_start3A_137 = arith.constant 0 : i32
    %dma_start3A_138 = arith.constant 0 : i32
    %dma_start3A_139 = tpu.memref_slice %arg4[%dma_start3A_137, %dma_start3A_138] : memref<10000x128xf32, #tpu.memory_space<hbm>> -> memref<10000x128xf32, #tpu.memory_space<hbm>>
    tpu.enqueue_indirect_dma source(%dma_start3A_139 : memref<10000x128xf32, #tpu.memory_space<hbm>>) target(%arg9 : memref<100x128xf32, #tpu.memory_space<vmem>>) offsets(%dma_start3A_136 : memref<100xi32, #tpu.memory_space<vmem>>) semaphore(%arg13 : memref<!tpu.dma_semaphore, #tpu.memory_space<semaphore_mem>>)
    %scan3A_140 = arith.constant 0 : i32
    %scan3A_141 = arith.constant 6 : i32
    %scan3A_142 = arith.addi %scan3A_140, %scan3A_141 : i32
    %scan3A_143 = arith.constant 1 : i32
    scf.for %scan3A_199 = %scan3A_140 to %scan3A_142 step %scan3A_143  : i32 {
      %mul3A_200 = arith.constant 1 : i32
      %mul3A_201 = arith.muli %scan3A_199, %mul3A_200 : i32
      %add3A_202 = arith.constant 0 : i32
      %add3A_203 = arith.addi %add3A_202, %mul3A_201 : i32
      %mul3A_204 = arith.constant 3 : i32
      %mul3A_205 = arith.muli %mul3A_204, %add3A_203 : i32
      %add3A_206 = arith.constant 2 : i32
      %add3A_207 = arith.addi %mul3A_205, %add3A_206 : i32
      %dma_start3A_208 = arith.constant 0 : i32
      %dma_start3A_209 = tpu.memref_slice %arg6[%add3A_207, %dma_start3A_208] : memref<20x100xi32, #tpu.memory_space<vmem>> -> memref<1x100xi32, #tpu.memory_space<vmem>>
      %dma_start3A_210 = tpu.memref_squeeze %dma_start3A_209 : memref<1x100xi32, #tpu.memory_space<vmem>> -> memref<100xi32, #tpu.memory_space<vmem>>
      %dma_start3A_211 = arith.constant 0 : i32
      %dma_start3A_212 = arith.constant 0 : i32
      %dma_start3A_213 = tpu.memref_slice %arg4[%dma_start3A_211, %dma_start3A_212] : memref<10000x128xf32, #tpu.memory_space<hbm>> -> memref<10000x128xf32, #tpu.memory_space<hbm>>
      tpu.enqueue_indirect_dma source(%dma_start3A_213 : memref<10000x128xf32, #tpu.memory_space<hbm>>) target(%arg10 : memref<100x128xf32, #tpu.memory_space<vmem>>) offsets(%dma_start3A_210 : memref<100xi32, #tpu.memory_space<vmem>>) semaphore(%arg14 : memref<!tpu.dma_semaphore, #tpu.memory_space<semaphore_mem>>)
      %dma_wait3A_214 = arith.constant 0 : i32
      %dma_wait3A_215 = tpu.memref_slice %arg6[%mul3A_205, %dma_wait3A_214] : memref<20x100xi32, #tpu.memory_space<vmem>> -> memref<1x100xi32, #tpu.memory_space<vmem>>
      %dma_wait3A_216 = tpu.memref_squeeze %dma_wait3A_215 : memref<1x100xi32, #tpu.memory_space<vmem>> -> memref<100xi32, #tpu.memory_space<vmem>>
      %dma_wait3A_217 = arith.constant 0 : i32
      %dma_wait3A_218 = arith.constant 0 : i32
      %dma_wait3A_219 = tpu.memref_slice %arg4[%dma_wait3A_217, %dma_wait3A_218] : memref<10000x128xf32, #tpu.memory_space<hbm>> -> memref<10000x128xf32, #tpu.memory_space<hbm>>
      tpu.wait_indirect_dma semaphore(%arg12 : memref<!tpu.dma_semaphore, #tpu.memory_space<semaphore_mem>>) src(%dma_wait3A_219 : memref<10000x128xf32, #tpu.memory_space<hbm>>) dst(%arg8 : memref<100x128xf32, #tpu.memory_space<vmem>>)
      "tpu.region"() ({
        %run_scoped3A_252 = tpu.sem_alloc : memref<!tpu.dma_semaphore, #tpu.memory_space<semaphore_mem>>
        %dma_start3A_253 = arith.constant 0 : i32
        %dma_start3A_254 = tpu.memref_slice %arg7[%mul3A_205, %dma_start3A_253] : memref<20x100xi32, #tpu.memory_space<vmem>> -> memref<1x100xi32, #tpu.memory_space<vmem>>
        %dma_start3A_255 = tpu.memref_squeeze %dma_start3A_254 : memref<1x100xi32, #tpu.memory_space<vmem>> -> memref<100xi32, #tpu.memory_space<vmem>>
        %dma_start3A_256 = arith.constant 0 : i32
        %dma_start3A_257 = arith.constant 0 : i32
        %dma_start3A_258 = tpu.memref_slice %arg11[%dma_start3A_256, %dma_start3A_257] : memref<10240x128xf32, #tpu.memory_space<vmem_shared>> -> memref<10240x128xf32, #tpu.memory_space<vmem_shared>>
        tpu.enqueue_indirect_dma source(%arg8 : memref<100x128xf32, #tpu.memory_space<vmem>>) target(%dma_start3A_258 : memref<10240x128xf32, #tpu.memory_space<vmem_shared>>) offsets(%dma_start3A_255 : memref<100xi32, #tpu.memory_space<vmem>>) semaphore(%run_scoped3A_252 : memref<!tpu.dma_semaphore, #tpu.memory_space<semaphore_mem>>) {add = true}
        %dma_wait3A_259 = arith.constant 0 : i32
        %dma_wait3A_260 = tpu.memref_slice %arg7[%mul3A_205, %dma_wait3A_259] : memref<20x100xi32, #tpu.memory_space<vmem>> -> memref<1x100xi32, #tpu.memory_space<vmem>>
        %dma_wait3A_261 = tpu.memref_squeeze %dma_wait3A_260 : memref<1x100xi32, #tpu.memory_space<vmem>> -> memref<100xi32, #tpu.memory_space<vmem>>
        %dma_wait3A_262 = arith.constant 0 : i32
        %dma_wait3A_263 = arith.constant 0 : i32
        %dma_wait3A_264 = tpu.memref_slice %arg11[%dma_wait3A_262, %dma_wait3A_263] : memref<10240x128xf32, #tpu.memory_space<vmem_shared>> -> memref<10240x128xf32, #tpu.memory_space<vmem_shared>>
        tpu.wait_indirect_dma semaphore(%run_scoped3A_252 : memref<!tpu.dma_semaphore, #tpu.memory_space<semaphore_mem>>) src(%arg8 : memref<100x128xf32, #tpu.memory_space<vmem>>) dst(%dma_wait3A_264 : memref<10240x128xf32, #tpu.memory_space<vmem_shared>>)
        tpu.yield
      }) : () -> ()
      %add3A_220 = arith.constant 3 : i32
      %add3A_221 = arith.addi %mul3A_205, %add3A_220 : i32
      %dma_start3A_222 = arith.constant 0 : i32
      %dma_start3A_223 = tpu.memref_slice %arg6[%add3A_221, %dma_start3A_222] : memref<20x100xi32, #tpu.memory_space<vmem>> -> memref<1x100xi32, #tpu.memory_space<vmem>>
      %dma_start3A_224 = tpu.memref_squeeze %dma_start3A_223 : memref<1x100xi32, #tpu.memory_space<vmem>> -> memref<100xi32, #tpu.memory_space<vmem>>
      %dma_start3A_225 = arith.constant 0 : i32
      %dma_start3A_226 = arith.constant 0 : i32
      %dma_start3A_227 = tpu.memref_slice %arg4[%dma_start3A_225, %dma_start3A_226] : memref<10000x128xf32, #tpu.memory_space<hbm>> -> memref<10000x128xf32, #tpu.memory_space<hbm>>
      tpu.enqueue_indirect_dma source(%dma_start3A_227 : memref<10000x128xf32, #tpu.memory_space<hbm>>) target(%arg8 : memref<100x128xf32, #tpu.memory_space<vmem>>) offsets(%dma_start3A_224 : memref<100xi32, #tpu.memory_space<vmem>>) semaphore(%arg12 : memref<!tpu.dma_semaphore, #tpu.memory_space<semaphore_mem>>)
      %add3A_228 = arith.constant 1 : i32
      %add3A_229 = arith.addi %mul3A_205, %add3A_228 : i32
      %dma_wait3A_230 = arith.constant 0 : i32
      %dma_wait3A_231 = tpu.memref_slice %arg6[%add3A_229, %dma_wait3A_230] : memref<20x100xi32, #tpu.memory_space<vmem>> -> memref<1x100xi32, #tpu.memory_space<vmem>>
      %dma_wait3A_232 = tpu.memref_squeeze %dma_wait3A_231 : memref<1x100xi32, #tpu.memory_space<vmem>> -> memref<100xi32, #tpu.memory_space<vmem>>
      %dma_wait3A_233 = arith.constant 0 : i32
      %dma_wait3A_234 = arith.constant 0 : i32
      %dma_wait3A_235 = tpu.memref_slice %arg4[%dma_wait3A_233, %dma_wait3A_234] : memref<10000x128xf32, #tpu.memory_space<hbm>> -> memref<10000x128xf32, #tpu.memory_space<hbm>>
      tpu.wait_indirect_dma semaphore(%arg13 : memref<!tpu.dma_semaphore, #tpu.memory_space<semaphore_mem>>) src(%dma_wait3A_235 : memref<10000x128xf32, #tpu.memory_space<hbm>>) dst(%arg9 : memref<100x128xf32, #tpu.memory_space<vmem>>)
      "tpu.region"() ({
        %run_scoped3A_252 = tpu.sem_alloc : memref<!tpu.dma_semaphore, #tpu.memory_space<semaphore_mem>>
        %dma_start3A_253 = arith.constant 0 : i32
        %dma_start3A_254 = tpu.memref_slice %arg7[%add3A_229, %dma_start3A_253] : memref<20x100xi32, #tpu.memory_space<vmem>> -> memref<1x100xi32, #tpu.memory_space<vmem>>
        %dma_start3A_255 = tpu.memref_squeeze %dma_start3A_254 : memref<1x100xi32, #tpu.memory_space<vmem>> -> memref<100xi32, #tpu.memory_space<vmem>>
        %dma_start3A_256 = arith.constant 0 : i32
        %dma_start3A_257 = arith.constant 0 : i32
        %dma_start3A_258 = tpu.memref_slice %arg11[%dma_start3A_256, %dma_start3A_257] : memref<10240x128xf32, #tpu.memory_space<vmem_shared>> -> memref<10240x128xf32, #tpu.memory_space<vmem_shared>>
        tpu.enqueue_indirect_dma source(%arg9 : memref<100x128xf32, #tpu.memory_space<vmem>>) target(%dma_start3A_258 : memref<10240x128xf32, #tpu.memory_space<vmem_shared>>) offsets(%dma_start3A_255 : memref<100xi32, #tpu.memory_space<vmem>>) semaphore(%run_scoped3A_252 : memref<!tpu.dma_semaphore, #tpu.memory_space<semaphore_mem>>) {add = true}
        %dma_wait3A_259 = arith.constant 0 : i32
        %dma_wait3A_260 = tpu.memref_slice %arg7[%add3A_229, %dma_wait3A_259] : memref<20x100xi32, #tpu.memory_space<vmem>> -> memref<1x100xi32, #tpu.memory_space<vmem>>
        %dma_wait3A_261 = tpu.memref_squeeze %dma_wait3A_260 : memref<1x100xi32, #tpu.memory_space<vmem>> -> memref<100xi32, #tpu.memory_space<vmem>>
        %dma_wait3A_262 = arith.constant 0 : i32
        %dma_wait3A_263 = arith.constant 0 : i32
        %dma_wait3A_264 = tpu.memref_slice %arg11[%dma_wait3A_262, %dma_wait3A_263] : memref<10240x128xf32, #tpu.memory_space<vmem_shared>> -> memref<10240x128xf32, #tpu.memory_space<vmem_shared>>
        tpu.wait_indirect_dma semaphore(%run_scoped3A_252 : memref<!tpu.dma_semaphore, #tpu.memory_space<semaphore_mem>>) src(%arg9 : memref<100x128xf32, #tpu.memory_space<vmem>>) dst(%dma_wait3A_264 : memref<10240x128xf32, #tpu.memory_space<vmem_shared>>)
        tpu.yield
      }) : () -> ()
      %add3A_236 = arith.constant 4 : i32
      %add3A_237 = arith.addi %mul3A_205, %add3A_236 : i32
      %dma_start3A_238 = arith.constant 0 : i32
      %dma_start3A_239 = tpu.memref_slice %arg6[%add3A_237, %dma_start3A_238] : memref<20x100xi32, #tpu.memory_space<vmem>> -> memref<1x100xi32, #tpu.memory_space<vmem>>
      %dma_start3A_240 = tpu.memref_squeeze %dma_start3A_239 : memref<1x100xi32, #tpu.memory_space<vmem>> -> memref<100xi32, #tpu.memory_space<vmem>>
      %dma_start3A_241 = arith.constant 0 : i32
      %dma_start3A_242 = arith.constant 0 : i32
      %dma_start3A_243 = tpu.memref_slice %arg4[%dma_start3A_241, %dma_start3A_242] : memref<10000x128xf32, #tpu.memory_space<hbm>> -> memref<10000x128xf32, #tpu.memory_space<hbm>>
      tpu.enqueue_indirect_dma source(%dma_start3A_243 : memref<10000x128xf32, #tpu.memory_space<hbm>>) target(%arg9 : memref<100x128xf32, #tpu.memory_space<vmem>>) offsets(%dma_start3A_240 : memref<100xi32, #tpu.memory_space<vmem>>) semaphore(%arg13 : memref<!tpu.dma_semaphore, #tpu.memory_space<semaphore_mem>>)
      %add3A_244 = arith.constant 2 : i32
      %add3A_245 = arith.addi %mul3A_205, %add3A_244 : i32
      %dma_wait3A_246 = arith.constant 0 : i32
      %dma_wait3A_247 = tpu.memref_slice %arg6[%add3A_245, %dma_wait3A_246] : memref<20x100xi32, #tpu.memory_space<vmem>> -> memref<1x100xi32, #tpu.memory_space<vmem>>
      %dma_wait3A_248 = tpu.memref_squeeze %dma_wait3A_247 : memref<1x100xi32, #tpu.memory_space<vmem>> -> memref<100xi32, #tpu.memory_space<vmem>>
      %dma_wait3A_249 = arith.constant 0 : i32
      %dma_wait3A_250 = arith.constant 0 : i32
      %dma_wait3A_251 = tpu.memref_slice %arg4[%dma_wait3A_249, %dma_wait3A_250] : memref<10000x128xf32, #tpu.memory_space<hbm>> -> memref<10000x128xf32, #tpu.memory_space<hbm>>
      tpu.wait_indirect_dma semaphore(%arg14 : memref<!tpu.dma_semaphore, #tpu.memory_space<semaphore_mem>>) src(%dma_wait3A_251 : memref<10000x128xf32, #tpu.memory_space<hbm>>) dst(%arg10 : memref<100x128xf32, #tpu.memory_space<vmem>>)
      "tpu.region"() ({
        %run_scoped3A_252 = tpu.sem_alloc : memref<!tpu.dma_semaphore, #tpu.memory_space<semaphore_mem>>
        %dma_start3A_253 = arith.constant 0 : i32
        %dma_start3A_254 = tpu.memref_slice %arg7[%add3A_245, %dma_start3A_253] : memref<20x100xi32, #tpu.memory_space<vmem>> -> memref<1x100xi32, #tpu.memory_space<vmem>>
        %dma_start3A_255 = tpu.memref_squeeze %dma_start3A_254 : memref<1x100xi32, #tpu.memory_space<vmem>> -> memref<100xi32, #tpu.memory_space<vmem>>
        %dma_start3A_256 = arith.constant 0 : i32
        %dma_start3A_257 = arith.constant 0 : i32
        %dma_start3A_258 = tpu.memref_slice %arg11[%dma_start3A_256, %dma_start3A_257] : memref<10240x128xf32, #tpu.memory_space<vmem_shared>> -> memref<10240x128xf32, #tpu.memory_space<vmem_shared>>
        tpu.enqueue_indirect_dma source(%arg10 : memref<100x128xf32, #tpu.memory_space<vmem>>) target(%dma_start3A_258 : memref<10240x128xf32, #tpu.memory_space<vmem_shared>>) offsets(%dma_start3A_255 : memref<100xi32, #tpu.memory_space<vmem>>) semaphore(%run_scoped3A_252 : memref<!tpu.dma_semaphore, #tpu.memory_space<semaphore_mem>>) {add = true}
        %dma_wait3A_259 = arith.constant 0 : i32
        %dma_wait3A_260 = tpu.memref_slice %arg7[%add3A_245, %dma_wait3A_259] : memref<20x100xi32, #tpu.memory_space<vmem>> -> memref<1x100xi32, #tpu.memory_space<vmem>>
        %dma_wait3A_261 = tpu.memref_squeeze %dma_wait3A_260 : memref<1x100xi32, #tpu.memory_space<vmem>> -> memref<100xi32, #tpu.memory_space<vmem>>
        %dma_wait3A_262 = arith.constant 0 : i32
        %dma_wait3A_263 = arith.constant 0 : i32
        %dma_wait3A_264 = tpu.memref_slice %arg11[%dma_wait3A_262, %dma_wait3A_263] : memref<10240x128xf32, #tpu.memory_space<vmem_shared>> -> memref<10240x128xf32, #tpu.memory_space<vmem_shared>>
        tpu.wait_indirect_dma semaphore(%run_scoped3A_252 : memref<!tpu.dma_semaphore, #tpu.memory_space<semaphore_mem>>) src(%arg10 : memref<100x128xf32, #tpu.memory_space<vmem>>) dst(%dma_wait3A_264 : memref<10240x128xf32, #tpu.memory_space<vmem_shared>>)
        tpu.yield
      }) : () -> ()
    }
    %scan3A_144 = arith.constant 6 : i32
    %dma_wait3A_145 = arith.constant 18 : i32
    %dma_wait3A_146 = arith.constant 0 : i32
    %dma_wait3A_147 = tpu.memref_slice %arg6[%dma_wait3A_145, %dma_wait3A_146] : memref<20x100xi32, #tpu.memory_space<vmem>> -> memref<1x100xi32, #tpu.memory_space<vmem>>
    %dma_wait3A_148 = tpu.memref_squeeze %dma_wait3A_147 : memref<1x100xi32, #tpu.memory_space<vmem>> -> memref<100xi32, #tpu.memory_space<vmem>>
    %dma_wait3A_149 = arith.constant 0 : i32
    %dma_wait3A_150 = arith.constant 0 : i32
    %dma_wait3A_151 = tpu.memref_slice %arg4[%dma_wait3A_149, %dma_wait3A_150] : memref<10000x128xf32, #tpu.memory_space<hbm>> -> memref<10000x128xf32, #tpu.memory_space<hbm>>
    tpu.wait_indirect_dma semaphore(%arg12 : memref<!tpu.dma_semaphore, #tpu.memory_space<semaphore_mem>>) src(%dma_wait3A_151 : memref<10000x128xf32, #tpu.memory_space<hbm>>) dst(%arg8 : memref<100x128xf32, #tpu.memory_space<vmem>>)
    %run_scoped3A_152 = arith.constant 18 : i32
    "tpu.region"() ({
      %run_scoped3A_199 = tpu.sem_alloc : memref<!tpu.dma_semaphore, #tpu.memory_space<semaphore_mem>>
      %dma_start3A_200 = arith.constant 0 : i32
      %dma_start3A_201 = tpu.memref_slice %arg7[%run_scoped3A_152, %dma_start3A_200] : memref<20x100xi32, #tpu.memory_space<vmem>> -> memref<1x100xi32, #tpu.memory_space<vmem>>
      %dma_start3A_202 = tpu.memref_squeeze %dma_start3A_201 : memref<1x100xi32, #tpu.memory_space<vmem>> -> memref<100xi32, #tpu.memory_space<vmem>>
      %dma_start3A_203 = arith.constant 0 : i32
      %dma_start3A_204 = arith.constant 0 : i32
      %dma_start3A_205 = tpu.memref_slice %arg11[%dma_start3A_203, %dma_start3A_204] : memref<10240x128xf32, #tpu.memory_space<vmem_shared>> -> memref<10240x128xf32, #tpu.memory_space<vmem_shared>>
      tpu.enqueue_indirect_dma source(%arg8 : memref<100x128xf32, #tpu.memory_space<vmem>>) target(%dma_start3A_205 : memref<10240x128xf32, #tpu.memory_space<vmem_shared>>) offsets(%dma_start3A_202 : memref<100xi32, #tpu.memory_space<vmem>>) semaphore(%run_scoped3A_199 : memref<!tpu.dma_semaphore, #tpu.memory_space<semaphore_mem>>) {add = true}
      %dma_wait3A_206 = arith.constant 0 : i32
      %dma_wait3A_207 = tpu.memref_slice %arg7[%run_scoped3A_152, %dma_wait3A_206] : memref<20x100xi32, #tpu.memory_space<vmem>> -> memref<1x100xi32, #tpu.memory_space<vmem>>
      %dma_wait3A_208 = tpu.memref_squeeze %dma_wait3A_207 : memref<1x100xi32, #tpu.memory_space<vmem>> -> memref<100xi32, #tpu.memory_space<vmem>>
      %dma_wait3A_209 = arith.constant 0 : i32
      %dma_wait3A_210 = arith.constant 0 : i32
      %dma_wait3A_211 = tpu.memref_slice %arg11[%dma_wait3A_209, %dma_wait3A_210] : memref<10240x128xf32, #tpu.memory_space<vmem_shared>> -> memref<10240x128xf32, #tpu.memory_space<vmem_shared>>
      tpu.wait_indirect_dma semaphore(%run_scoped3A_199 : memref<!tpu.dma_semaphore, #tpu.memory_space<semaphore_mem>>) src(%arg8 : memref<100x128xf32, #tpu.memory_space<vmem>>) dst(%dma_wait3A_211 : memref<10240x128xf32, #tpu.memory_space<vmem_shared>>)
      tpu.yield
    }) : () -> ()
    %dma_wait3A_153 = arith.constant 19 : i32
    %dma_wait3A_154 = arith.constant 0 : i32
    %dma_wait3A_155 = tpu.memref_slice %arg6[%dma_wait3A_153, %dma_wait3A_154] : memref<20x100xi32, #tpu.memory_space<vmem>> -> memref<1x100xi32, #tpu.memory_space<vmem>>
    %dma_wait3A_156 = tpu.memref_squeeze %dma_wait3A_155 : memref<1x100xi32, #tpu.memory_space<vmem>> -> memref<100xi32, #tpu.memory_space<vmem>>
    %dma_wait3A_157 = arith.constant 0 : i32
    %dma_wait3A_158 = arith.constant 0 : i32
    %dma_wait3A_159 = tpu.memref_slice %arg4[%dma_wait3A_157, %dma_wait3A_158] : memref<10000x128xf32, #tpu.memory_space<hbm>> -> memref<10000x128xf32, #tpu.memory_space<hbm>>
    tpu.wait_indirect_dma semaphore(%arg13 : memref<!tpu.dma_semaphore, #tpu.memory_space<semaphore_mem>>) src(%dma_wait3A_159 : memref<10000x128xf32, #tpu.memory_space<hbm>>) dst(%arg9 : memref<100x128xf32, #tpu.memory_space<vmem>>)
    %run_scoped3A_160 = arith.constant 19 : i32
    "tpu.region"() ({
      %run_scoped3A_199 = tpu.sem_alloc : memref<!tpu.dma_semaphore, #tpu.memory_space<semaphore_mem>>
      %dma_start3A_200 = arith.constant 0 : i32
      %dma_start3A_201 = tpu.memref_slice %arg7[%run_scoped3A_160, %dma_start3A_200] : memref<20x100xi32, #tpu.memory_space<vmem>> -> memref<1x100xi32, #tpu.memory_space<vmem>>
      %dma_start3A_202 = tpu.memref_squeeze %dma_start3A_201 : memref<1x100xi32, #tpu.memory_space<vmem>> -> memref<100xi32, #tpu.memory_space<vmem>>
      %dma_start3A_203 = arith.constant 0 : i32
      %dma_start3A_204 = arith.constant 0 : i32
      %dma_start3A_205 = tpu.memref_slice %arg11[%dma_start3A_203, %dma_start3A_204] : memref<10240x128xf32, #tpu.memory_space<vmem_shared>> -> memref<10240x128xf32, #tpu.memory_space<vmem_shared>>
      tpu.enqueue_indirect_dma source(%arg9 : memref<100x128xf32, #tpu.memory_space<vmem>>) target(%dma_start3A_205 : memref<10240x128xf32, #tpu.memory_space<vmem_shared>>) offsets(%dma_start3A_202 : memref<100xi32, #tpu.memory_space<vmem>>) semaphore(%run_scoped3A_199 : memref<!tpu.dma_semaphore, #tpu.memory_space<semaphore_mem>>) {add = true}
      %dma_wait3A_206 = arith.constant 0 : i32
      %dma_wait3A_207 = tpu.memref_slice %arg7[%run_scoped3A_160, %dma_wait3A_206] : memref<20x100xi32, #tpu.memory_space<vmem>> -> memref<1x100xi32, #tpu.memory_space<vmem>>
      %dma_wait3A_208 = tpu.memref_squeeze %dma_wait3A_207 : memref<1x100xi32, #tpu.memory_space<vmem>> -> memref<100xi32, #tpu.memory_space<vmem>>
      %dma_wait3A_209 = arith.constant 0 : i32
      %dma_wait3A_210 = arith.constant 0 : i32
      %dma_wait3A_211 = tpu.memref_slice %arg11[%dma_wait3A_209, %dma_wait3A_210] : memref<10240x128xf32, #tpu.memory_space<vmem_shared>> -> memref<10240x128xf32, #tpu.memory_space<vmem_shared>>
      tpu.wait_indirect_dma semaphore(%run_scoped3A_199 : memref<!tpu.dma_semaphore, #tpu.memory_space<semaphore_mem>>) src(%arg9 : memref<100x128xf32, #tpu.memory_space<vmem>>) dst(%dma_wait3A_211 : memref<10240x128xf32, #tpu.memory_space<vmem_shared>>)
      tpu.yield
    }) : () -> ()
    %run_scoped3A_161 = arith.constant 4 : i32
    "tpu.region"() ({
      %run_scoped3A_199 = tpu.sem_alloc : memref<!tpu.dma_semaphore, #tpu.memory_space<semaphore_mem>>
      %dma_start3A_200 = arith.constant 0 : i32
      %dma_start3A_201 = arith.constant 0 : i32
      %dma_start3A_202 = tpu.memref_slice %arg2[%add3A, %run_scoped3A_161, %dma_start3A_200, %dma_start3A_201] : memref<32x5x20x100xi32, #tpu.memory_space<hbm>> -> memref<1x1x20x100xi32, #tpu.memory_space<hbm>>
      %dma_start3A_203 = tpu.memref_squeeze %dma_start3A_202 : memref<1x1x20x100xi32, #tpu.memory_space<hbm>> -> memref<20x100xi32, #tpu.memory_space<hbm>>
      %dma_start3A_204 = arith.constant 0 : i32
      %dma_start3A_205 = arith.constant 0 : i32
      %dma_start3A_206 = tpu.memref_slice %arg2[%add3A, %run_scoped3A_161, %dma_start3A_204, %dma_start3A_205] : memref<32x5x20x100xi32, #tpu.memory_space<hbm>> -> memref<1x1x20x100xi32, #tpu.memory_space<hbm>>
      %dma_start3A_207 = tpu.memref_squeeze %dma_start3A_206 : memref<1x1x20x100xi32, #tpu.memory_space<hbm>> -> memref<20x100xi32, #tpu.memory_space<hbm>>
      tpu.enqueue_dma source(%dma_start3A_207 : memref<20x100xi32, #tpu.memory_space<hbm>>) target(%arg6 : memref<20x100xi32, #tpu.memory_space<vmem>>) target_semaphore(%run_scoped3A_199 : memref<!tpu.dma_semaphore, #tpu.memory_space<semaphore_mem>>)
      %dma_wait3A_208 = arith.constant 0 : i32
      %dma_wait3A_209 = arith.constant 0 : i32
      %dma_wait3A_210 = tpu.memref_slice %arg2[%add3A, %run_scoped3A_161, %dma_wait3A_208, %dma_wait3A_209] : memref<32x5x20x100xi32, #tpu.memory_space<hbm>> -> memref<1x1x20x100xi32, #tpu.memory_space<hbm>>
      %dma_wait3A_211 = tpu.memref_squeeze %dma_wait3A_210 : memref<1x1x20x100xi32, #tpu.memory_space<hbm>> -> memref<20x100xi32, #tpu.memory_space<hbm>>
      %dma_wait3A_212 = arith.constant 0 : i32
      %dma_wait3A_213 = arith.constant 0 : i32
      %dma_wait3A_214 = tpu.memref_slice %arg2[%add3A, %run_scoped3A_161, %dma_wait3A_212, %dma_wait3A_213] : memref<32x5x20x100xi32, #tpu.memory_space<hbm>> -> memref<1x1x20x100xi32, #tpu.memory_space<hbm>>
      %dma_wait3A_215 = tpu.memref_squeeze %dma_wait3A_214 : memref<1x1x20x100xi32, #tpu.memory_space<hbm>> -> memref<20x100xi32, #tpu.memory_space<hbm>>
      tpu.wait_dma2 semaphore(%run_scoped3A_199 : memref<!tpu.dma_semaphore, #tpu.memory_space<semaphore_mem>>) src(%dma_wait3A_215 : memref<20x100xi32, #tpu.memory_space<hbm>>) dst(%arg6 : memref<20x100xi32, #tpu.memory_space<vmem>>)
      tpu.yield
    }) : () -> ()
    %run_scoped3A_162 = arith.constant 4 : i32
    "tpu.region"() ({
      %run_scoped3A_199 = tpu.sem_alloc : memref<!tpu.dma_semaphore, #tpu.memory_space<semaphore_mem>>
      %dma_start3A_200 = arith.constant 0 : i32
      %dma_start3A_201 = arith.constant 0 : i32
      %dma_start3A_202 = tpu.memref_slice %arg3[%add3A, %run_scoped3A_162, %dma_start3A_200, %dma_start3A_201] : memref<32x5x20x100xi32, #tpu.memory_space<hbm>> -> memref<1x1x20x100xi32, #tpu.memory_space<hbm>>
      %dma_start3A_203 = tpu.memref_squeeze %dma_start3A_202 : memref<1x1x20x100xi32, #tpu.memory_space<hbm>> -> memref<20x100xi32, #tpu.memory_space<hbm>>
      %dma_start3A_204 = arith.constant 0 : i32
      %dma_start3A_205 = arith.constant 0 : i32
      %dma_start3A_206 = tpu.memref_slice %arg3[%add3A, %run_scoped3A_162, %dma_start3A_204, %dma_start3A_205] : memref<32x5x20x100xi32, #tpu.memory_space<hbm>> -> memref<1x1x20x100xi32, #tpu.memory_space<hbm>>
      %dma_start3A_207 = tpu.memref_squeeze %dma_start3A_206 : memref<1x1x20x100xi32, #tpu.memory_space<hbm>> -> memref<20x100xi32, #tpu.memory_space<hbm>>
      tpu.enqueue_dma source(%dma_start3A_207 : memref<20x100xi32, #tpu.memory_space<hbm>>) target(%arg7 : memref<20x100xi32, #tpu.memory_space<vmem>>) target_semaphore(%run_scoped3A_199 : memref<!tpu.dma_semaphore, #tpu.memory_space<semaphore_mem>>)
      %dma_wait3A_208 = arith.constant 0 : i32
      %dma_wait3A_209 = arith.constant 0 : i32
      %dma_wait3A_210 = tpu.memref_slice %arg3[%add3A, %run_scoped3A_162, %dma_wait3A_208, %dma_wait3A_209] : memref<32x5x20x100xi32, #tpu.memory_space<hbm>> -> memref<1x1x20x100xi32, #tpu.memory_space<hbm>>
      %dma_wait3A_211 = tpu.memref_squeeze %dma_wait3A_210 : memref<1x1x20x100xi32, #tpu.memory_space<hbm>> -> memref<20x100xi32, #tpu.memory_space<hbm>>
      %dma_wait3A_212 = arith.constant 0 : i32
      %dma_wait3A_213 = arith.constant 0 : i32
      %dma_wait3A_214 = tpu.memref_slice %arg3[%add3A, %run_scoped3A_162, %dma_wait3A_212, %dma_wait3A_213] : memref<32x5x20x100xi32, #tpu.memory_space<hbm>> -> memref<1x1x20x100xi32, #tpu.memory_space<hbm>>
      %dma_wait3A_215 = tpu.memref_squeeze %dma_wait3A_214 : memref<1x1x20x100xi32, #tpu.memory_space<hbm>> -> memref<20x100xi32, #tpu.memory_space<hbm>>
      tpu.wait_dma2 semaphore(%run_scoped3A_199 : memref<!tpu.dma_semaphore, #tpu.memory_space<semaphore_mem>>) src(%dma_wait3A_215 : memref<20x100xi32, #tpu.memory_space<hbm>>) dst(%arg7 : memref<20x100xi32, #tpu.memory_space<vmem>>)
      tpu.yield
    }) : () -> ()
    %dma_start3A_163 = arith.constant 0 : i32
    %dma_start3A_164 = arith.constant 0 : i32
    %dma_start3A_165 = tpu.memref_slice %arg6[%dma_start3A_163, %dma_start3A_164] : memref<20x100xi32, #tpu.memory_space<vmem>> -> memref<1x100xi32, #tpu.memory_space<vmem>>
    %dma_start3A_166 = tpu.memref_squeeze %dma_start3A_165 : memref<1x100xi32, #tpu.memory_space<vmem>> -> memref<100xi32, #tpu.memory_space<vmem>>
    %dma_start3A_167 = arith.constant 0 : i32
    %dma_start3A_168 = arith.constant 0 : i32
    %dma_start3A_169 = tpu.memref_slice %arg4[%dma_start3A_167, %dma_start3A_168] : memref<10000x128xf32, #tpu.memory_space<hbm>> -> memref<10000x128xf32, #tpu.memory_space<hbm>>
    tpu.enqueue_indirect_dma source(%dma_start3A_169 : memref<10000x128xf32, #tpu.memory_space<hbm>>) target(%arg8 : memref<100x128xf32, #tpu.memory_space<vmem>>) offsets(%dma_start3A_166 : memref<100xi32, #tpu.memory_space<vmem>>) semaphore(%arg12 : memref<!tpu.dma_semaphore, #tpu.memory_space<semaphore_mem>>)
    %dma_start3A_170 = arith.constant 1 : i32
    %dma_start3A_171 = arith.constant 0 : i32
    %dma_start3A_172 = tpu.memref_slice %arg6[%dma_start3A_170, %dma_start3A_171] : memref<20x100xi32, #tpu.memory_space<vmem>> -> memref<1x100xi32, #tpu.memory_space<vmem>>
    %dma_start3A_173 = tpu.memref_squeeze %dma_start3A_172 : memref<1x100xi32, #tpu.memory_space<vmem>> -> memref<100xi32, #tpu.memory_space<vmem>>
    %dma_start3A_174 = arith.constant 0 : i32
    %dma_start3A_175 = arith.constant 0 : i32
    %dma_start3A_176 = tpu.memref_slice %arg4[%dma_start3A_174, %dma_start3A_175] : memref<10000x128xf32, #tpu.memory_space<hbm>> -> memref<10000x128xf32, #tpu.memory_space<hbm>>
    tpu.enqueue_indirect_dma source(%dma_start3A_176 : memref<10000x128xf32, #tpu.memory_space<hbm>>) target(%arg9 : memref<100x128xf32, #tpu.memory_space<vmem>>) offsets(%dma_start3A_173 : memref<100xi32, #tpu.memory_space<vmem>>) semaphore(%arg13 : memref<!tpu.dma_semaphore, #tpu.memory_space<semaphore_mem>>)
    %scan3A_177 = arith.constant 0 : i32
    %scan3A_178 = arith.constant 6 : i32
    %scan3A_179 = arith.addi %scan3A_177, %scan3A_178 : i32
    %scan3A_180 = arith.constant 1 : i32
    scf.for %scan3A_199 = %scan3A_177 to %scan3A_179 step %scan3A_180  : i32 {
      %mul3A_200 = arith.constant 1 : i32
      %mul3A_201 = arith.muli %scan3A_199, %mul3A_200 : i32
      %add3A_202 = arith.constant 0 : i32
      %add3A_203 = arith.addi %add3A_202, %mul3A_201 : i32
      %mul3A_204 = arith.constant 3 : i32
      %mul3A_205 = arith.muli %mul3A_204, %add3A_203 : i32
      %add3A_206 = arith.constant 2 : i32
      %add3A_207 = arith.addi %mul3A_205, %add3A_206 : i32
      %dma_start3A_208 = arith.constant 0 : i32
      %dma_start3A_209 = tpu.memref_slice %arg6[%add3A_207, %dma_start3A_208] : memref<20x100xi32, #tpu.memory_space<vmem>> -> memref<1x100xi32, #tpu.memory_space<vmem>>
      %dma_start3A_210 = tpu.memref_squeeze %dma_start3A_209 : memref<1x100xi32, #tpu.memory_space<vmem>> -> memref<100xi32, #tpu.memory_space<vmem>>
      %dma_start3A_211 = arith.constant 0 : i32
      %dma_start3A_212 = arith.constant 0 : i32
      %dma_start3A_213 = tpu.memref_slice %arg4[%dma_start3A_211, %dma_start3A_212] : memref<10000x128xf32, #tpu.memory_space<hbm>> -> memref<10000x128xf32, #tpu.memory_space<hbm>>
      tpu.enqueue_indirect_dma source(%dma_start3A_213 : memref<10000x128xf32, #tpu.memory_space<hbm>>) target(%arg10 : memref<100x128xf32, #tpu.memory_space<vmem>>) offsets(%dma_start3A_210 : memref<100xi32, #tpu.memory_space<vmem>>) semaphore(%arg14 : memref<!tpu.dma_semaphore, #tpu.memory_space<semaphore_mem>>)
      %dma_wait3A_214 = arith.constant 0 : i32
      %dma_wait3A_215 = tpu.memref_slice %arg6[%mul3A_205, %dma_wait3A_214] : memref<20x100xi32, #tpu.memory_space<vmem>> -> memref<1x100xi32, #tpu.memory_space<vmem>>
      %dma_wait3A_216 = tpu.memref_squeeze %dma_wait3A_215 : memref<1x100xi32, #tpu.memory_space<vmem>> -> memref<100xi32, #tpu.memory_space<vmem>>
      %dma_wait3A_217 = arith.constant 0 : i32
      %dma_wait3A_218 = arith.constant 0 : i32
      %dma_wait3A_219 = tpu.memref_slice %arg4[%dma_wait3A_217, %dma_wait3A_218] : memref<10000x128xf32, #tpu.memory_space<hbm>> -> memref<10000x128xf32, #tpu.memory_space<hbm>>
      tpu.wait_indirect_dma semaphore(%arg12 : memref<!tpu.dma_semaphore, #tpu.memory_space<semaphore_mem>>) src(%dma_wait3A_219 : memref<10000x128xf32, #tpu.memory_space<hbm>>) dst(%arg8 : memref<100x128xf32, #tpu.memory_space<vmem>>)
      "tpu.region"() ({
        %run_scoped3A_252 = tpu.sem_alloc : memref<!tpu.dma_semaphore, #tpu.memory_space<semaphore_mem>>
        %dma_start3A_253 = arith.constant 0 : i32
        %dma_start3A_254 = tpu.memref_slice %arg7[%mul3A_205, %dma_start3A_253] : memref<20x100xi32, #tpu.memory_space<vmem>> -> memref<1x100xi32, #tpu.memory_space<vmem>>
        %dma_start3A_255 = tpu.memref_squeeze %dma_start3A_254 : memref<1x100xi32, #tpu.memory_space<vmem>> -> memref<100xi32, #tpu.memory_space<vmem>>
        %dma_start3A_256 = arith.constant 0 : i32
        %dma_start3A_257 = arith.constant 0 : i32
        %dma_start3A_258 = tpu.memref_slice %arg11[%dma_start3A_256, %dma_start3A_257] : memref<10240x128xf32, #tpu.memory_space<vmem_shared>> -> memref<10240x128xf32, #tpu.memory_space<vmem_shared>>
        tpu.enqueue_indirect_dma source(%arg8 : memref<100x128xf32, #tpu.memory_space<vmem>>) target(%dma_start3A_258 : memref<10240x128xf32, #tpu.memory_space<vmem_shared>>) offsets(%dma_start3A_255 : memref<100xi32, #tpu.memory_space<vmem>>) semaphore(%run_scoped3A_252 : memref<!tpu.dma_semaphore, #tpu.memory_space<semaphore_mem>>) {add = true}
        %dma_wait3A_259 = arith.constant 0 : i32
        %dma_wait3A_260 = tpu.memref_slice %arg7[%mul3A_205, %dma_wait3A_259] : memref<20x100xi32, #tpu.memory_space<vmem>> -> memref<1x100xi32, #tpu.memory_space<vmem>>
        %dma_wait3A_261 = tpu.memref_squeeze %dma_wait3A_260 : memref<1x100xi32, #tpu.memory_space<vmem>> -> memref<100xi32, #tpu.memory_space<vmem>>
        %dma_wait3A_262 = arith.constant 0 : i32
        %dma_wait3A_263 = arith.constant 0 : i32
        %dma_wait3A_264 = tpu.memref_slice %arg11[%dma_wait3A_262, %dma_wait3A_263] : memref<10240x128xf32, #tpu.memory_space<vmem_shared>> -> memref<10240x128xf32, #tpu.memory_space<vmem_shared>>
        tpu.wait_indirect_dma semaphore(%run_scoped3A_252 : memref<!tpu.dma_semaphore, #tpu.memory_space<semaphore_mem>>) src(%arg8 : memref<100x128xf32, #tpu.memory_space<vmem>>) dst(%dma_wait3A_264 : memref<10240x128xf32, #tpu.memory_space<vmem_shared>>)
        tpu.yield
      }) : () -> ()
      %add3A_220 = arith.constant 3 : i32
      %add3A_221 = arith.addi %mul3A_205, %add3A_220 : i32
      %dma_start3A_222 = arith.constant 0 : i32
      %dma_start3A_223 = tpu.memref_slice %arg6[%add3A_221, %dma_start3A_222] : memref<20x100xi32, #tpu.memory_space<vmem>> -> memref<1x100xi32, #tpu.memory_space<vmem>>
      %dma_start3A_224 = tpu.memref_squeeze %dma_start3A_223 : memref<1x100xi32, #tpu.memory_space<vmem>> -> memref<100xi32, #tpu.memory_space<vmem>>
      %dma_start3A_225 = arith.constant 0 : i32
      %dma_start3A_226 = arith.constant 0 : i32
      %dma_start3A_227 = tpu.memref_slice %arg4[%dma_start3A_225, %dma_start3A_226] : memref<10000x128xf32, #tpu.memory_space<hbm>> -> memref<10000x128xf32, #tpu.memory_space<hbm>>
      tpu.enqueue_indirect_dma source(%dma_start3A_227 : memref<10000x128xf32, #tpu.memory_space<hbm>>) target(%arg8 : memref<100x128xf32, #tpu.memory_space<vmem>>) offsets(%dma_start3A_224 : memref<100xi32, #tpu.memory_space<vmem>>) semaphore(%arg12 : memref<!tpu.dma_semaphore, #tpu.memory_space<semaphore_mem>>)
      %add3A_228 = arith.constant 1 : i32
      %add3A_229 = arith.addi %mul3A_205, %add3A_228 : i32
      %dma_wait3A_230 = arith.constant 0 : i32
      %dma_wait3A_231 = tpu.memref_slice %arg6[%add3A_229, %dma_wait3A_230] : memref<20x100xi32, #tpu.memory_space<vmem>> -> memref<1x100xi32, #tpu.memory_space<vmem>>
      %dma_wait3A_232 = tpu.memref_squeeze %dma_wait3A_231 : memref<1x100xi32, #tpu.memory_space<vmem>> -> memref<100xi32, #tpu.memory_space<vmem>>
      %dma_wait3A_233 = arith.constant 0 : i32
      %dma_wait3A_234 = arith.constant 0 : i32
      %dma_wait3A_235 = tpu.memref_slice %arg4[%dma_wait3A_233, %dma_wait3A_234] : memref<10000x128xf32, #tpu.memory_space<hbm>> -> memref<10000x128xf32, #tpu.memory_space<hbm>>
      tpu.wait_indirect_dma semaphore(%arg13 : memref<!tpu.dma_semaphore, #tpu.memory_space<semaphore_mem>>) src(%dma_wait3A_235 : memref<10000x128xf32, #tpu.memory_space<hbm>>) dst(%arg9 : memref<100x128xf32, #tpu.memory_space<vmem>>)
      "tpu.region"() ({
        %run_scoped3A_252 = tpu.sem_alloc : memref<!tpu.dma_semaphore, #tpu.memory_space<semaphore_mem>>
        %dma_start3A_253 = arith.constant 0 : i32
        %dma_start3A_254 = tpu.memref_slice %arg7[%add3A_229, %dma_start3A_253] : memref<20x100xi32, #tpu.memory_space<vmem>> -> memref<1x100xi32, #tpu.memory_space<vmem>>
        %dma_start3A_255 = tpu.memref_squeeze %dma_start3A_254 : memref<1x100xi32, #tpu.memory_space<vmem>> -> memref<100xi32, #tpu.memory_space<vmem>>
        %dma_start3A_256 = arith.constant 0 : i32
        %dma_start3A_257 = arith.constant 0 : i32
        %dma_start3A_258 = tpu.memref_slice %arg11[%dma_start3A_256, %dma_start3A_257] : memref<10240x128xf32, #tpu.memory_space<vmem_shared>> -> memref<10240x128xf32, #tpu.memory_space<vmem_shared>>
        tpu.enqueue_indirect_dma source(%arg9 : memref<100x128xf32, #tpu.memory_space<vmem>>) target(%dma_start3A_258 : memref<10240x128xf32, #tpu.memory_space<vmem_shared>>) offsets(%dma_start3A_255 : memref<100xi32, #tpu.memory_space<vmem>>) semaphore(%run_scoped3A_252 : memref<!tpu.dma_semaphore, #tpu.memory_space<semaphore_mem>>) {add = true}
        %dma_wait3A_259 = arith.constant 0 : i32
        %dma_wait3A_260 = tpu.memref_slice %arg7[%add3A_229, %dma_wait3A_259] : memref<20x100xi32, #tpu.memory_space<vmem>> -> memref<1x100xi32, #tpu.memory_space<vmem>>
        %dma_wait3A_261 = tpu.memref_squeeze %dma_wait3A_260 : memref<1x100xi32, #tpu.memory_space<vmem>> -> memref<100xi32, #tpu.memory_space<vmem>>
        %dma_wait3A_262 = arith.constant 0 : i32
        %dma_wait3A_263 = arith.constant 0 : i32
        %dma_wait3A_264 = tpu.memref_slice %arg11[%dma_wait3A_262, %dma_wait3A_263] : memref<10240x128xf32, #tpu.memory_space<vmem_shared>> -> memref<10240x128xf32, #tpu.memory_space<vmem_shared>>
        tpu.wait_indirect_dma semaphore(%run_scoped3A_252 : memref<!tpu.dma_semaphore, #tpu.memory_space<semaphore_mem>>) src(%arg9 : memref<100x128xf32, #tpu.memory_space<vmem>>) dst(%dma_wait3A_264 : memref<10240x128xf32, #tpu.memory_space<vmem_shared>>)
        tpu.yield
      }) : () -> ()
      %add3A_236 = arith.constant 4 : i32
      %add3A_237 = arith.addi %mul3A_205, %add3A_236 : i32
      %dma_start3A_238 = arith.constant 0 : i32
      %dma_start3A_239 = tpu.memref_slice %arg6[%add3A_237, %dma_start3A_238] : memref<20x100xi32, #tpu.memory_space<vmem>> -> memref<1x100xi32, #tpu.memory_space<vmem>>
      %dma_start3A_240 = tpu.memref_squeeze %dma_start3A_239 : memref<1x100xi32, #tpu.memory_space<vmem>> -> memref<100xi32, #tpu.memory_space<vmem>>
      %dma_start3A_241 = arith.constant 0 : i32
      %dma_start3A_242 = arith.constant 0 : i32
      %dma_start3A_243 = tpu.memref_slice %arg4[%dma_start3A_241, %dma_start3A_242] : memref<10000x128xf32, #tpu.memory_space<hbm>> -> memref<10000x128xf32, #tpu.memory_space<hbm>>
      tpu.enqueue_indirect_dma source(%dma_start3A_243 : memref<10000x128xf32, #tpu.memory_space<hbm>>) target(%arg9 : memref<100x128xf32, #tpu.memory_space<vmem>>) offsets(%dma_start3A_240 : memref<100xi32, #tpu.memory_space<vmem>>) semaphore(%arg13 : memref<!tpu.dma_semaphore, #tpu.memory_space<semaphore_mem>>)
      %add3A_244 = arith.constant 2 : i32
      %add3A_245 = arith.addi %mul3A_205, %add3A_244 : i32
      %dma_wait3A_246 = arith.constant 0 : i32
      %dma_wait3A_247 = tpu.memref_slice %arg6[%add3A_245, %dma_wait3A_246] : memref<20x100xi32, #tpu.memory_space<vmem>> -> memref<1x100xi32, #tpu.memory_space<vmem>>
      %dma_wait3A_248 = tpu.memref_squeeze %dma_wait3A_247 : memref<1x100xi32, #tpu.memory_space<vmem>> -> memref<100xi32, #tpu.memory_space<vmem>>
      %dma_wait3A_249 = arith.constant 0 : i32
      %dma_wait3A_250 = arith.constant 0 : i32
      %dma_wait3A_251 = tpu.memref_slice %arg4[%dma_wait3A_249, %dma_wait3A_250] : memref<10000x128xf32, #tpu.memory_space<hbm>> -> memref<10000x128xf32, #tpu.memory_space<hbm>>
      tpu.wait_indirect_dma semaphore(%arg14 : memref<!tpu.dma_semaphore, #tpu.memory_space<semaphore_mem>>) src(%dma_wait3A_251 : memref<10000x128xf32, #tpu.memory_space<hbm>>) dst(%arg10 : memref<100x128xf32, #tpu.memory_space<vmem>>)
      "tpu.region"() ({
        %run_scoped3A_252 = tpu.sem_alloc : memref<!tpu.dma_semaphore, #tpu.memory_space<semaphore_mem>>
        %dma_start3A_253 = arith.constant 0 : i32
        %dma_start3A_254 = tpu.memref_slice %arg7[%add3A_245, %dma_start3A_253] : memref<20x100xi32, #tpu.memory_space<vmem>> -> memref<1x100xi32, #tpu.memory_space<vmem>>
        %dma_start3A_255 = tpu.memref_squeeze %dma_start3A_254 : memref<1x100xi32, #tpu.memory_space<vmem>> -> memref<100xi32, #tpu.memory_space<vmem>>
        %dma_start3A_256 = arith.constant 0 : i32
        %dma_start3A_257 = arith.constant 0 : i32
        %dma_start3A_258 = tpu.memref_slice %arg11[%dma_start3A_256, %dma_start3A_257] : memref<10240x128xf32, #tpu.memory_space<vmem_shared>> -> memref<10240x128xf32, #tpu.memory_space<vmem_shared>>
        tpu.enqueue_indirect_dma source(%arg10 : memref<100x128xf32, #tpu.memory_space<vmem>>) target(%dma_start3A_258 : memref<10240x128xf32, #tpu.memory_space<vmem_shared>>) offsets(%dma_start3A_255 : memref<100xi32, #tpu.memory_space<vmem>>) semaphore(%run_scoped3A_252 : memref<!tpu.dma_semaphore, #tpu.memory_space<semaphore_mem>>) {add = true}
        %dma_wait3A_259 = arith.constant 0 : i32
        %dma_wait3A_260 = tpu.memref_slice %arg7[%add3A_245, %dma_wait3A_259] : memref<20x100xi32, #tpu.memory_space<vmem>> -> memref<1x100xi32, #tpu.memory_space<vmem>>
        %dma_wait3A_261 = tpu.memref_squeeze %dma_wait3A_260 : memref<1x100xi32, #tpu.memory_space<vmem>> -> memref<100xi32, #tpu.memory_space<vmem>>
        %dma_wait3A_262 = arith.constant 0 : i32
        %dma_wait3A_263 = arith.constant 0 : i32
        %dma_wait3A_264 = tpu.memref_slice %arg11[%dma_wait3A_262, %dma_wait3A_263] : memref<10240x128xf32, #tpu.memory_space<vmem_shared>> -> memref<10240x128xf32, #tpu.memory_space<vmem_shared>>
        tpu.wait_indirect_dma semaphore(%run_scoped3A_252 : memref<!tpu.dma_semaphore, #tpu.memory_space<semaphore_mem>>) src(%arg10 : memref<100x128xf32, #tpu.memory_space<vmem>>) dst(%dma_wait3A_264 : memref<10240x128xf32, #tpu.memory_space<vmem_shared>>)
        tpu.yield
      }) : () -> ()
    }
    %scan3A_181 = arith.constant 6 : i32
    %dma_wait3A_182 = arith.constant 18 : i32
    %dma_wait3A_183 = arith.constant 0 : i32
    %dma_wait3A_184 = tpu.memref_slice %arg6[%dma_wait3A_182, %dma_wait3A_183] : memref<20x100xi32, #tpu.memory_space<vmem>> -> memref<1x100xi32, #tpu.memory_space<vmem>>
    %dma_wait3A_185 = tpu.memref_squeeze %dma_wait3A_184 : memref<1x100xi32, #tpu.memory_space<vmem>> -> memref<100xi32, #tpu.memory_space<vmem>>
    %dma_wait3A_186 = arith.constant 0 : i32
    %dma_wait3A_187 = arith.constant 0 : i32
    %dma_wait3A_188 = tpu.memref_slice %arg4[%dma_wait3A_186, %dma_wait3A_187] : memref<10000x128xf32, #tpu.memory_space<hbm>> -> memref<10000x128xf32, #tpu.memory_space<hbm>>
    tpu.wait_indirect_dma semaphore(%arg12 : memref<!tpu.dma_semaphore, #tpu.memory_space<semaphore_mem>>) src(%dma_wait3A_188 : memref<10000x128xf32, #tpu.memory_space<hbm>>) dst(%arg8 : memref<100x128xf32, #tpu.memory_space<vmem>>)
    %run_scoped3A_189 = arith.constant 18 : i32
    "tpu.region"() ({
      %run_scoped3A_199 = tpu.sem_alloc : memref<!tpu.dma_semaphore, #tpu.memory_space<semaphore_mem>>
      %dma_start3A_200 = arith.constant 0 : i32
      %dma_start3A_201 = tpu.memref_slice %arg7[%run_scoped3A_189, %dma_start3A_200] : memref<20x100xi32, #tpu.memory_space<vmem>> -> memref<1x100xi32, #tpu.memory_space<vmem>>
      %dma_start3A_202 = tpu.memref_squeeze %dma_start3A_201 : memref<1x100xi32, #tpu.memory_space<vmem>> -> memref<100xi32, #tpu.memory_space<vmem>>
      %dma_start3A_203 = arith.constant 0 : i32
      %dma_start3A_204 = arith.constant 0 : i32
      %dma_start3A_205 = tpu.memref_slice %arg11[%dma_start3A_203, %dma_start3A_204] : memref<10240x128xf32, #tpu.memory_space<vmem_shared>> -> memref<10240x128xf32, #tpu.memory_space<vmem_shared>>
      tpu.enqueue_indirect_dma source(%arg8 : memref<100x128xf32, #tpu.memory_space<vmem>>) target(%dma_start3A_205 : memref<10240x128xf32, #tpu.memory_space<vmem_shared>>) offsets(%dma_start3A_202 : memref<100xi32, #tpu.memory_space<vmem>>) semaphore(%run_scoped3A_199 : memref<!tpu.dma_semaphore, #tpu.memory_space<semaphore_mem>>) {add = true}
      %dma_wait3A_206 = arith.constant 0 : i32
      %dma_wait3A_207 = tpu.memref_slice %arg7[%run_scoped3A_189, %dma_wait3A_206] : memref<20x100xi32, #tpu.memory_space<vmem>> -> memref<1x100xi32, #tpu.memory_space<vmem>>
      %dma_wait3A_208 = tpu.memref_squeeze %dma_wait3A_207 : memref<1x100xi32, #tpu.memory_space<vmem>> -> memref<100xi32, #tpu.memory_space<vmem>>
      %dma_wait3A_209 = arith.constant 0 : i32
      %dma_wait3A_210 = arith.constant 0 : i32
      %dma_wait3A_211 = tpu.memref_slice %arg11[%dma_wait3A_209, %dma_wait3A_210] : memref<10240x128xf32, #tpu.memory_space<vmem_shared>> -> memref<10240x128xf32, #tpu.memory_space<vmem_shared>>
      tpu.wait_indirect_dma semaphore(%run_scoped3A_199 : memref<!tpu.dma_semaphore, #tpu.memory_space<semaphore_mem>>) src(%arg8 : memref<100x128xf32, #tpu.memory_space<vmem>>) dst(%dma_wait3A_211 : memref<10240x128xf32, #tpu.memory_space<vmem_shared>>)
      tpu.yield
    }) : () -> ()
    %dma_wait3A_190 = arith.constant 19 : i32
    %dma_wait3A_191 = arith.constant 0 : i32
    %dma_wait3A_192 = tpu.memref_slice %arg6[%dma_wait3A_190, %dma_wait3A_191] : memref<20x100xi32, #tpu.memory_space<vmem>> -> memref<1x100xi32, #tpu.memory_space<vmem>>
    %dma_wait3A_193 = tpu.memref_squeeze %dma_wait3A_192 : memref<1x100xi32, #tpu.memory_space<vmem>> -> memref<100xi32, #tpu.memory_space<vmem>>
    %dma_wait3A_194 = arith.constant 0 : i32
    %dma_wait3A_195 = arith.constant 0 : i32
    %dma_wait3A_196 = tpu.memref_slice %arg4[%dma_wait3A_194, %dma_wait3A_195] : memref<10000x128xf32, #tpu.memory_space<hbm>> -> memref<10000x128xf32, #tpu.memory_space<hbm>>
    tpu.wait_indirect_dma semaphore(%arg13 : memref<!tpu.dma_semaphore, #tpu.memory_space<semaphore_mem>>) src(%dma_wait3A_196 : memref<10000x128xf32, #tpu.memory_space<hbm>>) dst(%arg9 : memref<100x128xf32, #tpu.memory_space<vmem>>)
    %run_scoped3A_197 = arith.constant 19 : i32
    "tpu.region"() ({
      %run_scoped3A_199 = tpu.sem_alloc : memref<!tpu.dma_semaphore, #tpu.memory_space<semaphore_mem>>
      %dma_start3A_200 = arith.constant 0 : i32
      %dma_start3A_201 = tpu.memref_slice %arg7[%run_scoped3A_197, %dma_start3A_200] : memref<20x100xi32, #tpu.memory_space<vmem>> -> memref<1x100xi32, #tpu.memory_space<vmem>>
      %dma_start3A_202 = tpu.memref_squeeze %dma_start3A_201 : memref<1x100xi32, #tpu.memory_space<vmem>> -> memref<100xi32, #tpu.memory_space<vmem>>
      %dma_start3A_203 = arith.constant 0 : i32
      %dma_start3A_204 = arith.constant 0 : i32
      %dma_start3A_205 = tpu.memref_slice %arg11[%dma_start3A_203, %dma_start3A_204] : memref<10240x128xf32, #tpu.memory_space<vmem_shared>> -> memref<10240x128xf32, #tpu.memory_space<vmem_shared>>
      tpu.enqueue_indirect_dma source(%arg9 : memref<100x128xf32, #tpu.memory_space<vmem>>) target(%dma_start3A_205 : memref<10240x128xf32, #tpu.memory_space<vmem_shared>>) offsets(%dma_start3A_202 : memref<100xi32, #tpu.memory_space<vmem>>) semaphore(%run_scoped3A_199 : memref<!tpu.dma_semaphore, #tpu.memory_space<semaphore_mem>>) {add = true}
      %dma_wait3A_206 = arith.constant 0 : i32
      %dma_wait3A_207 = tpu.memref_slice %arg7[%run_scoped3A_197, %dma_wait3A_206] : memref<20x100xi32, #tpu.memory_space<vmem>> -> memref<1x100xi32, #tpu.memory_space<vmem>>
      %dma_wait3A_208 = tpu.memref_squeeze %dma_wait3A_207 : memref<1x100xi32, #tpu.memory_space<vmem>> -> memref<100xi32, #tpu.memory_space<vmem>>
      %dma_wait3A_209 = arith.constant 0 : i32
      %dma_wait3A_210 = arith.constant 0 : i32
      %dma_wait3A_211 = tpu.memref_slice %arg11[%dma_wait3A_209, %dma_wait3A_210] : memref<10240x128xf32, #tpu.memory_space<vmem_shared>> -> memref<10240x128xf32, #tpu.memory_space<vmem_shared>>
      tpu.wait_indirect_dma semaphore(%run_scoped3A_199 : memref<!tpu.dma_semaphore, #tpu.memory_space<semaphore_mem>>) src(%arg9 : memref<100x128xf32, #tpu.memory_space<vmem>>) dst(%dma_wait3A_211 : memref<10240x128xf32, #tpu.memory_space<vmem_shared>>)
      tpu.yield
    }) : () -> ()
    %barrier3A_198 = arith.constant 0 : index
    tpu.barrier barrier_id(%barrier3A_198)
    "tpu.region"() ({
      %run_scoped3A_199 = tpu.sem_alloc : memref<!tpu.dma_semaphore, #tpu.memory_space<semaphore_mem>>
      %dma_start3A_200 = arith.constant 0 : i32
      %dma_start3A_201 = arith.constant 0 : i32
      %dma_start3A_202 = tpu.memref_slice %arg5[%arg0, %arg1, %dma_start3A_200, %dma_start3A_201] : memref<2x16x640x128xf32, #tpu.memory_space<hbm>> -> memref<1x1x640x128xf32, #tpu.memory_space<hbm>>
      %dma_start3A_203 = tpu.memref_squeeze %dma_start3A_202 : memref<1x1x640x128xf32, #tpu.memory_space<hbm>> -> memref<640x128xf32, #tpu.memory_space<hbm>>
      %dma_start3A_204 = arith.constant 0 : i32
      %dma_start3A_205 = tpu.memref_slice %arg11[%mul3A_2, %dma_start3A_204] : memref<10240x128xf32, #tpu.memory_space<vmem_shared>> -> memref<640x128xf32, #tpu.memory_space<vmem_shared>>
      tpu.enqueue_dma source(%dma_start3A_205 : memref<640x128xf32, #tpu.memory_space<vmem_shared>>) target(%dma_start3A_203 : memref<640x128xf32, #tpu.memory_space<hbm>>) target_semaphore(%run_scoped3A_199 : memref<!tpu.dma_semaphore, #tpu.memory_space<semaphore_mem>>)
      %dma_wait3A_206 = arith.constant 0 : i32
      %dma_wait3A_207 = arith.constant 0 : i32
      %dma_wait3A_208 = tpu.memref_slice %arg5[%arg0, %arg1, %dma_wait3A_206, %dma_wait3A_207] : memref<2x16x640x128xf32, #tpu.memory_space<hbm>> -> memref<1x1x640x128xf32, #tpu.memory_space<hbm>>
      %dma_wait3A_209 = tpu.memref_squeeze %dma_wait3A_208 : memref<1x1x640x128xf32, #tpu.memory_space<hbm>> -> memref<640x128xf32, #tpu.memory_space<hbm>>
      %dma_wait3A_210 = arith.constant 0 : i32
      %dma_wait3A_211 = tpu.memref_slice %arg11[%mul3A_2, %dma_wait3A_210] : memref<10240x128xf32, #tpu.memory_space<vmem_shared>> -> memref<640x128xf32, #tpu.memory_space<vmem_shared>>
      tpu.wait_dma2 semaphore(%run_scoped3A_199 : memref<!tpu.dma_semaphore, #tpu.memory_space<semaphore_mem>>) src(%dma_wait3A_211 : memref<640x128xf32, #tpu.memory_space<vmem_shared>>) dst(%dma_wait3A_209 : memref<640x128xf32, #tpu.memory_space<hbm>>)
      tpu.yield
    }) : () -> ()
    return
  }
}

module attributes {stable_mosaic.version = 14 : i64} {
  func.func @_matmul_body(%arg0: i32, %arg1: memref<2000x128xf32, #tpu.memory_space<vmem>>, %arg2: memref<128x128xf32, #tpu.memory_space<vmem>>, %arg3: memref<2000x128xf32, #tpu.memory_space<vmem>>) attributes {dimension_semantics = [#tpu.dimension_semantics<arbitrary>], iteration_bounds = array<i64: 5>, scalar_prefetch = 0 : i64, scratch_operands = 0 : i64, tpu.core_type = #tpu.core_type<tc>, window_params = [{transform_indices = @transform_0, window_bounds = array<i64: 2000, 128>}, {pipeline_mode = #tpu.pipeline_mode<synchronous>, transform_indices = @transform_1, window_bounds = array<i64: 128, 128>}, {transform_indices = @transform_2, window_bounds = array<i64: 2000, 128>}]} {
    %get3A = arith.constant 0 : index
    %get3A_0 = arith.constant 0 : index
    %get3A_1 = vector.load %arg1[%get3A, %get3A_0] : memref<2000x128xf32, #tpu.memory_space<vmem>>, vector<2000x128xf32>
    %get3A_2 = arith.constant 0 : index
    %get3A_3 = arith.constant 0 : index
    %get3A_4 = vector.load %arg2[%get3A_2, %get3A_3] : memref<128x128xf32, #tpu.memory_space<vmem>>, vector<128x128xf32>
    %dot_general3A = arith.constant dense<0.000000e+00> : vector<2000x128xf32>
    %dot_general3A_5 = tpu.matmul %get3A_1, %get3A_4, %dot_general3A {dimension_numbers = #tpu.dot_dimension_numbers<[1], [0], [0], [1], [0, 0, 1, 1], [], []>, precision = #tpu.contract_precision<fp32>, transpose_lhs_hint = false} : vector<2000x128xf32>, vector<128x128xf32>, vector<2000x128xf32> -> vector<2000x128xf32>
    %swap3A = arith.constant 0 : index
    %swap3A_6 = arith.constant 0 : index
    %swap3A_7 = vector.load %arg3[%swap3A, %swap3A_6] : memref<2000x128xf32, #tpu.memory_space<vmem>>, vector<2000x128xf32>
    tpu.vector_store %arg3[%swap3A, %swap3A_6], %dot_general3A_5 {strides = array<i32>} : memref<2000x128xf32, #tpu.memory_space<vmem>>, vector<2000x128xf32>,
    return
  }
  func.func @transform_0(%arg0: i32) -> (i32, i32) {
    %c0_i32 = arith.constant 0 : i32
    %c0_i32_0 = arith.constant 0 : i32
    return %arg0, %c0_i32 : i32, i32
  }
  func.func @transform_1(%arg0: i32) -> (i32, i32) {
    %c0_i32 = arith.constant 0 : i32
    %c0_i32_0 = arith.constant 0 : i32
    %c0_i32_1 = arith.constant 0 : i32
    return %c0_i32, %c0_i32_0 : i32, i32
  }
  func.func @transform_2(%arg0: i32) -> (i32, i32) {
    %c0_i32 = arith.constant 0 : i32
    %c0_i32_0 = arith.constant 0 : i32
    return %arg0, %c0_i32 : i32, i32
  }
}

module attributes {stable_mosaic.version = 14 : i64} {
  func.func @_fused_mid_body(%arg0: i32, %arg1: memref<2048x128xf32, #tpu.memory_space<vmem>>, %arg2: memref<2048x128xf32, #tpu.memory_space<vmem>>, %arg3: memref<1x128xf32, #tpu.memory_space<vmem>>, %arg4: memref<2048x128xf32, #tpu.memory_space<vmem>>, %arg5: memref<128x128xf32, #tpu.memory_space<vmem>>, %arg6: memref<2048x128xf32, #tpu.memory_space<vmem>>) attributes {dimension_semantics = [#tpu.dimension_semantics<arbitrary>], iteration_bounds = array<i64: 5>, scalar_prefetch = 0 : i64, scratch_operands = 0 : i64, tpu.core_type = #tpu.core_type<tc>, window_params = [{transform_indices = @transform_0, window_bounds = array<i64: 2048, 128>}, {transform_indices = @transform_1, window_bounds = array<i64: 2048, 128>}, {pipeline_mode = #tpu.pipeline_mode<synchronous>, transform_indices = @transform_2, window_bounds = array<i64: 1, 128>}, {transform_indices = @transform_3, window_bounds = array<i64: 2048, 128>}, {pipeline_mode = #tpu.pipeline_mode<synchronous>, transform_indices = @transform_4, window_bounds = array<i64: 128, 128>}, {transform_indices = @transform_5, window_bounds = array<i64: 2048, 128>}]} {
    %get3A = arith.constant 0 : index
    %get3A_0 = arith.constant 0 : index
    %get3A_1 = vector.load %arg1[%get3A, %get3A_0] : memref<2048x128xf32, #tpu.memory_space<vmem>>, vector<2048x128xf32>
    %get3A_2 = arith.constant 0 : index
    %get3A_3 = arith.constant 0 : index
    %get3A_4 = vector.load %arg2[%get3A_2, %get3A_3] : memref<2048x128xf32, #tpu.memory_space<vmem>>, vector<2048x128xf32>
    %add3A = arith.addf %get3A_1, %get3A_4 : vector<2048x128xf32>
    %get3A_5 = arith.constant 0 : index
    %get3A_6 = arith.constant 0 : index
    %get3A_7 = vector.load %arg3[%get3A_5, %get3A_6] : memref<1x128xf32, #tpu.memory_space<vmem>>, vector<1x128xf32>
    %add3A_8 = vector.broadcast %get3A_7 : vector<1x128xf32> to vector<2048x128xf32>
    %add3A_9 = arith.addf %add3A, %add3A_8 : vector<2048x128xf32>
    %max3A = arith.constant 0.000000e+00 : f32
    %max3A_10 = vector.broadcast %max3A : f32 to vector<2048x128xf32>
    %max3A_11 = arith.maximumf %add3A_9, %max3A_10 : vector<2048x128xf32>
    %get3A_12 = arith.constant 0 : index
    %get3A_13 = arith.constant 0 : index
    %get3A_14 = vector.load %arg4[%get3A_12, %get3A_13] : memref<2048x128xf32, #tpu.memory_space<vmem>>, vector<2048x128xf32>
    %mul3A = arith.mulf %max3A_11, %get3A_14 : vector<2048x128xf32>
    %get3A_15 = arith.constant 0 : index
    %get3A_16 = arith.constant 0 : index
    %get3A_17 = vector.load %arg5[%get3A_15, %get3A_16] : memref<128x128xf32, #tpu.memory_space<vmem>>, vector<128x128xf32>
    %dot_general3A = arith.constant dense<0.000000e+00> : vector<2048x128xf32>
    %dot_general3A_18 = tpu.matmul %mul3A, %get3A_17, %dot_general3A {dimension_numbers = #tpu.dot_dimension_numbers<[1], [0], [0], [1], [0, 0, 1, 1], [], []>, precision = #tpu.contract_precision<fp32>, transpose_lhs_hint = false} : vector<2048x128xf32>, vector<128x128xf32>, vector<2048x128xf32> -> vector<2048x128xf32>
    %swap3A = arith.constant 0 : index
    %swap3A_19 = arith.constant 0 : index
    %swap3A_20 = vector.load %arg6[%swap3A, %swap3A_19] : memref<2048x128xf32, #tpu.memory_space<vmem>>, vector<2048x128xf32>
    tpu.vector_store %arg6[%swap3A, %swap3A_19], %dot_general3A_18 {strides = array<i32>} : memref<2048x128xf32, #tpu.memory_space<vmem>>, vector<2048x128xf32>,
    return
  }
  func.func @transform_0(%arg0: i32) -> (i32, i32) {
    %c0_i32 = arith.constant 0 : i32
    %c0_i32_0 = arith.constant 0 : i32
    return %arg0, %c0_i32 : i32, i32
  }
  func.func @transform_1(%arg0: i32) -> (i32, i32) {
    %c0_i32 = arith.constant 0 : i32
    %c0_i32_0 = arith.constant 0 : i32
    return %arg0, %c0_i32 : i32, i32
  }
  func.func @transform_2(%arg0: i32) -> (i32, i32) {
    %c0_i32 = arith.constant 0 : i32
    %c0_i32_0 = arith.constant 0 : i32
    %c0_i32_1 = arith.constant 0 : i32
    return %c0_i32, %c0_i32_0 : i32, i32
  }
  func.func @transform_3(%arg0: i32) -> (i32, i32) {
    %c0_i32 = arith.constant 0 : i32
    %c0_i32_0 = arith.constant 0 : i32
    return %arg0, %c0_i32 : i32, i32
  }
  func.func @transform_4(%arg0: i32) -> (i32, i32) {
    %c0_i32 = arith.constant 0 : i32
    %c0_i32_0 = arith.constant 0 : i32
    %c0_i32_1 = arith.constant 0 : i32
    return %c0_i32, %c0_i32_0 : i32, i32
  }
  func.func @transform_5(%arg0: i32) -> (i32, i32) {
    %c0_i32 = arith.constant 0 : i32
    %c0_i32_0 = arith.constant 0 : i32
    return %arg0, %c0_i32 : i32, i32
  }
}

module attributes {stable_mosaic.version = 14 : i64} {
  func.func @_final_body(%arg0: memref<1250x128xf32, #tpu.memory_space<vmem>>, %arg1: memref<1250x128xf32, #tpu.memory_space<vmem>>, %arg2: memref<1250x128xf32, #tpu.memory_space<vmem>>, %arg3: memref<1250x128xf32, #tpu.memory_space<vmem>>) attributes {dimension_semantics = [], scalar_prefetch = 0 : i64, scratch_operands = 0 : i64, tpu.core_type = #tpu.core_type<tc>} {
    %get3A = arith.constant 0 : index
    %get3A_0 = arith.constant 0 : index
    %get3A_1 = vector.load %arg0[%get3A, %get3A_0] : memref<1250x128xf32, #tpu.memory_space<vmem>>, vector<1250x128xf32>
    %get3A_2 = arith.constant 0 : index
    %get3A_3 = arith.constant 0 : index
    %get3A_4 = vector.load %arg1[%get3A_2, %get3A_3] : memref<1250x128xf32, #tpu.memory_space<vmem>>, vector<1250x128xf32>
    %add3A = arith.addf %get3A_1, %get3A_4 : vector<1250x128xf32>
    %get3A_5 = arith.constant 0 : index
    %get3A_6 = arith.constant 0 : index
    %get3A_7 = vector.load %arg2[%get3A_5, %get3A_6] : memref<1250x128xf32, #tpu.memory_space<vmem>>, vector<1250x128xf32>
    %add3A_8 = arith.addf %add3A, %get3A_7 : vector<1250x128xf32>
    %swap3A = arith.constant 0 : index
    %swap3A_9 = arith.constant 0 : index
    %swap3A_10 = vector.load %arg3[%swap3A, %swap3A_9] : memref<1250x128xf32, #tpu.memory_space<vmem>>, vector<1250x128xf32>
    tpu.vector_store %arg3[%swap3A, %swap3A_9], %add3A_8 {strides = array<i32>} : memref<1250x128xf32, #tpu.memory_space<vmem>>, vector<1250x128xf32>,
    return
  }
}

</mosaic_0001>

<sc_bundles>
// kernel: kernel.10.cloned.1.call-start
scs
__scs_entry_jumppad:
0x0: {  	(pc) =	sbr.rel $0x88, $3  }
0x1: {  	(tag) =	ssettag $0x0;
	lr =	simm.s32 $0x1  }
0x2: {  	[smem:$0x3F9B] =	sst lr;
	_ =	strace $0xD0000000  }
0x3: {  	_ = 	snop  }
0x4: {  	_ = 	snop  }
0x5: {  	_ = 	snop  }
0x6: {  	_ = 	snop  }
0x7: {  	_ = 	snop  }
__scs_overlays_trampoline_lowered:
0x8: {  	[smem:$0x3FAA] =	sst s0  }
0x9: {  	[smem:$0x3FAB] =	sst s1  }
0xa: {  	[smem:$0x3FAC] =	sst s2  }
0xb: {  	[smem:$0x3FAD] =	sst s3  }
0xc: {  	[smem:$0x3FAE] =	sst s4  }
0xd: {  	[smem:$0x3FAF] =	sst s5  }
0xe: {  	[smem:$0x3FB0] =	sst s6  }
0xf: {  	[smem:$0x3FB1] =	sst s7  }
0x10: {  	[smem:$0x3FB2] =	sst s8  }
0x11: {  	[smem:$0x3FB3] =	sst s9;
	s0 =	simm.s32 @!p0 $0x0  }
0x12: {  	s1 =	sld [smem:$0x3F99];
	s0 =	simm.s32 @p0 $0x1  }
0x13: {  	[smem:$0x3FB4] =	sst s0;
	s0 =	simm.s32 @!p1 $0x0  }
0x14: {  	s2 =	sld [smem:$0x3F98];
	s0 =	simm.s32 @p1 $0x1  }
0x15: {  	[smem:$0x3FB5] =	sst s0;
	s0 =	simm.s32 @!p2 $0x0  }
0x16: {  	s3 =	sld [smem:$0x3FDB];
	s0 =	simm.s32 @p2 $0x1  }
0x17: {  	s4 =	simm.s32 $0x1BF5;
	[smem:$0x3FB7] =	sst s0  }
0x18: {  	s0 =	sld [smem:$0x3F9A];
	_ =	swait.ge [sflag:s4], $0x0  }
0x19: {  	s7 =	sld [smem:$0x3F9B]  }
0x1a: {  	s8 =	sadd.s32 $0xFFFFE003, lr  }
0x1b: {  	s9 =	sadd.s32 $0xFFFFFEF7, lr;
	s5 =	simm.s32 $0xFFFFFFFF;
	p2 =	slt.u32 s8, $0xFFFFF086  }
0x1c: {  	p1 =	slt.u32 s9, $0xF7A;
	s5 =	simm.s32 @!p2 $0x0  }
0x1d: {  	s5 =	simm.s32 @p1 $0x1;
	p0 =	seq.s32 s7, s2  }
0x1e: {  	s7 =	smul.u32 @!p0 $0xF7A, s2;
	p2 =	seq.s32 @!p0 s5, $0x0  }
0x1f: {  	s9 =	smul.u32 $0xF7A, s1;
	s8 =	simm.s32 @!p0 $0x1BF5;
	p2 =	por !p2, p0  }
0x20: {  	[sflag:s8] =	ssyncset.s32 @!p0 $0xFFFFF086;
	s6 =	sadd.s32 @!p0 s3, s7;
	s7 =	simm.s32 @!p0 $0x108  }
0x21: {  	s3 =	sadd.s32 s3, s9;
	s6 =	sadd.s32 @!p0 $0x88, s6;
	s7 =	simm.s32 @p2 $0x1082  }
0x22: {  	[simem:s7], [sflag:s8] =	dma.local @!p0 [hbm:s6], $0xF7A  }
0x23: {  	s9 =	sor.u32 $0xD0000000, s2;
	s6 =	simm.s32 $0x108;
	_ =	swait.ge @!p0 [sflag:s8], $0x0  }
0x24: {  	s3 =	sadd.s32 $0x88, s3;
	s6 =	simm.s32 @!p1 $0x1082;
	[sflag:s4] =	ssyncset.s32 $0xFFFFF086  }
0x25: {  	[simem:s6], [sflag:s4] =	dma.local [hbm:s3], $0xF7A  }
0x26: {  	[smem:$0x3F9B] =	sst s1;
	(tag) =	ssettag s2;
	_ =	strace s9  }
0x27: {  	s1 =	sld [smem:$0x3FAB]  }
0x28: {  	s2 =	sld [smem:$0x3FAC]  }
0x29: {  	s4 =	sld [smem:$0x3FAE]  }
0x2a: {  	p0 =	seq.s32 s5, $0x0;
	s5 =	sld [smem:$0x3FAF]  }
0x2b: {  	s6 =	sld [smem:$0x3FB0]  }
0x2c: {  	s7 =	sld [smem:$0x3FB1]  }
0x2d: {  	s3 =	simm.s32 $0x108;
	s8 =	sld [smem:$0x3FB2]  }
0x2e: {  	s3 =	simm.s32 @!p0 $0x1082;
	s9 =	sld [smem:$0x3FB3]  }
0x2f: {  	lr =	sadd.s32 s0, s3;
	s0 =	sld [smem:$0x3FAA]  }
0x30: {  	s3 =	sld [smem:$0x3FAD]  }
0x31: {  	[smem:$0x3FB6] =	sst s10  }
0x32: {  	s10 =	sld [smem:$0x3FB4];
	_ =	sdelay $0x3  }
0x33: {  	p0 =	seq.s32 s10, $0x1;
	s10 =	sld [smem:$0x3FB6];
	_ =	sdelay $0x3  }
0x34: {  	[smem:$0x3FB6] =	sst s10  }
0x35: {  	s10 =	sld [smem:$0x3FB5];
	_ =	sdelay $0x3  }
0x36: {  	p1 =	seq.s32 s10, $0x1;
	s10 =	sld [smem:$0x3FB6];
	_ =	sdelay $0x3  }
0x37: {  	[smem:$0x3FB6] =	sst s10  }
0x38: {  	s10 =	sld [smem:$0x3FB7]  }
0x39: {  	_ = 	snop;
	(pc) =	sbr.ind lr, $3  }
0x3a: {  	_ = 	snop  }
0x3b: {  	_ = 	snop  }
0x3c: {  	p2 =	seq.s32 s10, $0x1;
	s10 =	sld [smem:$0x3FB6]  }
0x3d: {  	_ =	shalt  }
0x3e: {  	_ =	shalt  }
0x3f: {  	_ =	shalt  }
0x40: {  	_ =	shalt  }
0x41: {  	_ =	shalt  }
0x42: {  	_ =	shalt  }
0x43: {  	_ =	shalt  }
0x44: {  	_ =	shalt  }
0x45: {  	_ =	shalt  }
0x46: {  	_ =	shalt  }
0x47: {  	_ =	shalt  }
0x48: {  	_ =	shalt  }
0x49: {  	_ =	shalt  }
0x4a: {  	_ =	shalt  }
0x4b: {  	_ =	shalt  }
0x4c: {  	_ =	shalt  }
0x4d: {  	_ =	shalt  }
0x4e: {  	_ =	shalt  }
0x4f: {  	_ =	shalt  }
0x50: {  	_ =	shalt  }
0x51: {  	_ =	shalt  }
0x52: {  	_ =	shalt  }
0x53: {  	_ =	shalt  }
0x54: {  	_ =	shalt  }
0x55: {  	_ =	shalt  }
0x56: {  	_ =	shalt  }
0x57: {  	_ =	shalt  }
0x58: {  	_ =	shalt  }
0x59: {  	_ =	shalt  }
0x5a: {  	_ =	shalt  }
0x5b: {  	_ =	shalt  }
0x5c: {  	_ =	shalt  }
0x5d: {  	_ =	shalt  }
0x5e: {  	_ =	shalt  }
0x5f: {  	_ =	shalt  }
0x60: {  	_ =	shalt  }
0x61: {  	_ =	shalt  }
0x62: {  	_ =	shalt  }
0x63: {  	_ =	shalt  }
0x64: {  	_ =	shalt  }
0x65: {  	_ =	shalt  }
0x66: {  	_ =	shalt  }
0x67: {  	_ =	shalt  }
0x68: {  	_ =	shalt  }
0x69: {  	_ =	shalt  }
0x6a: {  	_ =	shalt  }
0x6b: {  	_ =	shalt  }
0x6c: {  	_ =	shalt  }
0x6d: {  	_ =	shalt  }
0x6e: {  	_ =	shalt  }
0x6f: {  	_ =	shalt  }
0x70: {  	_ =	shalt  }
0x71: {  	_ =	shalt  }
0x72: {  	_ =	shalt  }
0x73: {  	_ =	shalt  }
0x74: {  	_ =	shalt  }
0x75: {  	_ =	shalt  }
0x76: {  	_ =	shalt  }
0x77: {  	_ =	shalt  }
0x78: {  	_ =	shalt  }
0x79: {  	_ =	shalt  }
0x7a: {  	_ =	shalt  }
0x7b: {  	_ =	shalt  }
0x7c: {  	_ =	shalt  }
0x7d: {  	_ =	shalt  }
0x7e: {  	_ =	shalt  }
0x7f: {  	_ =	shalt  }
0x80: {  	_ =	shalt  }
0x81: {  	_ =	shalt  }
0x82: {  	_ =	shalt  }
0x83: {  	_ =	shalt  }
0x84: {  	_ =	shalt  }
0x85: {  	_ =	shalt  }
0x86: {  	_ =	shalt  }
0x87: {  	_ =	shalt  }
.Lfunc_end0:
.L_simem_size_0:
called_computation.1_lowered:
.L_overlay_start_0:
0x88: {  	s2 =	sld [smem:$0x3FD9]  }
0x89: {  	s3 =	sld [smem:$0x3FFE];
	_ =	sdelay $0x1  }
0x8a: {  	s1 =	srdreg.scid  }
0x8b: {  	s0 =	sand.u32 $0x1, s1  }
0x8c: {  	s16 =	sshll.u32 s0, $0xA;
	s2 =	sadd.s32 s3, s2  }
0x8d: {  	s2 =	sadd.s32 s2, s16  }
0x8e: {  	[smem:$0x3FC2] =	sst s2  }
0x8f: {  	_ = 	snop  }
0x90: {  	(tm) =	ssettm $0x1  }
0x91: {  	s17 =	sld [smem:$0x3FFB];
	_ =	sdelay $0x3  }
0x92: {  	_ =	strace s17  }
0x93: {  	s2 =	sld [smem:$0x3FFC];
	_ =	sdelay $0x3  }
0x94: {  	_ =	strace s2  }
0x95: {  	s2 =	sld [smem:$0x3FFD];
	_ =	sdelay $0x3  }
0x96: {  	_ =	strace s2  }
0x97: {  	_ =	strace $0x8FFFFFFF  }
0x98: {  	s18 =	sld [smem:$0x3FDB];
	_ =	sdelay $0x1  }
0x99: {  	s19 =	simm.s32 $_scs_section_size  }
0x9a: {  	s4 =	simm.s32 $_size__tile_overlayer_lowered;
	s5 =	simm.s32 $_tile_overlayer_lowered  }
0x9b: {  	s22 =	simm.s32 $0x1BFF;
	s21 =	sshll.u32 s5, $0x1;
	s2 =	sadd.s32 s19, s18  }
0x9c: {  	s6 =	simm.s32 $0x0;
	s20 =	sshll.u32 s4, $0x1;
	s4 =	sadd.s32 s21, s2  }
0x9d: {  	[timem:s6], [sflag:s22] =	dma.local [hbm:s4], s20  }
0x9e: {  	_ =	swait.ge [sflag:s22], s20  }
0x9f: {  	s3 =	ssub.s32 $0x0, s20;
	[sflag:s22] =	ssyncset.done $0x0  }
0xa0: {  	[sflag:s22] =	ssyncadd.s32 s3;
	_ =	sdelay $0x1  }
0xa1: {  	s23 =	simm.s32 $0x1B8B  }
0xa2: {  	_ =	swait.ge [sflag:s23], $0x1  }
0xa3: {  	[sflag:s23] =	ssyncset.done $0x0  }
0xa4: {  	s25 =	simm.s32 $0x1B8E;
	s24 =	sld [smem:$0x3FFE];
	[sflag:s23] =	ssyncadd.s32 $0xFFFFFFFF  }
0xa5: {  	s26 =	simm.s32 $execute0_lowered;
	[smem:$0x3FD2] =	sst s25  }
0xa6: {  	s4 =	sshll.u32 s26, $0x1;
	_ =	strace $0x80000049;
	[dreg:$0x1] =	wrdreg $0xFFFFFFFF  }
0xa7: {  	s28 =	simm.s32 $_size_execute0_lowered;
	s2 =	sadd.s32 s2, s4;
	[dreg:$0x0] =	wrdreg $0x0  }
0xa8: {  	s4 =	sshll.u32 s28, $0x1;
	[dreg:$0x2] =	wrdreg s2  }
0xa9: {  	[dreg:$0x3] =	wrdreg s4  }
0xaa: {  	[dreg:$0x4] =	wrdreg $0xC0  }
0xab: {  	_ =	task [dreg:s6], $0x5FFFF  }
0xac: {  	[dreg:$0x1] =	wrdreg $0xFFFFFFFF  }
0xad: {  	[dreg:$0x0] =	wrdreg $0x60  }
0xae: {  	[dreg:$0x2] =	wrdreg s24  }
0xaf: {  	[dreg:$0x3] =	wrdreg $0x68000  }
0xb0: {  	[dreg:$0x4] =	wrdreg $0x9  }
0xb1: {  	_ =	task.clear_ibuf [dreg:s6], $0x5FFFF;
	_ =	strace $0x90000049  }
0xb2: {  	s29 =	simm.s32 $0x9;
	_ =	strace $0x8000004B  }
0xb3: {  	_ =	swait.ge [sflag:s29], $0x1  }
0xb4: {  	[sflag:s29] =	ssyncadd.s32 $0xFFFFFFFF  }
0xb5: {  	_ =	strace $0x9000004B  }
0xb6: {  	_ =	sfence  }
0xb7: {  	s30 =	sld [smem:$0x0];
	_ =	sdelay $0x2  }
0xb8: {  	s31 =	sshll.u32 s1, $0xD;
	s1 =	sshrl.u32 s1, $0x2  }
0xb9: {  	s3 =	sand.u32 $0x4000, s31;
	s1 =	sadd.s32 s1, s30  }
0xba: {  	s0 =	sor.u32 s3, s0;
	s1 =	sshll.u32 s1, $0x11  }
0xbb: {  	s0 =	sor.u32 s1, s0  }
0xbc: {  	s0 =	sadd.s32 $0x8F2B, s0  }
0xbd: {  	[sflag:s0] =	ssyncadd.remote.s32 $0x1  }
0xbe: {  	_ =	sfence.sel $0xFFFF  }
0xbf: {  	[dreg:$0x0] =	wrdreg $0xFFFFFFFF;
	(pc) =	sbr.abs _section_cstart, $3  }
0xc0: {  	[dreg:$0x1] =	wrdreg $0xFFFFFFFF  }
0xc1: {  	_ =	task.clear_ibuf [dreg:s6], $0x2FFFF;
	_ =	strace $0x9FFFFFFF  }
0xc2: {  	(tm) =	ssettm $0x7FFFFFFF  }
0xc3: {  	_ =	shalt  }
tec
execute0_lowered:
.L_overlay_start_1:
0x0: {  	(tag) =	ssettag $0x1  }
0x1: {  	s5 =	rddreg [dreg:$0x0]  }
0x2: {  	s0 =	srdreg.scid;
	s2 =	rddreg [dreg:$0x1]  }
0x3: {  	s3 =	simm.s32 $0x0;
	s14 =	simm.s32 $0x5000;
	s15 =	simm.s32 $0x4  }
0x4: {  	s16 =	simm.s32 $0x2800;
	s17 =	simm.s32 $0x7D;
	s18 =	simm.s32 $0x80  }
0x5: {  	s19 =	simm.s32 $0x5800;
	s20 =	simm.s32 $0x6000;
	s21 =	simm.s32 $0x1  }
0x6: {  	s22 =	simm.s32 $0x2;
	s23 =	simm.s32 $0x3;
	s4 =	sand.u32 $0x1, s0  }
0x7: {  	s24 =	simm.s32 $0x4F00;
	s0 =	stileid.u32;
	s7 =	smul.u32 $0x28000, s4  }
0x8: {  	s25 =	simm.s32 $0x4F80;
	s1 =	sshll.u32 s4, $0x4;
	s8 =	smul.u32 $0x2800, s0  }
0x9: {  	[smem:$0x7FF] =	sst s3;
	s30 =	smul.u32 $0xA000, s0;
	s1 =	sor.u32 s0, s1  }
0xa: {  	s29 =	ssub.s32 $0x2, s4;
	s4 =	sadd.s32 $0xC00, s5;
	s6 =	smul.u32 $0x500, s1  }
0xb: {  	s10 =	sshrl.u32 s29, $0x1;
	s1 =	rddreg [dreg:$0x2];
	s28 =	sadd.s32 s8, s7  }
0xc: {  	_ =	strace $0x8000004A;
	s9 =	sadd.s32 s6, s5;
	s6 =	sshrl.u32 s28, $0x3  }
0xd: {  	s10 =	ssub.s32 s29, s10;
	s31 =	sshrl.u32 s30, $0x2;
	s11 =	sadd.s32 s6, s5  }
0xe: {  	s5 =	sadd.s32 s31, s2;
	s6 =	sadd.s32 $0x9FE00, s9;
	s7 =	sadd.s32 $0x95E00, s9  }
0xf: {  	s9 =	smax.u32 s10, $0x1;
	s8 =	sadd.s32 $0x5C00, s11;
	s10 =	sadd.s32 $0x800, s5  }
0x10: {  	v0 =	vimm.f32 $0.0e+00;
	s11 =	sadd.s32 $0x1000, s5;
	s12 =	sadd.s32 $0x1800, s5;
	s13 =	sadd.s32 $0x2000, s5  }
.LBB2_1:
0x11: {  	s26 =	simm.s32 $0x40;
	s28 =	simm.s32 $0x0  }
.LBB2_2:
0x12: {  	p0 =	sne.s32 s26, $0x1FC0;
	[tilespmem:s28+$0x5000] =	vst v0;
	s28 =	smov.u32 s26;
	s26 =	sadd.s32 $0x40, s26  }
.Ltmp0:
0x13: {  	(pc) =	sbr.rel @p0 .LBB2_2-.Ltmp0, $2  }
0x14: {  	_ =	sdelay $0x2  }
0x15: {  	s28 =	sshra.s32 s28, $0x2  }
0x16: {  	[tilespmem:s28+$0x5000] =	vst v0  }
0x17: {  	[spmem:s5] =	stream.linear.scatter [tilespmem:s14], [sflag:$0x4], $0x800, $0x38;
	[tilespmem:$0x9000] =	vst v63  }
0x18: {  	_ =	swait.ge [sflag:s15], $0x800  }
0x19: {  	[sflag:s15] =	ssyncset.done $0x0  }
0x1a: {  	[sflag:s15] =	ssyncadd.s32 $0xFFFFF800  }
0x1b: {  	[spmem:s10] =	stream.linear.scatter [tilespmem:s14], [sflag:$0x4], $0x800, $0x38;
	[tilespmem:$0x9000] =	vst v63  }
0x1c: {  	_ =	swait.ge [sflag:s15], $0x800  }
0x1d: {  	[sflag:s15] =	ssyncset.done $0x0  }
0x1e: {  	[sflag:s15] =	ssyncadd.s32 $0xFFFFF800  }
0x1f: {  	[spmem:s11] =	stream.linear.scatter [tilespmem:s14], [sflag:$0x4], $0x800, $0x38;
	[tilespmem:$0x9000] =	vst v63  }
0x20: {  	_ =	swait.ge [sflag:s15], $0x800  }
0x21: {  	[sflag:s15] =	ssyncset.done $0x0  }
0x22: {  	[sflag:s15] =	ssyncadd.s32 $0xFFFFF800  }
0x23: {  	[spmem:s12] =	stream.linear.scatter [tilespmem:s14], [sflag:$0x4], $0x800, $0x38;
	[tilespmem:$0x9000] =	vst v63  }
0x24: {  	_ =	swait.ge [sflag:s15], $0x800  }
0x25: {  	[sflag:s15] =	ssyncset.done $0x0  }
0x26: {  	[sflag:s15] =	ssyncadd.s32 $0xFFFFF800  }
0x27: {  	[spmem:s13] =	stream.linear.scatter [tilespmem:s14], [sflag:$0x4], $0x800, $0x38;
	[tilespmem:$0x9000] =	vst v63  }
0x28: {  	_ =	swait.ge [sflag:s15], $0x800  }
0x29: {  	[sflag:s15] =	ssyncset.done $0x0  }
0x2a: {  	s26 =	simm.s32 $0x0;
	[sflag:s15] =	ssyncadd.s32 $0xFFFFF800  }
0x2b: {  	[tilespmem:s26], [sflag:$0x4] =	stream.linear.gather [hbm4b:s6+s26], $0x2800, $0x38;
	[tilespmem:$0x9000] =	vst v63  }
0x2c: {  	_ =	swait.ge [sflag:s15], $0x2800  }
0x2d: {  	[sflag:s15] =	ssyncset.done $0x0  }
0x2e: {  	[sflag:s15] =	ssyncadd.s32 $0xFFFFD800  }
0x2f: {  	[tilespmem:s16], [sflag:$0x4] =	stream.linear.gather [hbm4b:s7+s26], $0x2800, $0x38;
	[tilespmem:$0x9000] =	vst v63  }
0x30: {  	_ =	swait.ge [sflag:s15], $0x2800  }
0x31: {  	[sflag:s15] =	ssyncset.done $0x0  }
0x32: {  	[sflag:s15] =	ssyncadd.s32 $0xFFFFD800  }
0x33: {  	[bflag:$0x0] =	sbarrier.arrive $0xFFFF  }
0x34: {  	[tilespmem:s14], [sflag:$0x1] =	stream.indirect.gather [hbm4b:s4+s17], $0x10, s26, s17, $0xb8;
	[tilespmem:$0x9000] =	vst v63  }
0x35: {  	_ = 	snop  }
0x36: {  	[tilespmem:s19], [sflag:$0x2] =	stream.indirect.gather [hbm4b:s4+s17], $0x10, s18, s17, $0xb8;
	[tilespmem:$0x9000] =	vst v63  }
0x37: {  	s29 =	simm.s32 $0x100  }
0x38: {  	[tilespmem:s20], [sflag:$0x3] =	stream.indirect.gather [hbm4b:s4+s17], $0x10, s29, s17, $0xb8;
	[tilespmem:$0x9000] =	vst v63  }
0x39: {  	_ =	swait.ge [sflag:s21], $0x7D0  }
0x3a: {  	[sflag:s21] =	ssyncset.done $0x0  }
0x3b: {  	s30 =	simm.s32 $0x2800;
	[sflag:s21] =	ssyncadd.s32 $0xFFFFF830  }
0x3c: {  	[spmem:s2] =	stream.indirect.scatter.add.f32 [tilespmem:s14], [sflag:$0x4], $0x10, s30, s17, $0xb8;
	[tilespmem:$0x9000] =	vst v63  }
0x3d: {  	_ =	swait.ge [sflag:s15], $0x7D0  }
0x3e: {  	[sflag:s15] =	ssyncset.done $0x0  }
0x3f: {  	s31 =	simm.s32 $0x180;
	[sflag:s15] =	ssyncadd.s32 $0xFFFFF830  }
0x40: {  	[tilespmem:s14], [sflag:$0x1] =	stream.indirect.gather [hbm4b:s4+s17], $0x10, s31, s17, $0xb8;
	[tilespmem:$0x9000] =	vst v63  }
0x41: {  	_ =	swait.ge [sflag:s22], $0x7D0  }
0x42: {  	[sflag:s22] =	ssyncset.done $0x0  }
0x43: {  	s29 =	simm.s32 $0x2880;
	[sflag:s22] =	ssyncadd.s32 $0xFFFFF830  }
0x44: {  	[spmem:s2] =	stream.indirect.scatter.add.f32 [tilespmem:s19], [sflag:$0x4], $0x10, s29, s17, $0xb8;
	[tilespmem:$0x9000] =	vst v63  }
0x45: {  	_ =	swait.ge [sflag:s15], $0x7D0  }
0x46: {  	[sflag:s15] =	ssyncset.done $0x0  }
0x47: {  	s30 =	simm.s32 $0x200;
	[sflag:s15] =	ssyncadd.s32 $0xFFFFF830  }
0x48: {  	[tilespmem:s19], [sflag:$0x2] =	stream.indirect.gather [hbm4b:s4+s17], $0x10, s30, s17, $0xb8;
	[tilespmem:$0x9000] =	vst v63  }
0x49: {  	_ =	swait.ge [sflag:s23], $0x7D0  }
0x4a: {  	[sflag:s23] =	ssyncset.done $0x0  }
0x4b: {  	s31 =	simm.s32 $0x2900;
	[sflag:s23] =	ssyncadd.s32 $0xFFFFF830  }
0x4c: {  	[spmem:s2] =	stream.indirect.scatter.add.f32 [tilespmem:s20], [sflag:$0x4], $0x10, s31, s17, $0xb8;
	[tilespmem:$0x9000] =	vst v63  }
0x4d: {  	_ =	swait.ge [sflag:s15], $0x7D0  }
0x4e: {  	s28 =	simm.s32 $0xC00;
	s26 =	simm.s32 $0x180;
	[sflag:s15] =	ssyncset.done $0x0  }
.LBB2_4:
0x4f: {  	s29 =	sadd.s32 $0x100, s26  }
0x50: {  	[sflag:s15] =	ssyncadd.s32 $0xFFFFF830;
	s30 =	smov.u32 s28;
	s31 =	sadd.s32 $0x600, s28  }
0x51: {  	[tilespmem:s20], [sflag:$0x3] =	stream.indirect.gather [hbm4b:s4+s17], $0x10, s29, s17, $0xb8;
	[tilespmem:$0x9000] =	vst v63  }
0x52: {  	p0 =	sne.s32 s28, $0x9600;
	_ =	swait.ge [sflag:s21], $0x7D0  }
0x53: {  	[sflag:s21] =	ssyncset.done $0x0  }
0x54: {  	s28 =	sadd.s32 $0x2800, s26;
	[sflag:s21] =	ssyncadd.s32 $0xFFFFF830  }
0x55: {  	[spmem:s2] =	stream.indirect.scatter.add.f32 [tilespmem:s14], [sflag:$0x4], $0x10, s28, s17, $0xb8;
	[tilespmem:$0x9000] =	vst v63  }
0x56: {  	_ =	swait.ge [sflag:s15], $0x7D0  }
0x57: {  	[sflag:s15] =	ssyncset.done $0x0  }
0x58: {  	s28 =	sadd.s32 $0x180, s26;
	[sflag:s15] =	ssyncadd.s32 $0xFFFFF830  }
0x59: {  	[tilespmem:s14], [sflag:$0x1] =	stream.indirect.gather [hbm4b:s4+s17], $0x10, s28, s17, $0xb8;
	[tilespmem:$0x9000] =	vst v63  }
0x5a: {  	_ =	swait.ge [sflag:s22], $0x7D0  }
0x5b: {  	[sflag:s22] =	ssyncset.done $0x0  }
0x5c: {  	s28 =	sadd.s32 $0x2880, s26;
	[sflag:s22] =	ssyncadd.s32 $0xFFFFF830  }
0x5d: {  	[spmem:s2] =	stream.indirect.scatter.add.f32 [tilespmem:s19], [sflag:$0x4], $0x10, s28, s17, $0xb8;
	[tilespmem:$0x9000] =	vst v63  }
0x5e: {  	_ =	swait.ge [sflag:s15], $0x7D0  }
0x5f: {  	[sflag:s15] =	ssyncset.done $0x0  }
0x60: {  	s28 =	sadd.s32 $0x200, s26;
	[sflag:s15] =	ssyncadd.s32 $0xFFFFF830  }
0x61: {  	[tilespmem:s19], [sflag:$0x2] =	stream.indirect.gather [hbm4b:s4+s17], $0x10, s28, s17, $0xb8;
	[tilespmem:$0x9000] =	vst v63  }
0x62: {  	_ =	swait.ge [sflag:s23], $0x7D0  }
.Ltmp1:
0x63: {  	[sflag:s23] =	ssyncset.done $0x0;
	(pc) =	sbr.rel @p0 .LBB2_4-.Ltmp1, $4  }
0x64: {  	s26 =	sadd.s32 $0x2900, s26;
	[sflag:s23] =	ssyncadd.s32 $0xFFFFF830  }
0x65: {  	[spmem:s2] =	stream.indirect.scatter.add.f32 [tilespmem:s20], [sflag:$0x4], $0x10, s26, s17, $0xb8;
	[tilespmem:$0x9000] =	vst v63  }
0x66: {  	_ =	swait.ge [sflag:s15], $0x7D0  }
0x67: {  	s28 =	smov.u32 s31;
	s26 =	sshra.s32 s30, $0x2;
	[sflag:s15] =	ssyncset.done $0x0  }
0x68: {  	s28 =	sadd.s32 $0x100, s26;
	[sflag:s15] =	ssyncadd.s32 $0xFFFFF830  }
0x69: {  	[tilespmem:s20], [sflag:$0x3] =	stream.indirect.gather [hbm4b:s4+s17], $0x10, s28, s17, $0xb8;
	[tilespmem:$0x9000] =	vst v63  }
0x6a: {  	_ =	swait.ge [sflag:s21], $0x7D0  }
0x6b: {  	[sflag:s21] =	ssyncset.done $0x0  }
0x6c: {  	s31 =	sadd.s32 $0x2800, s26;
	[sflag:s21] =	ssyncadd.s32 $0xFFFFF830  }
0x6d: {  	[spmem:s2] =	stream.indirect.scatter.add.f32 [tilespmem:s14], [sflag:$0x4], $0x10, s31, s17, $0xb8;
	[tilespmem:$0x9000] =	vst v63  }
0x6e: {  	_ =	swait.ge [sflag:s15], $0x7D0  }
0x6f: {  	[sflag:s15] =	ssyncset.done $0x0  }
0x70: {  	s29 =	sadd.s32 $0x180, s26;
	[sflag:s15] =	ssyncadd.s32 $0xFFFFF830  }
0x71: {  	[tilespmem:s14], [sflag:$0x1] =	stream.indirect.gather [hbm4b:s4+s17], $0x10, s29, s17, $0xb8;
	[tilespmem:$0x9000] =	vst v63  }
0x72: {  	_ =	swait.ge [sflag:s22], $0x7D0  }
0x73: {  	[sflag:s22] =	ssyncset.done $0x0  }
0x74: {  	s30 =	sadd.s32 $0x2880, s26;
	[sflag:s22] =	ssyncadd.s32 $0xFFFFF830  }
0x75: {  	[spmem:s2] =	stream.indirect.scatter.add.f32 [tilespmem:s19], [sflag:$0x4], $0x10, s30, s17, $0xb8;
	[tilespmem:$0x9000] =	vst v63  }
0x76: {  	_ =	swait.ge [sflag:s15], $0x7D0  }
0x77: {  	[sflag:s15] =	ssyncset.done $0x0  }
0x78: {  	s31 =	sadd.s32 $0x200, s26;
	[sflag:s15] =	ssyncadd.s32 $0xFFFFF830  }
0x79: {  	[tilespmem:s19], [sflag:$0x2] =	stream.indirect.gather [hbm4b:s4+s17], $0x10, s31, s17, $0xb8;
	[tilespmem:$0x9000] =	vst v63  }
0x7a: {  	_ =	swait.ge [sflag:s23], $0x7D0  }
0x7b: {  	[sflag:s23] =	ssyncset.done $0x0  }
0x7c: {  	s29 =	sadd.s32 $0x2900, s26;
	[sflag:s23] =	ssyncadd.s32 $0xFFFFF830  }
0x7d: {  	[spmem:s2] =	stream.indirect.scatter.add.f32 [tilespmem:s20], [sflag:$0x4], $0x10, s29, s17, $0xb8;
	[tilespmem:$0x9000] =	vst v63  }
0x7e: {  	_ =	swait.ge [sflag:s15], $0x7D0  }
0x7f: {  	[sflag:s15] =	ssyncset.done $0x0  }
0x80: {  	[sflag:s15] =	ssyncadd.s32 $0xFFFFF830  }
0x81: {  	_ =	swait.ge [sflag:s21], $0x7D0  }
0x82: {  	[sflag:s21] =	ssyncset.done $0x0  }
0x83: {  	[sflag:s21] =	ssyncadd.s32 $0xFFFFF830  }
0x84: {  	[spmem:s2] =	stream.indirect.scatter.add.f32 [tilespmem:s14], [sflag:$0x4], $0x10, s24, s17, $0xb8;
	[tilespmem:$0x9000] =	vst v63  }
0x85: {  	_ =	swait.ge [sflag:s15], $0x7D0  }
0x86: {  	[sflag:s15] =	ssyncset.done $0x0  }
0x87: {  	[sflag:s15] =	ssyncadd.s32 $0xFFFFF830  }
0x88: {  	_ =	swait.ge [sflag:s22], $0x7D0  }
0x89: {  	[sflag:s22] =	ssyncset.done $0x0  }
0x8a: {  	[sflag:s22] =	ssyncadd.s32 $0xFFFFF830  }
0x8b: {  	[spmem:s2] =	stream.indirect.scatter.add.f32 [tilespmem:s19], [sflag:$0x4], $0x10, s25, s17, $0xb8;
	[tilespmem:$0x9000] =	vst v63  }
0x8c: {  	_ =	swait.ge [sflag:s15], $0x7D0  }
0x8d: {  	s3 =	sadd.s32 $0x1, s3;
	s30 =	sshll.u32 s0, $0x6;
	[sflag:s15] =	ssyncset.done $0x0  }
0x8e: {  	p0 =	sne.s32 s3, s9;
	s26 =	sor.u32 $0x1C04, s30;
	[sflag:s15] =	ssyncadd.s32 $0xFFFFF830  }
.Ltmp2:
0x8f: {  	s31 =	sshrl.u32 s5, $0x3;
	[bflag:$0x0] =	sbarrier.arrive $0xFFFF;
	(pc) =	sbr.rel @p0 .LBB2_1-.Ltmp2, $4  }
0x90: {  	[hbm:s8], [sflag:s26] =	dma.local [spmem:s31], $0x500  }
0x91: {  	_ =	swait.ge [sflag:s15], $0x500  }
0x92: {  	[sflag:s15] =	ssyncset.done $0x0  }
0x93: {  	[sflag:s15] =	ssyncadd.s32 $0xFFFFFB00  }
0x94: {  	_ =	sfence.sel $0x180000  }
0x95: {  	[bflag:$0x0] =	sbarrier.arrive $0xFFFF  }
0x96: {  	p0 =	sne.s32 s0, $0x0;
	_ =	strace $0x9000004A  }
0x97: {  	s0 =	sadd.s32 @!p0 $0x100000, s1;
	[bflag:$0x2] =	sbarrier.arrive $0xFFFF  }
0x98: {  	[sflag:s0] =	ssyncadd.tile.s32 @!p0 $0x1;
	_ =	shalt  }
.Lfunc_end2:
_tile_overlayer_lowered:
.L_overlay_start_2:
0x99: {  	(tag) =	ssettag $0x2  }
0x9a: {  	s0 =	rddreg [dreg:$0x0];
	s2 =	stileid.u32  }
0x9b: {  	s1 =	rddreg [dreg:$0x1];
	p0 =	sne.s32 s2, $0x0  }
0x9c: {  	s3 =	rddreg [dreg:$0x2];
	[bflag:$0x3] =	sbarrier.arrive $0xFFFF;
	s2 =	simm.s32 @!p0 $0x1C04  }
0x9d: {  	[timem:s3], [sflag:s2] =	dma.local @!p0 [hbm:s0], s1  }
0x9e: {  	s0 =	simm.s32 @!p0 $0x4  }
0x9f: {  	_ =	swait.ge @!p0 [sflag:s0], s1  }
0xa0: {  	s1 =	ssub.s32 @!p0 $0x0, s1;
	[sflag:s0] =	ssyncset.done @!p0 $0x0  }
0xa1: {  	[sflag:s0] =	ssyncadd.s32 @!p0 s1  }
0xa2: {  	[bflag:$0x3] =	sbarrier.arrive $0xFFFF  }
0xa3: {  	_ =	shalt  }

// kernel: kernel.7.cloned.1.call-start
scs
__scs_entry_jumppad:
0x0: {  	(pc) =	sbr.rel $0x88, $3  }
0x1: {  	(tag) =	ssettag $0x0;
	lr =	simm.s32 $0x1  }
0x2: {  	[smem:$0x3F9B] =	sst lr;
	_ =	strace $0xD0000000  }
0x3: {  	_ = 	snop  }
0x4: {  	_ = 	snop  }
0x5: {  	_ = 	snop  }
0x6: {  	_ = 	snop  }
0x7: {  	_ = 	snop  }
__scs_overlays_trampoline_lowered:
0x8: {  	[smem:$0x3FAA] =	sst s0  }
0x9: {  	[smem:$0x3FAB] =	sst s1  }
0xa: {  	[smem:$0x3FAC] =	sst s2  }
0xb: {  	[smem:$0x3FAD] =	sst s3  }
0xc: {  	[smem:$0x3FAE] =	sst s4  }
0xd: {  	[smem:$0x3FAF] =	sst s5  }
0xe: {  	[smem:$0x3FB0] =	sst s6  }
0xf: {  	[smem:$0x3FB1] =	sst s7  }
0x10: {  	[smem:$0x3FB2] =	sst s8  }
0x11: {  	[smem:$0x3FB3] =	sst s9;
	s0 =	simm.s32 @!p0 $0x0  }
0x12: {  	s1 =	sld [smem:$0x3F99];
	s0 =	simm.s32 @p0 $0x1  }
0x13: {  	[smem:$0x3FB4] =	sst s0;
	s0 =	simm.s32 @!p1 $0x0  }
0x14: {  	s2 =	sld [smem:$0x3F98];
	s0 =	simm.s32 @p1 $0x1  }
0x15: {  	[smem:$0x3FB5] =	sst s0;
	s0 =	simm.s32 @!p2 $0x0  }
0x16: {  	s3 =	sld [smem:$0x3FDB];
	s0 =	simm.s32 @p2 $0x1  }
0x17: {  	s4 =	simm.s32 $0x1BF5;
	[smem:$0x3FB7] =	sst s0  }
0x18: {  	s0 =	sld [smem:$0x3F9A];
	_ =	swait.ge [sflag:s4], $0x0  }
0x19: {  	s7 =	sld [smem:$0x3F9B]  }
0x1a: {  	s8 =	sadd.s32 $0xFFFFE003, lr  }
0x1b: {  	s9 =	sadd.s32 $0xFFFFFEF7, lr;
	s5 =	simm.s32 $0xFFFFFFFF;
	p2 =	slt.u32 s8, $0xFFFFF086  }
0x1c: {  	p1 =	slt.u32 s9, $0xF7A;
	s5 =	simm.s32 @!p2 $0x0  }
0x1d: {  	s5 =	simm.s32 @p1 $0x1;
	p0 =	seq.s32 s7, s2  }
0x1e: {  	s7 =	smul.u32 @!p0 $0xF7A, s2;
	p2 =	seq.s32 @!p0 s5, $0x0  }
0x1f: {  	s9 =	smul.u32 $0xF7A, s1;
	s8 =	simm.s32 @!p0 $0x1BF5;
	p2 =	por !p2, p0  }
0x20: {  	[sflag:s8] =	ssyncset.s32 @!p0 $0xFFFFF086;
	s6 =	sadd.s32 @!p0 s3, s7;
	s7 =	simm.s32 @!p0 $0x108  }
0x21: {  	s3 =	sadd.s32 s3, s9;
	s6 =	sadd.s32 @!p0 $0x88, s6;
	s7 =	simm.s32 @p2 $0x1082  }
0x22: {  	[simem:s7], [sflag:s8] =	dma.local @!p0 [hbm:s6], $0xF7A  }
0x23: {  	s9 =	sor.u32 $0xD0000000, s2;
	s6 =	simm.s32 $0x108;
	_ =	swait.ge @!p0 [sflag:s8], $0x0  }
0x24: {  	s3 =	sadd.s32 $0x88, s3;
	s6 =	simm.s32 @!p1 $0x1082;
	[sflag:s4] =	ssyncset.s32 $0xFFFFF086  }
0x25: {  	[simem:s6], [sflag:s4] =	dma.local [hbm:s3], $0xF7A  }
0x26: {  	[smem:$0x3F9B] =	sst s1;
	(tag) =	ssettag s2;
	_ =	strace s9  }
0x27: {  	s1 =	sld [smem:$0x3FAB]  }
0x28: {  	s2 =	sld [smem:$0x3FAC]  }
0x29: {  	s4 =	sld [smem:$0x3FAE]  }
0x2a: {  	p0 =	seq.s32 s5, $0x0;
	s5 =	sld [smem:$0x3FAF]  }
0x2b: {  	s6 =	sld [smem:$0x3FB0]  }
0x2c: {  	s7 =	sld [smem:$0x3FB1]  }
0x2d: {  	s3 =	simm.s32 $0x108;
	s8 =	sld [smem:$0x3FB2]  }
0x2e: {  	s3 =	simm.s32 @!p0 $0x1082;
	s9 =	sld [smem:$0x3FB3]  }
0x2f: {  	lr =	sadd.s32 s0, s3;
	s0 =	sld [smem:$0x3FAA]  }
0x30: {  	s3 =	sld [smem:$0x3FAD]  }
0x31: {  	[smem:$0x3FB6] =	sst s10  }
0x32: {  	s10 =	sld [smem:$0x3FB4];
	_ =	sdelay $0x3  }
0x33: {  	p0 =	seq.s32 s10, $0x1;
	s10 =	sld [smem:$0x3FB6];
	_ =	sdelay $0x3  }
0x34: {  	[smem:$0x3FB6] =	sst s10  }
0x35: {  	s10 =	sld [smem:$0x3FB5];
	_ =	sdelay $0x3  }
0x36: {  	p1 =	seq.s32 s10, $0x1;
	s10 =	sld [smem:$0x3FB6];
	_ =	sdelay $0x3  }
0x37: {  	[smem:$0x3FB6] =	sst s10  }
0x38: {  	s10 =	sld [smem:$0x3FB7]  }
0x39: {  	_ = 	snop;
	(pc) =	sbr.ind lr, $3  }
0x3a: {  	_ = 	snop  }
0x3b: {  	_ = 	snop  }
0x3c: {  	p2 =	seq.s32 s10, $0x1;
	s10 =	sld [smem:$0x3FB6]  }
0x3d: {  	_ =	shalt  }
0x3e: {  	_ =	shalt  }
0x3f: {  	_ =	shalt  }
0x40: {  	_ =	shalt  }
0x41: {  	_ =	shalt  }
0x42: {  	_ =	shalt  }
0x43: {  	_ =	shalt  }
0x44: {  	_ =	shalt  }
0x45: {  	_ =	shalt  }
0x46: {  	_ =	shalt  }
0x47: {  	_ =	shalt  }
0x48: {  	_ =	shalt  }
0x49: {  	_ =	shalt  }
0x4a: {  	_ =	shalt  }
0x4b: {  	_ =	shalt  }
0x4c: {  	_ =	shalt  }
0x4d: {  	_ =	shalt  }
0x4e: {  	_ =	shalt  }
0x4f: {  	_ =	shalt  }
0x50: {  	_ =	shalt  }
0x51: {  	_ =	shalt  }
0x52: {  	_ =	shalt  }
0x53: {  	_ =	shalt  }
0x54: {  	_ =	shalt  }
0x55: {  	_ =	shalt  }
0x56: {  	_ =	shalt  }
0x57: {  	_ =	shalt  }
0x58: {  	_ =	shalt  }
0x59: {  	_ =	shalt  }
0x5a: {  	_ =	shalt  }
0x5b: {  	_ =	shalt  }
0x5c: {  	_ =	shalt  }
0x5d: {  	_ =	shalt  }
0x5e: {  	_ =	shalt  }
0x5f: {  	_ =	shalt  }
0x60: {  	_ =	shalt  }
0x61: {  	_ =	shalt  }
0x62: {  	_ =	shalt  }
0x63: {  	_ =	shalt  }
0x64: {  	_ =	shalt  }
0x65: {  	_ =	shalt  }
0x66: {  	_ =	shalt  }
0x67: {  	_ =	shalt  }
0x68: {  	_ =	shalt  }
0x69: {  	_ =	shalt  }
0x6a: {  	_ =	shalt  }
0x6b: {  	_ =	shalt  }
0x6c: {  	_ =	shalt  }
0x6d: {  	_ =	shalt  }
0x6e: {  	_ =	shalt  }
0x6f: {  	_ =	shalt  }
0x70: {  	_ =	shalt  }
0x71: {  	_ =	shalt  }
0x72: {  	_ =	shalt  }
0x73: {  	_ =	shalt  }
0x74: {  	_ =	shalt  }
0x75: {  	_ =	shalt  }
0x76: {  	_ =	shalt  }
0x77: {  	_ =	shalt  }
0x78: {  	_ =	shalt  }
0x79: {  	_ =	shalt  }
0x7a: {  	_ =	shalt  }
0x7b: {  	_ =	shalt  }
0x7c: {  	_ =	shalt  }
0x7d: {  	_ =	shalt  }
0x7e: {  	_ =	shalt  }
0x7f: {  	_ =	shalt  }
0x80: {  	_ =	shalt  }
0x81: {  	_ =	shalt  }
0x82: {  	_ =	shalt  }
0x83: {  	_ =	shalt  }
0x84: {  	_ =	shalt  }
0x85: {  	_ =	shalt  }
0x86: {  	_ =	shalt  }
0x87: {  	_ =	shalt  }
.Lfunc_end0:
.L_simem_size_0:
called_computation_lowered:
.L_overlay_start_0:
0x88: {  	s2 =	sld [smem:$0x3FD9]  }
0x89: {  	s3 =	sld [smem:$0x3FFE];
	_ =	sdelay $0x1  }
0x8a: {  	s1 =	srdreg.scid  }
0x8b: {  	s0 =	sand.u32 $0x1, s1  }
0x8c: {  	s16 =	sshll.u32 s0, $0xA;
	s2 =	sadd.s32 s3, s2  }
0x8d: {  	s2 =	sadd.s32 s2, s16  }
0x8e: {  	[smem:$0x3FC2] =	sst s2  }
0x8f: {  	_ = 	snop  }
0x90: {  	(tm) =	ssettm $0x1  }
0x91: {  	s17 =	sld [smem:$0x3FFB];
	_ =	sdelay $0x3  }
0x92: {  	_ =	strace s17  }
0x93: {  	s2 =	sld [smem:$0x3FFC];
	_ =	sdelay $0x3  }
0x94: {  	_ =	strace s2  }
0x95: {  	s2 =	sld [smem:$0x3FFD];
	_ =	sdelay $0x3  }
0x96: {  	_ =	strace s2  }
0x97: {  	_ =	strace $0x8FFFFFFF  }
0x98: {  	s18 =	sld [smem:$0x3FDB];
	_ =	sdelay $0x1  }
0x99: {  	s19 =	simm.s32 $_scs_section_size  }
0x9a: {  	s4 =	simm.s32 $_size__tile_overlayer_lowered;
	s5 =	simm.s32 $_tile_overlayer_lowered  }
0x9b: {  	s22 =	simm.s32 $0x1BFF;
	s21 =	sshll.u32 s5, $0x1;
	s2 =	sadd.s32 s19, s18  }
0x9c: {  	s6 =	simm.s32 $0x0;
	s20 =	sshll.u32 s4, $0x1;
	s4 =	sadd.s32 s21, s2  }
0x9d: {  	[timem:s6], [sflag:s22] =	dma.local [hbm:s4], s20  }
0x9e: {  	_ =	swait.ge [sflag:s22], s20  }
0x9f: {  	s3 =	ssub.s32 $0x0, s20;
	[sflag:s22] =	ssyncset.done $0x0  }
0xa0: {  	[sflag:s22] =	ssyncadd.s32 s3;
	_ =	sdelay $0x1  }
0xa1: {  	s23 =	simm.s32 $0x1B8B  }
0xa2: {  	_ =	swait.ge [sflag:s23], $0x1  }
0xa3: {  	[sflag:s23] =	ssyncset.done $0x0  }
0xa4: {  	s25 =	simm.s32 $0x1B8E;
	s24 =	sld [smem:$0x3FFE];
	[sflag:s23] =	ssyncadd.s32 $0xFFFFFFFF  }
0xa5: {  	s26 =	simm.s32 $execute0_lowered;
	[smem:$0x3FD2] =	sst s25  }
0xa6: {  	s4 =	sshll.u32 s26, $0x1;
	_ =	strace $0x80000046;
	[dreg:$0x1] =	wrdreg $0xFFFFFFFF  }
0xa7: {  	s28 =	simm.s32 $_size_execute0_lowered;
	s2 =	sadd.s32 s2, s4;
	[dreg:$0x0] =	wrdreg $0x0  }
0xa8: {  	s4 =	sshll.u32 s28, $0x1;
	[dreg:$0x2] =	wrdreg s2  }
0xa9: {  	[dreg:$0x3] =	wrdreg s4  }
0xaa: {  	[dreg:$0x4] =	wrdreg $0xC0  }
0xab: {  	_ =	task [dreg:s6], $0x5FFFF  }
0xac: {  	[dreg:$0x1] =	wrdreg $0xFFFFFFFF  }
0xad: {  	[dreg:$0x0] =	wrdreg $0x60  }
0xae: {  	[dreg:$0x2] =	wrdreg s24  }
0xaf: {  	[dreg:$0x3] =	wrdreg $0xB4000  }
0xb0: {  	[dreg:$0x4] =	wrdreg $0x9  }
0xb1: {  	_ =	task.clear_ibuf [dreg:s6], $0x5FFFF;
	_ =	strace $0x90000046  }
0xb2: {  	s29 =	simm.s32 $0x9;
	_ =	strace $0x80000048  }
0xb3: {  	_ =	swait.ge [sflag:s29], $0x1  }
0xb4: {  	[sflag:s29] =	ssyncadd.s32 $0xFFFFFFFF  }
0xb5: {  	_ =	strace $0x90000048  }
0xb6: {  	_ =	sfence  }
0xb7: {  	s30 =	sld [smem:$0x0];
	_ =	sdelay $0x2  }
0xb8: {  	s31 =	sshll.u32 s1, $0xD;
	s1 =	sshrl.u32 s1, $0x2  }
0xb9: {  	s3 =	sand.u32 $0x4000, s31;
	s1 =	sadd.s32 s1, s30  }
0xba: {  	s0 =	sor.u32 s3, s0;
	s1 =	sshll.u32 s1, $0x11  }
0xbb: {  	s0 =	sor.u32 s1, s0  }
0xbc: {  	s0 =	sadd.s32 $0x8F2B, s0  }
0xbd: {  	[sflag:s0] =	ssyncadd.remote.s32 $0x1  }
0xbe: {  	_ =	sfence.sel $0xFFFF  }
0xbf: {  	[dreg:$0x0] =	wrdreg $0xFFFFFFFF;
	(pc) =	sbr.abs _section_cstart, $3  }
0xc0: {  	[dreg:$0x1] =	wrdreg $0xFFFFFFFF  }
0xc1: {  	_ =	task.clear_ibuf [dreg:s6], $0x2FFFF;
	_ =	strace $0x9FFFFFFF  }
0xc2: {  	(tm) =	ssettm $0x7FFFFFFF  }
0xc3: {  	_ =	shalt  }
tec
execute0_lowered:
.L_overlay_start_1:
0x0: {  	(tag) =	ssettag $0x1  }
0x1: {  	s0 =	rddreg [dreg:$0x0]  }
0x2: {  	s1 =	rddreg [dreg:$0x1]  }
0x3: {  	s2 =	srdreg.scid;
	s10 =	stileid.u32  }
0x4: {  	s23 =	simm.s32 $0x0;
	s28 =	simm.s32 $0x64;
	s5 =	smul.u32 $0x14000, s10  }
0x5: {  	s30 =	simm.s32 $0x4C00;
	s2 =	sand.u32 $0x1, s2;
	s3 =	smul.u32 $0x50000, s10  }
0x6: {  	[smem:$0x7FF] =	sst s23;
	s6 =	sadd.s32 $0xC00, s0;
	s4 =	smul.u32 $0x140000, s2  }
0x7: {  	s8 =	sshll.u32 s2, $0x4;
	s2 =	ssub.s32 $0x2, s2;
	s3 =	sshrl.u32 s3, $0x2  }
0x8: {  	_ =	strace $0x80000047;
	s11 =	sshrl.u32 s2, $0x1;
	s3 =	sadd.s32 s3, s1  }
0x9: {  	s2 =	ssub.s32 s2, s11;
	s12 =	sadd.s32 $0x12C00, s3;
	[dreg:$0x3] =	wrdreg s3  }
0xa: {  	s7 =	sadd.s32 $0xFC00, s0;
	s21 =	smax.u32 s2, $0x1;
	[dreg:$0x4] =	wrdreg s12  }
0xb: {  	s8 =	sor.u32 s10, s8;
	s22 =	sadd.s32 $0x3200, s3;
	[dreg:$0x10] =	wrdreg s21  }
0xc: {  	s5 =	sadd.s32 s5, s4;
	s24 =	sadd.s32 $0x6400, s3;
	[dreg:$0x11] =	wrdreg s22  }
0xd: {  	s8 =	smul.u32 $0x3C00, s8;
	s25 =	sadd.s32 $0x9600, s3;
	[dreg:$0x12] =	wrdreg s24  }
0xe: {  	s4 =	sadd.s32 $0x1EC00, s0;
	s26 =	sadd.s32 $0xC800, s3;
	[dreg:$0x13] =	wrdreg s25  }
0xf: {  	s31 =	sadd.s32 $0xFA00, s3;
	s13 =	sshrl.u32 s8, $0x3;
	[dreg:$0x14] =	wrdreg s26  }
0x10: {  	s5 =	sshrl.u32 s5, $0x3;
	[dreg:$0x15] =	wrdreg s31;
	s8 =	sadd.s32 s6, s13  }
0x11: {  	s0 =	sadd.s32 s5, s0;
	s14 =	sadd.s32 s7, s13;
	[dreg:$0x5] =	wrdreg s8  }
0x12: {  	s15 =	sadd.s32 $0x180, s13;
	s0 =	sadd.s32 $0x45E00, s0;
	[dreg:$0x6] =	wrdreg s14  }
0x13: {  	s29 =	simm.s32 $0x0;
	s16 =	sadd.s32 s6, s15;
	[dreg:$0xf] =	wrdreg s0  }
0x14: {  	s17 =	sadd.s32 $0x300, s13;
	s8 =	sadd.s32 s7, s15;
	[dreg:$0x7] =	wrdreg s16  }
0x15: {  	s19 =	sadd.s32 $0x480, s13;
	s18 =	sadd.s32 s6, s17;
	[dreg:$0x8] =	wrdreg s8  }
0x16: {  	s5 =	sadd.s32 $0x600, s13;
	s20 =	sadd.s32 s6, s19;
	[dreg:$0x9] =	wrdreg s18  }
0x17: {  	s10 =	simm.s32 $0x3;
	s6 =	sadd.s32 s6, s5;
	[dreg:$0xb] =	wrdreg s20  }
0x18: {  	s2 =	simm.s32 $0x1;
	s5 =	sadd.s32 s7, s5;
	[dreg:$0xd] =	wrdreg s6  }
0x19: {  	s24 =	simm.s32 $0x1800;
	s8 =	sadd.s32 s7, s17;
	[dreg:$0xe] =	wrdreg s5  }
0x1a: {  	s25 =	simm.s32 $0x4;
	[dreg:$0xa] =	wrdreg s8;
	s8 =	sadd.s32 s7, s19  }
0x1b: {  	v0 =	vimm.f32 $0.0e+00;
	s0 =	simm.s32 $0x8000;
	s7 =	simm.s32 $0x2;
	[dreg:$0xc] =	wrdreg s8  }
.LBB2_1:
0x1c: {  	s31 =	simm.s32 $0x70;
	s6 =	simm.s32 $0x3C0  }
.LBB2_2:
0x1d: {  	p0 =	sne.s32 s6, $0xC7C0;
	[tilespmem:s31+$0x1800] =	vst v0  }
0x1e: {  	[tilespmem:s31+$0x1790] =	vst v0  }
0x1f: {  	[tilespmem:s31+$0x17A0] =	vst v0  }
.Ltmp0:
0x20: {  	[tilespmem:s31+$0x17B0] =	vst v0;
	(pc) =	sbr.rel @p0 .LBB2_2-.Ltmp0, $4  }
0x21: {  	[tilespmem:s31+$0x17C0] =	vst v0  }
0x22: {  	[tilespmem:s31+$0x17D0] =	vst v0  }
0x23: {  	[tilespmem:s31+$0x17E0] =	vst v0  }
0x24: {  	[tilespmem:s31+$0x17F0] =	vst v0;
	s31 =	sshra.s32 s6, $0x2;
	s6 =	sadd.s32 $0x200, s6  }
0x25: {  	[tilespmem:s31+$0x1800] =	vst v0  }
0x26: {  	[tilespmem:s31+$0x1790] =	vst v0  }
0x27: {  	[tilespmem:s31+$0x17A0] =	vst v0  }
0x28: {  	[tilespmem:s31+$0x17B0] =	vst v0  }
0x29: {  	[tilespmem:s31+$0x17C0] =	vst v0  }
0x2a: {  	[tilespmem:s31+$0x17D0] =	vst v0  }
0x2b: {  	[tilespmem:s31+$0x17E0] =	vst v0  }
0x2c: {  	[tilespmem:s31+$0x17F0] =	vst v0;
	s5 =	rddreg [dreg:$0x3]  }
0x2d: {  	[spmem:s5] =	stream.linear.scatter [tilespmem:s24], [sflag:$0x4], $0x3200, $0x38;
	[tilespmem:$0x1F400] =	vst v63  }
0x2e: {  	_ =	swait.ge [sflag:s25], $0x3200  }
0x2f: {  	[sflag:s25] =	ssyncset.done $0x0  }
0x30: {  	s6 =	rddreg [dreg:$0x11];
	[sflag:s25] =	ssyncadd.s32 $0xFFFFCE00  }
0x31: {  	[spmem:s6] =	stream.linear.scatter [tilespmem:s24], [sflag:$0x4], $0x3200, $0x38;
	[tilespmem:$0x1F400] =	vst v63  }
0x32: {  	_ =	swait.ge [sflag:s25], $0x3200  }
0x33: {  	[sflag:s25] =	ssyncset.done $0x0  }
0x34: {  	s22 =	rddreg [dreg:$0x12];
	[sflag:s25] =	ssyncadd.s32 $0xFFFFCE00  }
0x35: {  	[spmem:s22] =	stream.linear.scatter [tilespmem:s24], [sflag:$0x4], $0x3200, $0x38;
	[tilespmem:$0x1F400] =	vst v63  }
0x36: {  	_ =	swait.ge [sflag:s25], $0x3200  }
0x37: {  	[sflag:s25] =	ssyncset.done $0x0  }
0x38: {  	s26 =	rddreg [dreg:$0x13];
	[sflag:s25] =	ssyncadd.s32 $0xFFFFCE00  }
0x39: {  	[spmem:s26] =	stream.linear.scatter [tilespmem:s24], [sflag:$0x4], $0x3200, $0x38;
	[tilespmem:$0x1F400] =	vst v63  }
0x3a: {  	_ =	swait.ge [sflag:s25], $0x3200  }
0x3b: {  	[sflag:s25] =	ssyncset.done $0x0  }
0x3c: {  	s31 =	rddreg [dreg:$0x14];
	[sflag:s25] =	ssyncadd.s32 $0xFFFFCE00  }
0x3d: {  	[spmem:s31] =	stream.linear.scatter [tilespmem:s24], [sflag:$0x4], $0x3200, $0x38;
	[tilespmem:$0x1F400] =	vst v63  }
0x3e: {  	_ =	swait.ge [sflag:s25], $0x3200  }
0x3f: {  	[sflag:s25] =	ssyncset.done $0x0  }
0x40: {  	s3 =	rddreg [dreg:$0x15];
	[sflag:s25] =	ssyncadd.s32 $0xFFFFCE00  }
0x41: {  	[spmem:s3] =	stream.linear.scatter [tilespmem:s24], [sflag:$0x4], $0x3200, $0x38;
	[tilespmem:$0x1F400] =	vst v63  }
0x42: {  	_ =	swait.ge [sflag:s25], $0x3200  }
0x43: {  	[sflag:s25] =	ssyncset.done $0x0  }
0x44: {  	s5 =	rddreg [dreg:$0x4];
	[sflag:s25] =	ssyncadd.s32 $0xFFFFCE00  }
0x45: {  	[spmem:s5] =	stream.linear.scatter [tilespmem:s24], [sflag:$0x4], $0x1400, $0x38;
	[tilespmem:$0x1F400] =	vst v63  }
0x46: {  	_ =	swait.ge [sflag:s25], $0x1400  }
0x47: {  	[sflag:s25] =	ssyncset.done $0x0  }
0x48: {  	[sflag:s25] =	ssyncadd.s32 $0xFFFFEC00  }
0x49: {  	[bflag:$0x0] =	sbarrier.arrive $0xFFFF  }
0x4a: {  	s8 =	rddreg [dreg:$0x5]  }
0x4b: {  	[tilespmem:s23], [sflag:$0x4] =	stream.linear.gather [hbm4b:s8+s23], $0xA00, $0x38;
	[tilespmem:$0x1F400] =	vst v63  }
0x4c: {  	_ =	swait.ge [sflag:s25], $0xA00  }
0x4d: {  	[sflag:s25] =	ssyncset.done $0x0  }
0x4e: {  	s3 =	simm.s32 $0xC00;
	s9 =	rddreg [dreg:$0x6];
	[sflag:s25] =	ssyncadd.s32 $0xFFFFF600  }
0x4f: {  	[tilespmem:s3], [sflag:$0x4] =	stream.linear.gather [hbm4b:s9+s23], $0xA00, $0x38;
	[tilespmem:$0x1F400] =	vst v63  }
0x50: {  	_ =	swait.ge [sflag:s25], $0xA00  }
0x51: {  	[sflag:s25] =	ssyncset.done $0x0  }
0x52: {  	[sflag:s25] =	ssyncadd.s32 $0xFFFFF600  }
0x53: {  	[tilespmem:s24], [sflag:$0x1] =	stream.indirect.gather [hbm4b:s4+s28], $0x80, s23, s28, $0xb8;
	[tilespmem:$0x1F400] =	vst v63  }
0x54: {  	s11 =	simm.s32 $0x80  }
0x55: {  	[tilespmem:s30], [sflag:$0x2] =	stream.indirect.gather [hbm4b:s4+s28], $0x80, s11, s28, $0xb8;
	[tilespmem:$0x1F400] =	vst v63  }
0x56: {  	s12 =	simm.s32 $0x100  }
0x57: {  	[tilespmem:s0], [sflag:$0x3] =	stream.indirect.gather [hbm4b:s4+s28], $0x80, s12, s28, $0xb8;
	[tilespmem:$0x1F400] =	vst v63  }
0x58: {  	_ =	swait.ge [sflag:s2], $0x3200  }
0x59: {  	[sflag:s2] =	ssyncset.done $0x0  }
0x5a: {  	[sflag:s2] =	ssyncadd.s32 $0xFFFFCE00  }
0x5b: {  	[spmem:s1] =	stream.indirect.scatter.add.f32 [tilespmem:s24], [sflag:$0x4], $0x80, s3, s28, $0xb8;
	[tilespmem:$0x1F400] =	vst v63  }
0x5c: {  	_ =	swait.ge [sflag:s25], $0x3200  }
0x5d: {  	[sflag:s25] =	ssyncset.done $0x0  }
0x5e: {  	s13 =	simm.s32 $0x180;
	[sflag:s25] =	ssyncadd.s32 $0xFFFFCE00  }
0x5f: {  	[tilespmem:s24], [sflag:$0x1] =	stream.indirect.gather [hbm4b:s4+s28], $0x80, s13, s28, $0xb8;
	[tilespmem:$0x1F400] =	vst v63  }
0x60: {  	_ =	swait.ge [sflag:s7], $0x3200  }
0x61: {  	[sflag:s7] =	ssyncset.done $0x0  }
0x62: {  	s14 =	simm.s32 $0xC80;
	[sflag:s7] =	ssyncadd.s32 $0xFFFFCE00  }
0x63: {  	[spmem:s1] =	stream.indirect.scatter.add.f32 [tilespmem:s30], [sflag:$0x4], $0x80, s14, s28, $0xb8;
	[tilespmem:$0x1F400] =	vst v63  }
0x64: {  	_ =	swait.ge [sflag:s25], $0x3200  }
0x65: {  	[sflag:s25] =	ssyncset.done $0x0  }
0x66: {  	s15 =	simm.s32 $0x200;
	[sflag:s25] =	ssyncadd.s32 $0xFFFFCE00  }
0x67: {  	[tilespmem:s30], [sflag:$0x2] =	stream.indirect.gather [hbm4b:s4+s28], $0x80, s15, s28, $0xb8;
	[tilespmem:$0x1F400] =	vst v63  }
0x68: {  	_ =	swait.ge [sflag:s10], $0x3200  }
0x69: {  	[sflag:s10] =	ssyncset.done $0x0  }
0x6a: {  	s16 =	simm.s32 $0xD00;
	[sflag:s10] =	ssyncadd.s32 $0xFFFFCE00  }
0x6b: {  	[spmem:s1] =	stream.indirect.scatter.add.f32 [tilespmem:s0], [sflag:$0x4], $0x80, s16, s28, $0xb8;
	[tilespmem:$0x1F400] =	vst v63  }
0x6c: {  	_ =	swait.ge [sflag:s25], $0x3200  }
0x6d: {  	[sflag:s25] =	ssyncset.done $0x0  }
0x6e: {  	s17 =	simm.s32 $0x280;
	[sflag:s25] =	ssyncadd.s32 $0xFFFFCE00  }
0x6f: {  	[tilespmem:s0], [sflag:$0x3] =	stream.indirect.gather [hbm4b:s4+s28], $0x80, s17, s28, $0xb8;
	[tilespmem:$0x1F400] =	vst v63  }
0x70: {  	_ =	swait.ge [sflag:s2], $0x3200  }
0x71: {  	[sflag:s2] =	ssyncset.done $0x0  }
0x72: {  	s18 =	simm.s32 $0xD80;
	[sflag:s2] =	ssyncadd.s32 $0xFFFFCE00  }
0x73: {  	[spmem:s1] =	stream.indirect.scatter.add.f32 [tilespmem:s24], [sflag:$0x4], $0x80, s18, s28, $0xb8;
	[tilespmem:$0x1F400] =	vst v63  }
0x74: {  	_ =	swait.ge [sflag:s25], $0x3200  }
0x75: {  	[sflag:s25] =	ssyncset.done $0x0  }
0x76: {  	s19 =	simm.s32 $0x300;
	[sflag:s25] =	ssyncadd.s32 $0xFFFFCE00  }
0x77: {  	[tilespmem:s24], [sflag:$0x1] =	stream.indirect.gather [hbm4b:s4+s28], $0x80, s19, s28, $0xb8;
	[tilespmem:$0x1F400] =	vst v63  }
0x78: {  	_ =	swait.ge [sflag:s7], $0x3200  }
0x79: {  	[sflag:s7] =	ssyncset.done $0x0  }
0x7a: {  	s20 =	simm.s32 $0xE00;
	[sflag:s7] =	ssyncadd.s32 $0xFFFFCE00  }
0x7b: {  	[spmem:s1] =	stream.indirect.scatter.add.f32 [tilespmem:s30], [sflag:$0x4], $0x80, s20, s28, $0xb8;
	[tilespmem:$0x1F400] =	vst v63  }
0x7c: {  	_ =	swait.ge [sflag:s25], $0x3200  }
0x7d: {  	[sflag:s25] =	ssyncset.done $0x0  }
0x7e: {  	s21 =	simm.s32 $0x380;
	[sflag:s25] =	ssyncadd.s32 $0xFFFFCE00  }
0x7f: {  	[tilespmem:s30], [sflag:$0x2] =	stream.indirect.gather [hbm4b:s4+s28], $0x80, s21, s28, $0xb8;
	[tilespmem:$0x1F400] =	vst v63  }
0x80: {  	_ =	swait.ge [sflag:s10], $0x3200  }
0x81: {  	[sflag:s10] =	ssyncset.done $0x0  }
0x82: {  	s22 =	simm.s32 $0xE80;
	[sflag:s10] =	ssyncadd.s32 $0xFFFFCE00  }
0x83: {  	[spmem:s1] =	stream.indirect.scatter.add.f32 [tilespmem:s0], [sflag:$0x4], $0x80, s22, s28, $0xb8;
	[tilespmem:$0x1F400] =	vst v63  }
0x84: {  	_ =	swait.ge [sflag:s25], $0x3200  }
0x85: {  	[sflag:s25] =	ssyncset.done $0x0  }
0x86: {  	s26 =	simm.s32 $0x400;
	[sflag:s25] =	ssyncadd.s32 $0xFFFFCE00  }
0x87: {  	[tilespmem:s0], [sflag:$0x3] =	stream.indirect.gather [hbm4b:s4+s28], $0x80, s26, s28, $0xb8;
	[tilespmem:$0x1F400] =	vst v63  }
0x88: {  	_ =	swait.ge [sflag:s2], $0x3200  }
0x89: {  	[sflag:s2] =	ssyncset.done $0x0  }
0x8a: {  	s31 =	simm.s32 $0xF00;
	[sflag:s2] =	ssyncadd.s32 $0xFFFFCE00  }
0x8b: {  	[spmem:s1] =	stream.indirect.scatter.add.f32 [tilespmem:s24], [sflag:$0x4], $0x80, s31, s28, $0xb8;
	[tilespmem:$0x1F400] =	vst v63  }
0x8c: {  	_ =	swait.ge [sflag:s25], $0x3200  }
0x8d: {  	[sflag:s25] =	ssyncset.done $0x0  }
0x8e: {  	s6 =	simm.s32 $0x480;
	[sflag:s25] =	ssyncadd.s32 $0xFFFFCE00  }
0x8f: {  	[tilespmem:s24], [sflag:$0x1] =	stream.indirect.gather [hbm4b:s4+s28], $0x80, s6, s28, $0xb8;
	[tilespmem:$0x1F400] =	vst v63  }
0x90: {  	_ =	swait.ge [sflag:s7], $0x3200  }
0x91: {  	[sflag:s7] =	ssyncset.done $0x0  }
0x92: {  	s8 =	simm.s32 $0xF80;
	[sflag:s7] =	ssyncadd.s32 $0xFFFFCE00  }
0x93: {  	[spmem:s1] =	stream.indirect.scatter.add.f32 [tilespmem:s30], [sflag:$0x4], $0x80, s8, s28, $0xb8;
	[tilespmem:$0x1F400] =	vst v63  }
0x94: {  	_ =	swait.ge [sflag:s25], $0x3200  }
0x95: {  	[sflag:s25] =	ssyncset.done $0x0  }
0x96: {  	s9 =	simm.s32 $0x500;
	[sflag:s25] =	ssyncadd.s32 $0xFFFFCE00  }
0x97: {  	[tilespmem:s30], [sflag:$0x2] =	stream.indirect.gather [hbm4b:s4+s28], $0x80, s9, s28, $0xb8;
	[tilespmem:$0x1F400] =	vst v63  }
0x98: {  	_ =	swait.ge [sflag:s10], $0x3200  }
0x99: {  	[sflag:s10] =	ssyncset.done $0x0  }
0x9a: {  	s11 =	simm.s32 $0x1000;
	[sflag:s10] =	ssyncadd.s32 $0xFFFFCE00  }
0x9b: {  	[spmem:s1] =	stream.indirect.scatter.add.f32 [tilespmem:s0], [sflag:$0x4], $0x80, s11, s28, $0xb8;
	[tilespmem:$0x1F400] =	vst v63  }
0x9c: {  	_ =	swait.ge [sflag:s25], $0x3200  }
0x9d: {  	[sflag:s25] =	ssyncset.done $0x0  }
0x9e: {  	s12 =	simm.s32 $0x580;
	[sflag:s25] =	ssyncadd.s32 $0xFFFFCE00  }
0x9f: {  	[tilespmem:s0], [sflag:$0x3] =	stream.indirect.gather [hbm4b:s4+s28], $0x80, s12, s28, $0xb8;
	[tilespmem:$0x1F400] =	vst v63  }
0xa0: {  	_ =	swait.ge [sflag:s2], $0x3200  }
0xa1: {  	[sflag:s2] =	ssyncset.done $0x0  }
0xa2: {  	s13 =	simm.s32 $0x1080;
	[sflag:s2] =	ssyncadd.s32 $0xFFFFCE00  }
0xa3: {  	[spmem:s1] =	stream.indirect.scatter.add.f32 [tilespmem:s24], [sflag:$0x4], $0x80, s13, s28, $0xb8;
	[tilespmem:$0x1F400] =	vst v63  }
0xa4: {  	_ =	swait.ge [sflag:s25], $0x3200  }
0xa5: {  	[sflag:s25] =	ssyncset.done $0x0  }
0xa6: {  	s14 =	simm.s32 $0x600;
	[sflag:s25] =	ssyncadd.s32 $0xFFFFCE00  }
0xa7: {  	[tilespmem:s24], [sflag:$0x1] =	stream.indirect.gather [hbm4b:s4+s28], $0x80, s14, s28, $0xb8;
	[tilespmem:$0x1F400] =	vst v63  }
0xa8: {  	_ =	swait.ge [sflag:s7], $0x3200  }
0xa9: {  	[sflag:s7] =	ssyncset.done $0x0  }
0xaa: {  	s15 =	simm.s32 $0x1100;
	[sflag:s7] =	ssyncadd.s32 $0xFFFFCE00  }
0xab: {  	[spmem:s1] =	stream.indirect.scatter.add.f32 [tilespmem:s30], [sflag:$0x4], $0x80, s15, s28, $0xb8;
	[tilespmem:$0x1F400] =	vst v63  }
0xac: {  	_ =	swait.ge [sflag:s25], $0x3200  }
0xad: {  	[sflag:s25] =	ssyncset.done $0x0  }
0xae: {  	s16 =	simm.s32 $0x680;
	[sflag:s25] =	ssyncadd.s32 $0xFFFFCE00  }
0xaf: {  	[tilespmem:s30], [sflag:$0x2] =	stream.indirect.gather [hbm4b:s4+s28], $0x80, s16, s28, $0xb8;
	[tilespmem:$0x1F400] =	vst v63  }
0xb0: {  	_ =	swait.ge [sflag:s10], $0x3200  }
0xb1: {  	[sflag:s10] =	ssyncset.done $0x0  }
0xb2: {  	s17 =	simm.s32 $0x1180;
	[sflag:s10] =	ssyncadd.s32 $0xFFFFCE00  }
0xb3: {  	[spmem:s1] =	stream.indirect.scatter.add.f32 [tilespmem:s0], [sflag:$0x4], $0x80, s17, s28, $0xb8;
	[tilespmem:$0x1F400] =	vst v63  }
0xb4: {  	_ =	swait.ge [sflag:s25], $0x3200  }
0xb5: {  	[sflag:s25] =	ssyncset.done $0x0  }
0xb6: {  	s18 =	simm.s32 $0x700;
	[sflag:s25] =	ssyncadd.s32 $0xFFFFCE00  }
0xb7: {  	[tilespmem:s0], [sflag:$0x3] =	stream.indirect.gather [hbm4b:s4+s28], $0x80, s18, s28, $0xb8;
	[tilespmem:$0x1F400] =	vst v63  }
0xb8: {  	_ =	swait.ge [sflag:s2], $0x3200  }
0xb9: {  	[sflag:s2] =	ssyncset.done $0x0  }
0xba: {  	s19 =	simm.s32 $0x1200;
	[sflag:s2] =	ssyncadd.s32 $0xFFFFCE00  }
0xbb: {  	[spmem:s1] =	stream.indirect.scatter.add.f32 [tilespmem:s24], [sflag:$0x4], $0x80, s19, s28, $0xb8;
	[tilespmem:$0x1F400] =	vst v63  }
0xbc: {  	_ =	swait.ge [sflag:s25], $0x3200  }
0xbd: {  	[sflag:s25] =	ssyncset.done $0x0  }
0xbe: {  	s20 =	simm.s32 $0x780;
	[sflag:s25] =	ssyncadd.s32 $0xFFFFCE00  }
0xbf: {  	[tilespmem:s24], [sflag:$0x1] =	stream.indirect.gather [hbm4b:s4+s28], $0x80, s20, s28, $0xb8;
	[tilespmem:$0x1F400] =	vst v63  }
0xc0: {  	_ =	swait.ge [sflag:s7], $0x3200  }
0xc1: {  	[sflag:s7] =	ssyncset.done $0x0  }
0xc2: {  	s21 =	simm.s32 $0x1280;
	[sflag:s7] =	ssyncadd.s32 $0xFFFFCE00  }
0xc3: {  	[spmem:s1] =	stream.indirect.scatter.add.f32 [tilespmem:s30], [sflag:$0x4], $0x80, s21, s28, $0xb8;
	[tilespmem:$0x1F400] =	vst v63  }
0xc4: {  	_ =	swait.ge [sflag:s25], $0x3200  }
0xc5: {  	[sflag:s25] =	ssyncset.done $0x0  }
0xc6: {  	s22 =	simm.s32 $0x800;
	[sflag:s25] =	ssyncadd.s32 $0xFFFFCE00  }
0xc7: {  	[tilespmem:s30], [sflag:$0x2] =	stream.indirect.gather [hbm4b:s4+s28], $0x80, s22, s28, $0xb8;
	[tilespmem:$0x1F400] =	vst v63  }
0xc8: {  	_ =	swait.ge [sflag:s10], $0x3200  }
0xc9: {  	[sflag:s10] =	ssyncset.done $0x0  }
0xca: {  	s26 =	simm.s32 $0x1300;
	[sflag:s10] =	ssyncadd.s32 $0xFFFFCE00  }
0xcb: {  	[spmem:s1] =	stream.indirect.scatter.add.f32 [tilespmem:s0], [sflag:$0x4], $0x80, s26, s28, $0xb8;
	[tilespmem:$0x1F400] =	vst v63  }
0xcc: {  	_ =	swait.ge [sflag:s25], $0x3200  }
0xcd: {  	[sflag:s25] =	ssyncset.done $0x0  }
0xce: {  	s5 =	simm.s32 $0x880;
	[sflag:s25] =	ssyncadd.s32 $0xFFFFCE00  }
0xcf: {  	[tilespmem:s0], [sflag:$0x3] =	stream.indirect.gather [hbm4b:s4+s28], $0x80, s5, s28, $0xb8;
	[tilespmem:$0x1F400] =	vst v63  }
0xd0: {  	_ =	swait.ge [sflag:s2], $0x3200  }
0xd1: {  	[sflag:s2] =	ssyncset.done $0x0  }
0xd2: {  	s8 =	simm.s32 $0x1380;
	[sflag:s2] =	ssyncadd.s32 $0xFFFFCE00  }
0xd3: {  	[spmem:s1] =	stream.indirect.scatter.add.f32 [tilespmem:s24], [sflag:$0x4], $0x80, s8, s28, $0xb8;
	[tilespmem:$0x1F400] =	vst v63  }
0xd4: {  	_ =	swait.ge [sflag:s25], $0x3200  }
0xd5: {  	[sflag:s25] =	ssyncset.done $0x0  }
0xd6: {  	s9 =	simm.s32 $0x900;
	[sflag:s25] =	ssyncadd.s32 $0xFFFFCE00  }
0xd7: {  	[tilespmem:s24], [sflag:$0x1] =	stream.indirect.gather [hbm4b:s4+s28], $0x80, s9, s28, $0xb8;
	[tilespmem:$0x1F400] =	vst v63  }
0xd8: {  	_ =	swait.ge [sflag:s7], $0x3200  }
0xd9: {  	[sflag:s7] =	ssyncset.done $0x0  }
0xda: {  	s11 =	simm.s32 $0x1400;
	[sflag:s7] =	ssyncadd.s32 $0xFFFFCE00  }
0xdb: {  	[spmem:s1] =	stream.indirect.scatter.add.f32 [tilespmem:s30], [sflag:$0x4], $0x80, s11, s28, $0xb8;
	[tilespmem:$0x1F400] =	vst v63  }
0xdc: {  	_ =	swait.ge [sflag:s25], $0x3200  }
0xdd: {  	[sflag:s25] =	ssyncset.done $0x0  }
0xde: {  	s12 =	simm.s32 $0x980;
	[sflag:s25] =	ssyncadd.s32 $0xFFFFCE00  }
0xdf: {  	[tilespmem:s30], [sflag:$0x2] =	stream.indirect.gather [hbm4b:s4+s28], $0x80, s12, s28, $0xb8;
	[tilespmem:$0x1F400] =	vst v63  }
0xe0: {  	_ =	swait.ge [sflag:s10], $0x3200  }
0xe1: {  	[sflag:s10] =	ssyncset.done $0x0  }
0xe2: {  	s13 =	simm.s32 $0x1480;
	[sflag:s10] =	ssyncadd.s32 $0xFFFFCE00  }
0xe3: {  	[spmem:s1] =	stream.indirect.scatter.add.f32 [tilespmem:s0], [sflag:$0x4], $0x80, s13, s28, $0xb8;
	[tilespmem:$0x1F400] =	vst v63  }
0xe4: {  	_ =	swait.ge [sflag:s25], $0x3200  }
0xe5: {  	[sflag:s25] =	ssyncset.done $0x0  }
0xe6: {  	[sflag:s25] =	ssyncadd.s32 $0xFFFFCE00  }
0xe7: {  	_ =	swait.ge [sflag:s2], $0x3200  }
0xe8: {  	[sflag:s2] =	ssyncset.done $0x0  }
0xe9: {  	s14 =	simm.s32 $0x1500;
	[sflag:s2] =	ssyncadd.s32 $0xFFFFCE00  }
0xea: {  	[spmem:s1] =	stream.indirect.scatter.add.f32 [tilespmem:s24], [sflag:$0x4], $0x80, s14, s28, $0xb8;
	[tilespmem:$0x1F400] =	vst v63  }
0xeb: {  	_ =	swait.ge [sflag:s25], $0x3200  }
0xec: {  	[sflag:s25] =	ssyncset.done $0x0  }
0xed: {  	[sflag:s25] =	ssyncadd.s32 $0xFFFFCE00  }
0xee: {  	_ =	swait.ge [sflag:s7], $0x3200  }
0xef: {  	[sflag:s7] =	ssyncset.done $0x0  }
0xf0: {  	s15 =	simm.s32 $0x1580;
	[sflag:s7] =	ssyncadd.s32 $0xFFFFCE00  }
0xf1: {  	[spmem:s1] =	stream.indirect.scatter.add.f32 [tilespmem:s30], [sflag:$0x4], $0x80, s15, s28, $0xb8;
	[tilespmem:$0x1F400] =	vst v63  }
0xf2: {  	_ =	swait.ge [sflag:s25], $0x3200  }
0xf3: {  	[sflag:s25] =	ssyncset.done $0x0  }
0xf4: {  	s16 =	rddreg [dreg:$0x7];
	[sflag:s25] =	ssyncadd.s32 $0xFFFFCE00  }
0xf5: {  	[tilespmem:s23], [sflag:$0x4] =	stream.linear.gather [hbm4b:s16+s23], $0xA00, $0x38;
	[tilespmem:$0x1F400] =	vst v63  }
0xf6: {  	_ =	swait.ge [sflag:s25], $0xA00  }
0xf7: {  	[sflag:s25] =	ssyncset.done $0x0  }
0xf8: {  	s17 =	rddreg [dreg:$0x8];
	[sflag:s25] =	ssyncadd.s32 $0xFFFFF600  }
0xf9: {  	[tilespmem:s3], [sflag:$0x4] =	stream.linear.gather [hbm4b:s17+s23], $0xA00, $0x38;
	[tilespmem:$0x1F400] =	vst v63  }
0xfa: {  	_ =	swait.ge [sflag:s25], $0xA00  }
0xfb: {  	[sflag:s25] =	ssyncset.done $0x0  }
0xfc: {  	[sflag:s25] =	ssyncadd.s32 $0xFFFFF600  }
0xfd: {  	[tilespmem:s24], [sflag:$0x1] =	stream.indirect.gather [hbm4b:s4+s28], $0x80, s23, s28, $0xb8;
	[tilespmem:$0x1F400] =	vst v63  }
0xfe: {  	s26 =	simm.s32 $0x80  }
0xff: {  	[tilespmem:s30], [sflag:$0x2] =	stream.indirect.gather [hbm4b:s4+s28], $0x80, s26, s28, $0xb8;
	[tilespmem:$0x1F400] =	vst v63  }
0x100: {  	s8 =	simm.s32 $0x100  }
0x101: {  	[tilespmem:s0], [sflag:$0x3] =	stream.indirect.gather [hbm4b:s4+s28], $0x80, s8, s28, $0xb8;
	[tilespmem:$0x1F400] =	vst v63  }
0x102: {  	_ =	swait.ge [sflag:s2], $0x3200  }
0x103: {  	[sflag:s2] =	ssyncset.done $0x0  }
0x104: {  	[sflag:s2] =	ssyncadd.s32 $0xFFFFCE00  }
0x105: {  	[spmem:s1] =	stream.indirect.scatter.add.f32 [tilespmem:s24], [sflag:$0x4], $0x80, s3, s28, $0xb8;
	[tilespmem:$0x1F400] =	vst v63  }
0x106: {  	_ =	swait.ge [sflag:s25], $0x3200  }
0x107: {  	[sflag:s25] =	ssyncset.done $0x0  }
0x108: {  	s9 =	simm.s32 $0x180;
	[sflag:s25] =	ssyncadd.s32 $0xFFFFCE00  }
0x109: {  	[tilespmem:s24], [sflag:$0x1] =	stream.indirect.gather [hbm4b:s4+s28], $0x80, s9, s28, $0xb8;
	[tilespmem:$0x1F400] =	vst v63  }
0x10a: {  	_ =	swait.ge [sflag:s7], $0x3200  }
0x10b: {  	[sflag:s7] =	ssyncset.done $0x0  }
0x10c: {  	s11 =	simm.s32 $0xC80;
	[sflag:s7] =	ssyncadd.s32 $0xFFFFCE00  }
0x10d: {  	[spmem:s1] =	stream.indirect.scatter.add.f32 [tilespmem:s30], [sflag:$0x4], $0x80, s11, s28, $0xb8;
	[tilespmem:$0x1F400] =	vst v63  }
0x10e: {  	_ =	swait.ge [sflag:s25], $0x3200  }
0x10f: {  	[sflag:s25] =	ssyncset.done $0x0  }
0x110: {  	s12 =	simm.s32 $0x200;
	[sflag:s25] =	ssyncadd.s32 $0xFFFFCE00  }
0x111: {  	[tilespmem:s30], [sflag:$0x2] =	stream.indirect.gather [hbm4b:s4+s28], $0x80, s12, s28, $0xb8;
	[tilespmem:$0x1F400] =	vst v63  }
0x112: {  	_ =	swait.ge [sflag:s10], $0x3200  }
0x113: {  	[sflag:s10] =	ssyncset.done $0x0  }
0x114: {  	s13 =	simm.s32 $0xD00;
	[sflag:s10] =	ssyncadd.s32 $0xFFFFCE00  }
0x115: {  	[spmem:s1] =	stream.indirect.scatter.add.f32 [tilespmem:s0], [sflag:$0x4], $0x80, s13, s28, $0xb8;
	[tilespmem:$0x1F400] =	vst v63  }
0x116: {  	_ =	swait.ge [sflag:s25], $0x3200  }
0x117: {  	[sflag:s25] =	ssyncset.done $0x0  }
0x118: {  	s14 =	simm.s32 $0x280;
	[sflag:s25] =	ssyncadd.s32 $0xFFFFCE00  }
0x119: {  	[tilespmem:s0], [sflag:$0x3] =	stream.indirect.gather [hbm4b:s4+s28], $0x80, s14, s28, $0xb8;
	[tilespmem:$0x1F400] =	vst v63  }
0x11a: {  	_ =	swait.ge [sflag:s2], $0x3200  }
0x11b: {  	[sflag:s2] =	ssyncset.done $0x0  }
0x11c: {  	s15 =	simm.s32 $0xD80;
	[sflag:s2] =	ssyncadd.s32 $0xFFFFCE00  }
0x11d: {  	[spmem:s1] =	stream.indirect.scatter.add.f32 [tilespmem:s24], [sflag:$0x4], $0x80, s15, s28, $0xb8;
	[tilespmem:$0x1F400] =	vst v63  }
0x11e: {  	_ =	swait.ge [sflag:s25], $0x3200  }
0x11f: {  	[sflag:s25] =	ssyncset.done $0x0  }
0x120: {  	s16 =	simm.s32 $0x300;
	[sflag:s25] =	ssyncadd.s32 $0xFFFFCE00  }
0x121: {  	[tilespmem:s24], [sflag:$0x1] =	stream.indirect.gather [hbm4b:s4+s28], $0x80, s16, s28, $0xb8;
	[tilespmem:$0x1F400] =	vst v63  }
0x122: {  	_ =	swait.ge [sflag:s7], $0x3200  }
0x123: {  	[sflag:s7] =	ssyncset.done $0x0  }
0x124: {  	s17 =	simm.s32 $0xE00;
	[sflag:s7] =	ssyncadd.s32 $0xFFFFCE00  }
0x125: {  	[spmem:s1] =	stream.indirect.scatter.add.f32 [tilespmem:s30], [sflag:$0x4], $0x80, s17, s28, $0xb8;
	[tilespmem:$0x1F400] =	vst v63  }
0x126: {  	_ =	swait.ge [sflag:s25], $0x3200  }
0x127: {  	[sflag:s25] =	ssyncset.done $0x0  }
0x128: {  	s18 =	simm.s32 $0x380;
	[sflag:s25] =	ssyncadd.s32 $0xFFFFCE00  }
0x129: {  	[tilespmem:s30], [sflag:$0x2] =	stream.indirect.gather [hbm4b:s4+s28], $0x80, s18, s28, $0xb8;
	[tilespmem:$0x1F400] =	vst v63  }
0x12a: {  	_ =	swait.ge [sflag:s10], $0x3200  }
0x12b: {  	[sflag:s10] =	ssyncset.done $0x0  }
0x12c: {  	s19 =	simm.s32 $0xE80;
	[sflag:s10] =	ssyncadd.s32 $0xFFFFCE00  }
0x12d: {  	[spmem:s1] =	stream.indirect.scatter.add.f32 [tilespmem:s0], [sflag:$0x4], $0x80, s19, s28, $0xb8;
	[tilespmem:$0x1F400] =	vst v63  }
0x12e: {  	_ =	swait.ge [sflag:s25], $0x3200  }
0x12f: {  	[sflag:s25] =	ssyncset.done $0x0  }
0x130: {  	s20 =	simm.s32 $0x400;
	[sflag:s25] =	ssyncadd.s32 $0xFFFFCE00  }
0x131: {  	[tilespmem:s0], [sflag:$0x3] =	stream.indirect.gather [hbm4b:s4+s28], $0x80, s20, s28, $0xb8;
	[tilespmem:$0x1F400] =	vst v63  }
0x132: {  	_ =	swait.ge [sflag:s2], $0x3200  }
0x133: {  	[sflag:s2] =	ssyncset.done $0x0  }
0x134: {  	s21 =	simm.s32 $0xF00;
	[sflag:s2] =	ssyncadd.s32 $0xFFFFCE00  }
0x135: {  	[spmem:s1] =	stream.indirect.scatter.add.f32 [tilespmem:s24], [sflag:$0x4], $0x80, s21, s28, $0xb8;
	[tilespmem:$0x1F400] =	vst v63  }
0x136: {  	_ =	swait.ge [sflag:s25], $0x3200  }
0x137: {  	[sflag:s25] =	ssyncset.done $0x0  }
0x138: {  	s22 =	simm.s32 $0x480;
	[sflag:s25] =	ssyncadd.s32 $0xFFFFCE00  }
0x139: {  	[tilespmem:s24], [sflag:$0x1] =	stream.indirect.gather [hbm4b:s4+s28], $0x80, s22, s28, $0xb8;
	[tilespmem:$0x1F400] =	vst v63  }
0x13a: {  	_ =	swait.ge [sflag:s7], $0x3200  }
0x13b: {  	[sflag:s7] =	ssyncset.done $0x0  }
0x13c: {  	s5 =	simm.s32 $0xF80;
	[sflag:s7] =	ssyncadd.s32 $0xFFFFCE00  }
0x13d: {  	[spmem:s1] =	stream.indirect.scatter.add.f32 [tilespmem:s30], [sflag:$0x4], $0x80, s5, s28, $0xb8;
	[tilespmem:$0x1F400] =	vst v63  }
0x13e: {  	_ =	swait.ge [sflag:s25], $0x3200  }
0x13f: {  	[sflag:s25] =	ssyncset.done $0x0  }
0x140: {  	s6 =	simm.s32 $0x500;
	[sflag:s25] =	ssyncadd.s32 $0xFFFFCE00  }
0x141: {  	[tilespmem:s30], [sflag:$0x2] =	stream.indirect.gather [hbm4b:s4+s28], $0x80, s6, s28, $0xb8;
	[tilespmem:$0x1F400] =	vst v63  }
0x142: {  	_ =	swait.ge [sflag:s10], $0x3200  }
0x143: {  	[sflag:s10] =	ssyncset.done $0x0  }
0x144: {  	s6 =	simm.s32 $0x1000;
	[sflag:s10] =	ssyncadd.s32 $0xFFFFCE00  }
0x145: {  	[spmem:s1] =	stream.indirect.scatter.add.f32 [tilespmem:s0], [sflag:$0x4], $0x80, s6, s28, $0xb8;
	[tilespmem:$0x1F400] =	vst v63  }
0x146: {  	_ =	swait.ge [sflag:s25], $0x3200  }
0x147: {  	[sflag:s25] =	ssyncset.done $0x0  }
0x148: {  	s6 =	simm.s32 $0x580;
	[sflag:s25] =	ssyncadd.s32 $0xFFFFCE00  }
0x149: {  	[tilespmem:s0], [sflag:$0x3] =	stream.indirect.gather [hbm4b:s4+s28], $0x80, s6, s28, $0xb8;
	[tilespmem:$0x1F400] =	vst v63  }
0x14a: {  	_ =	swait.ge [sflag:s2], $0x3200  }
0x14b: {  	[sflag:s2] =	ssyncset.done $0x0  }
0x14c: {  	s31 =	simm.s32 $0x1080;
	[sflag:s2] =	ssyncadd.s32 $0xFFFFCE00  }
0x14d: {  	[spmem:s1] =	stream.indirect.scatter.add.f32 [tilespmem:s24], [sflag:$0x4], $0x80, s31, s28, $0xb8;
	[tilespmem:$0x1F400] =	vst v63  }
0x14e: {  	_ =	swait.ge [sflag:s25], $0x3200  }
0x14f: {  	[sflag:s25] =	ssyncset.done $0x0  }
0x150: {  	s6 =	simm.s32 $0x600;
	[sflag:s25] =	ssyncadd.s32 $0xFFFFCE00  }
0x151: {  	[tilespmem:s24], [sflag:$0x1] =	stream.indirect.gather [hbm4b:s4+s28], $0x80, s6, s28, $0xb8;
	[tilespmem:$0x1F400] =	vst v63  }
0x152: {  	_ =	swait.ge [sflag:s7], $0x3200  }
0x153: {  	[sflag:s7] =	ssyncset.done $0x0  }
0x154: {  	s6 =	simm.s32 $0x1100;
	[sflag:s7] =	ssyncadd.s32 $0xFFFFCE00  }
0x155: {  	[spmem:s1] =	stream.indirect.scatter.add.f32 [tilespmem:s30], [sflag:$0x4], $0x80, s6, s28, $0xb8;
	[tilespmem:$0x1F400] =	vst v63  }
0x156: {  	_ =	swait.ge [sflag:s25], $0x3200  }
0x157: {  	[sflag:s25] =	ssyncset.done $0x0  }
0x158: {  	s6 =	simm.s32 $0x680;
	[sflag:s25] =	ssyncadd.s32 $0xFFFFCE00  }
0x159: {  	[tilespmem:s30], [sflag:$0x2] =	stream.indirect.gather [hbm4b:s4+s28], $0x80, s6, s28, $0xb8;
	[tilespmem:$0x1F400] =	vst v63  }
0x15a: {  	_ =	swait.ge [sflag:s10], $0x3200  }
0x15b: {  	[sflag:s10] =	ssyncset.done $0x0  }
0x15c: {  	s6 =	simm.s32 $0x1180;
	[sflag:s10] =	ssyncadd.s32 $0xFFFFCE00  }
0x15d: {  	[spmem:s1] =	stream.indirect.scatter.add.f32 [tilespmem:s0], [sflag:$0x4], $0x80, s6, s28, $0xb8;
	[tilespmem:$0x1F400] =	vst v63  }
0x15e: {  	_ =	swait.ge [sflag:s25], $0x3200  }
0x15f: {  	[sflag:s25] =	ssyncset.done $0x0  }
0x160: {  	s6 =	simm.s32 $0x700;
	[sflag:s25] =	ssyncadd.s32 $0xFFFFCE00  }
0x161: {  	[tilespmem:s0], [sflag:$0x3] =	stream.indirect.gather [hbm4b:s4+s28], $0x80, s6, s28, $0xb8;
	[tilespmem:$0x1F400] =	vst v63  }
0x162: {  	_ =	swait.ge [sflag:s2], $0x3200  }
0x163: {  	[sflag:s2] =	ssyncset.done $0x0  }
0x164: {  	s6 =	simm.s32 $0x1200;
	[sflag:s2] =	ssyncadd.s32 $0xFFFFCE00  }
0x165: {  	[spmem:s1] =	stream.indirect.scatter.add.f32 [tilespmem:s24], [sflag:$0x4], $0x80, s6, s28, $0xb8;
	[tilespmem:$0x1F400] =	vst v63  }
0x166: {  	_ =	swait.ge [sflag:s25], $0x3200  }
0x167: {  	[sflag:s25] =	ssyncset.done $0x0  }
0x168: {  	s6 =	simm.s32 $0x780;
	[sflag:s25] =	ssyncadd.s32 $0xFFFFCE00  }
0x169: {  	[tilespmem:s24], [sflag:$0x1] =	stream.indirect.gather [hbm4b:s4+s28], $0x80, s6, s28, $0xb8;
	[tilespmem:$0x1F400] =	vst v63  }
0x16a: {  	_ =	swait.ge [sflag:s7], $0x3200  }
0x16b: {  	[sflag:s7] =	ssyncset.done $0x0  }
0x16c: {  	s6 =	simm.s32 $0x1280;
	[sflag:s7] =	ssyncadd.s32 $0xFFFFCE00  }
0x16d: {  	[spmem:s1] =	stream.indirect.scatter.add.f32 [tilespmem:s30], [sflag:$0x4], $0x80, s6, s28, $0xb8;
	[tilespmem:$0x1F400] =	vst v63  }
0x16e: {  	_ =	swait.ge [sflag:s25], $0x3200  }
0x16f: {  	[sflag:s25] =	ssyncset.done $0x0  }
0x170: {  	s6 =	simm.s32 $0x800;
	[sflag:s25] =	ssyncadd.s32 $0xFFFFCE00  }
0x171: {  	[tilespmem:s30], [sflag:$0x2] =	stream.indirect.gather [hbm4b:s4+s28], $0x80, s6, s28, $0xb8;
	[tilespmem:$0x1F400] =	vst v63  }
0x172: {  	_ =	swait.ge [sflag:s10], $0x3200  }
0x173: {  	[sflag:s10] =	ssyncset.done $0x0  }
0x174: {  	s6 =	simm.s32 $0x1300;
	[sflag:s10] =	ssyncadd.s32 $0xFFFFCE00  }
0x175: {  	[spmem:s1] =	stream.indirect.scatter.add.f32 [tilespmem:s0], [sflag:$0x4], $0x80, s6, s28, $0xb8;
	[tilespmem:$0x1F400] =	vst v63  }
0x176: {  	_ =	swait.ge [sflag:s25], $0x3200  }
0x177: {  	[sflag:s25] =	ssyncset.done $0x0  }
0x178: {  	s6 =	simm.s32 $0x880;
	[sflag:s25] =	ssyncadd.s32 $0xFFFFCE00  }
0x179: {  	[tilespmem:s0], [sflag:$0x3] =	stream.indirect.gather [hbm4b:s4+s28], $0x80, s6, s28, $0xb8;
	[tilespmem:$0x1F400] =	vst v63  }
0x17a: {  	_ =	swait.ge [sflag:s2], $0x3200  }
0x17b: {  	[sflag:s2] =	ssyncset.done $0x0  }
0x17c: {  	s6 =	simm.s32 $0x1380;
	[sflag:s2] =	ssyncadd.s32 $0xFFFFCE00  }
0x17d: {  	[spmem:s1] =	stream.indirect.scatter.add.f32 [tilespmem:s24], [sflag:$0x4], $0x80, s6, s28, $0xb8;
	[tilespmem:$0x1F400] =	vst v63  }
0x17e: {  	_ =	swait.ge [sflag:s25], $0x3200  }
0x17f: {  	[sflag:s25] =	ssyncset.done $0x0  }
0x180: {  	s6 =	simm.s32 $0x900;
	[sflag:s25] =	ssyncadd.s32 $0xFFFFCE00  }
0x181: {  	[tilespmem:s24], [sflag:$0x1] =	stream.indirect.gather [hbm4b:s4+s28], $0x80, s6, s28, $0xb8;
	[tilespmem:$0x1F400] =	vst v63  }
0x182: {  	_ =	swait.ge [sflag:s7], $0x3200  }
0x183: {  	[sflag:s7] =	ssyncset.done $0x0  }
0x184: {  	s6 =	simm.s32 $0x1400;
	[sflag:s7] =	ssyncadd.s32 $0xFFFFCE00  }
0x185: {  	[spmem:s1] =	stream.indirect.scatter.add.f32 [tilespmem:s30], [sflag:$0x4], $0x80, s6, s28, $0xb8;
	[tilespmem:$0x1F400] =	vst v63  }
0x186: {  	_ =	swait.ge [sflag:s25], $0x3200  }
0x187: {  	[sflag:s25] =	ssyncset.done $0x0  }
0x188: {  	s6 =	simm.s32 $0x980;
	[sflag:s25] =	ssyncadd.s32 $0xFFFFCE00  }
0x189: {  	[tilespmem:s30], [sflag:$0x2] =	stream.indirect.gather [hbm4b:s4+s28], $0x80, s6, s28, $0xb8;
	[tilespmem:$0x1F400] =	vst v63  }
0x18a: {  	_ =	swait.ge [sflag:s10], $0x3200  }
0x18b: {  	[sflag:s10] =	ssyncset.done $0x0  }
0x18c: {  	s6 =	simm.s32 $0x1480;
	[sflag:s10] =	ssyncadd.s32 $0xFFFFCE00  }
0x18d: {  	[spmem:s1] =	stream.indirect.scatter.add.f32 [tilespmem:s0], [sflag:$0x4], $0x80, s6, s28, $0xb8;
	[tilespmem:$0x1F400] =	vst v63  }
0x18e: {  	_ =	swait.ge [sflag:s25], $0x3200  }
0x18f: {  	[sflag:s25] =	ssyncset.done $0x0  }
0x190: {  	[sflag:s25] =	ssyncadd.s32 $0xFFFFCE00  }
0x191: {  	_ =	swait.ge [sflag:s2], $0x3200  }
0x192: {  	[sflag:s2] =	ssyncset.done $0x0  }
0x193: {  	s6 =	simm.s32 $0x1500;
	[sflag:s2] =	ssyncadd.s32 $0xFFFFCE00  }
0x194: {  	[spmem:s1] =	stream.indirect.scatter.add.f32 [tilespmem:s24], [sflag:$0x4], $0x80, s6, s28, $0xb8;
	[tilespmem:$0x1F400] =	vst v63  }
0x195: {  	_ =	swait.ge [sflag:s25], $0x3200  }
0x196: {  	[sflag:s25] =	ssyncset.done $0x0  }
0x197: {  	[sflag:s25] =	ssyncadd.s32 $0xFFFFCE00  }
0x198: {  	_ =	swait.ge [sflag:s7], $0x3200  }
0x199: {  	[sflag:s7] =	ssyncset.done $0x0  }
0x19a: {  	s6 =	simm.s32 $0x1580;
	[sflag:s7] =	ssyncadd.s32 $0xFFFFCE00  }
0x19b: {  	[spmem:s1] =	stream.indirect.scatter.add.f32 [tilespmem:s30], [sflag:$0x4], $0x80, s6, s28, $0xb8;
	[tilespmem:$0x1F400] =	vst v63  }
0x19c: {  	_ =	swait.ge [sflag:s25], $0x3200  }
0x19d: {  	[sflag:s25] =	ssyncset.done $0x0  }
0x19e: {  	s6 =	rddreg [dreg:$0x9];
	[sflag:s25] =	ssyncadd.s32 $0xFFFFCE00  }
0x19f: {  	[tilespmem:s23], [sflag:$0x4] =	stream.linear.gather [hbm4b:s6+s23], $0xA00, $0x38;
	[tilespmem:$0x1F400] =	vst v63  }
0x1a0: {  	_ =	swait.ge [sflag:s25], $0xA00  }
0x1a1: {  	[sflag:s25] =	ssyncset.done $0x0  }
0x1a2: {  	s6 =	rddreg [dreg:$0xa];
	[sflag:s25] =	ssyncadd.s32 $0xFFFFF600  }
0x1a3: {  	[tilespmem:s3], [sflag:$0x4] =	stream.linear.gather [hbm4b:s6+s23], $0xA00, $0x38;
	[tilespmem:$0x1F400] =	vst v63  }
0x1a4: {  	_ =	swait.ge [sflag:s25], $0xA00  }
0x1a5: {  	[sflag:s25] =	ssyncset.done $0x0  }
0x1a6: {  	[sflag:s25] =	ssyncadd.s32 $0xFFFFF600  }
0x1a7: {  	[tilespmem:s24], [sflag:$0x1] =	stream.indirect.gather [hbm4b:s4+s28], $0x80, s23, s28, $0xb8;
	[tilespmem:$0x1F400] =	vst v63  }
0x1a8: {  	_ = 	snop  }
0x1a9: {  	[tilespmem:s30], [sflag:$0x2] =	stream.indirect.gather [hbm4b:s4+s28], $0x80, s26, s28, $0xb8;
	[tilespmem:$0x1F400] =	vst v63  }
0x1aa: {  	_ = 	snop  }
0x1ab: {  	[tilespmem:s0], [sflag:$0x3] =	stream.indirect.gather [hbm4b:s4+s28], $0x80, s8, s28, $0xb8;
	[tilespmem:$0x1F400] =	vst v63  }
0x1ac: {  	_ =	swait.ge [sflag:s2], $0x3200  }
0x1ad: {  	[sflag:s2] =	ssyncset.done $0x0  }
0x1ae: {  	[sflag:s2] =	ssyncadd.s32 $0xFFFFCE00  }
0x1af: {  	[spmem:s1] =	stream.indirect.scatter.add.f32 [tilespmem:s24], [sflag:$0x4], $0x80, s3, s28, $0xb8;
	[tilespmem:$0x1F400] =	vst v63  }
0x1b0: {  	_ =	swait.ge [sflag:s25], $0x3200  }
0x1b1: {  	[sflag:s25] =	ssyncset.done $0x0  }
0x1b2: {  	[sflag:s25] =	ssyncadd.s32 $0xFFFFCE00  }
0x1b3: {  	[tilespmem:s24], [sflag:$0x1] =	stream.indirect.gather [hbm4b:s4+s28], $0x80, s9, s28, $0xb8;
	[tilespmem:$0x1F400] =	vst v63  }
0x1b4: {  	_ =	swait.ge [sflag:s7], $0x3200  }
0x1b5: {  	[sflag:s7] =	ssyncset.done $0x0  }
0x1b6: {  	[sflag:s7] =	ssyncadd.s32 $0xFFFFCE00  }
0x1b7: {  	[spmem:s1] =	stream.indirect.scatter.add.f32 [tilespmem:s30], [sflag:$0x4], $0x80, s11, s28, $0xb8;
	[tilespmem:$0x1F400] =	vst v63  }
0x1b8: {  	_ =	swait.ge [sflag:s25], $0x3200  }
0x1b9: {  	[sflag:s25] =	ssyncset.done $0x0  }
0x1ba: {  	[sflag:s25] =	ssyncadd.s32 $0xFFFFCE00  }
0x1bb: {  	[tilespmem:s30], [sflag:$0x2] =	stream.indirect.gather [hbm4b:s4+s28], $0x80, s12, s28, $0xb8;
	[tilespmem:$0x1F400] =	vst v63  }
0x1bc: {  	_ =	swait.ge [sflag:s10], $0x3200  }
0x1bd: {  	[sflag:s10] =	ssyncset.done $0x0  }
0x1be: {  	[sflag:s10] =	ssyncadd.s32 $0xFFFFCE00  }
0x1bf: {  	[spmem:s1] =	stream.indirect.scatter.add.f32 [tilespmem:s0], [sflag:$0x4], $0x80, s13, s28, $0xb8;
	[tilespmem:$0x1F400] =	vst v63  }
0x1c0: {  	_ =	swait.ge [sflag:s25], $0x3200  }
0x1c1: {  	[sflag:s25] =	ssyncset.done $0x0  }
0x1c2: {  	[sflag:s25] =	ssyncadd.s32 $0xFFFFCE00  }
0x1c3: {  	[tilespmem:s0], [sflag:$0x3] =	stream.indirect.gather [hbm4b:s4+s28], $0x80, s14, s28, $0xb8;
	[tilespmem:$0x1F400] =	vst v63  }
0x1c4: {  	_ =	swait.ge [sflag:s2], $0x3200  }
0x1c5: {  	[sflag:s2] =	ssyncset.done $0x0  }
0x1c6: {  	[sflag:s2] =	ssyncadd.s32 $0xFFFFCE00  }
0x1c7: {  	[spmem:s1] =	stream.indirect.scatter.add.f32 [tilespmem:s24], [sflag:$0x4], $0x80, s15, s28, $0xb8;
	[tilespmem:$0x1F400] =	vst v63  }
0x1c8: {  	_ =	swait.ge [sflag:s25], $0x3200  }
0x1c9: {  	[sflag:s25] =	ssyncset.done $0x0  }
0x1ca: {  	[sflag:s25] =	ssyncadd.s32 $0xFFFFCE00  }
0x1cb: {  	[tilespmem:s24], [sflag:$0x1] =	stream.indirect.gather [hbm4b:s4+s28], $0x80, s16, s28, $0xb8;
	[tilespmem:$0x1F400] =	vst v63  }
0x1cc: {  	_ =	swait.ge [sflag:s7], $0x3200  }
0x1cd: {  	[sflag:s7] =	ssyncset.done $0x0  }
0x1ce: {  	[sflag:s7] =	ssyncadd.s32 $0xFFFFCE00  }
0x1cf: {  	[spmem:s1] =	stream.indirect.scatter.add.f32 [tilespmem:s30], [sflag:$0x4], $0x80, s17, s28, $0xb8;
	[tilespmem:$0x1F400] =	vst v63  }
0x1d0: {  	_ =	swait.ge [sflag:s25], $0x3200  }
0x1d1: {  	[sflag:s25] =	ssyncset.done $0x0  }
0x1d2: {  	[sflag:s25] =	ssyncadd.s32 $0xFFFFCE00  }
0x1d3: {  	[tilespmem:s30], [sflag:$0x2] =	stream.indirect.gather [hbm4b:s4+s28], $0x80, s18, s28, $0xb8;
	[tilespmem:$0x1F400] =	vst v63  }
0x1d4: {  	_ =	swait.ge [sflag:s10], $0x3200  }
0x1d5: {  	[sflag:s10] =	ssyncset.done $0x0  }
0x1d6: {  	[sflag:s10] =	ssyncadd.s32 $0xFFFFCE00  }
0x1d7: {  	[spmem:s1] =	stream.indirect.scatter.add.f32 [tilespmem:s0], [sflag:$0x4], $0x80, s19, s28, $0xb8;
	[tilespmem:$0x1F400] =	vst v63  }
0x1d8: {  	_ =	swait.ge [sflag:s25], $0x3200  }
0x1d9: {  	[sflag:s25] =	ssyncset.done $0x0  }
0x1da: {  	[sflag:s25] =	ssyncadd.s32 $0xFFFFCE00  }
0x1db: {  	[tilespmem:s0], [sflag:$0x3] =	stream.indirect.gather [hbm4b:s4+s28], $0x80, s20, s28, $0xb8;
	[tilespmem:$0x1F400] =	vst v63  }
0x1dc: {  	_ =	swait.ge [sflag:s2], $0x3200  }
0x1dd: {  	[sflag:s2] =	ssyncset.done $0x0  }
0x1de: {  	[sflag:s2] =	ssyncadd.s32 $0xFFFFCE00  }
0x1df: {  	[spmem:s1] =	stream.indirect.scatter.add.f32 [tilespmem:s24], [sflag:$0x4], $0x80, s21, s28, $0xb8;
	[tilespmem:$0x1F400] =	vst v63  }
0x1e0: {  	_ =	swait.ge [sflag:s25], $0x3200  }
0x1e1: {  	[sflag:s25] =	ssyncset.done $0x0  }
0x1e2: {  	[sflag:s25] =	ssyncadd.s32 $0xFFFFCE00  }
0x1e3: {  	[tilespmem:s24], [sflag:$0x1] =	stream.indirect.gather [hbm4b:s4+s28], $0x80, s22, s28, $0xb8;
	[tilespmem:$0x1F400] =	vst v63  }
0x1e4: {  	_ =	swait.ge [sflag:s7], $0x3200  }
0x1e5: {  	[sflag:s7] =	ssyncset.done $0x0  }
0x1e6: {  	[sflag:s7] =	ssyncadd.s32 $0xFFFFCE00  }
0x1e7: {  	[spmem:s1] =	stream.indirect.scatter.add.f32 [tilespmem:s30], [sflag:$0x4], $0x80, s5, s28, $0xb8;
	[tilespmem:$0x1F400] =	vst v63  }
0x1e8: {  	_ =	swait.ge [sflag:s25], $0x3200  }
0x1e9: {  	[sflag:s25] =	ssyncset.done $0x0  }
0x1ea: {  	s18 =	simm.s32 $0x500;
	[sflag:s25] =	ssyncadd.s32 $0xFFFFCE00  }
0x1eb: {  	[tilespmem:s30], [sflag:$0x2] =	stream.indirect.gather [hbm4b:s4+s28], $0x80, s18, s28, $0xb8;
	[tilespmem:$0x1F400] =	vst v63  }
0x1ec: {  	_ =	swait.ge [sflag:s10], $0x3200  }
0x1ed: {  	[sflag:s10] =	ssyncset.done $0x0  }
0x1ee: {  	s19 =	simm.s32 $0x1000;
	[sflag:s10] =	ssyncadd.s32 $0xFFFFCE00  }
0x1ef: {  	[spmem:s1] =	stream.indirect.scatter.add.f32 [tilespmem:s0], [sflag:$0x4], $0x80, s19, s28, $0xb8;
	[tilespmem:$0x1F400] =	vst v63  }
0x1f0: {  	_ =	swait.ge [sflag:s25], $0x3200  }
0x1f1: {  	[sflag:s25] =	ssyncset.done $0x0  }
0x1f2: {  	s20 =	simm.s32 $0x580;
	[sflag:s25] =	ssyncadd.s32 $0xFFFFCE00  }
0x1f3: {  	[tilespmem:s0], [sflag:$0x3] =	stream.indirect.gather [hbm4b:s4+s28], $0x80, s20, s28, $0xb8;
	[tilespmem:$0x1F400] =	vst v63  }
0x1f4: {  	_ =	swait.ge [sflag:s2], $0x3200  }
0x1f5: {  	[sflag:s2] =	ssyncset.done $0x0  }
0x1f6: {  	s31 =	simm.s32 $0x1080;
	[sflag:s2] =	ssyncadd.s32 $0xFFFFCE00  }
0x1f7: {  	[spmem:s1] =	stream.indirect.scatter.add.f32 [tilespmem:s24], [sflag:$0x4], $0x80, s31, s28, $0xb8;
	[tilespmem:$0x1F400] =	vst v63  }
0x1f8: {  	_ =	swait.ge [sflag:s25], $0x3200  }
0x1f9: {  	[sflag:s25] =	ssyncset.done $0x0  }
0x1fa: {  	s21 =	simm.s32 $0x600;
	[sflag:s25] =	ssyncadd.s32 $0xFFFFCE00  }
0x1fb: {  	[tilespmem:s24], [sflag:$0x1] =	stream.indirect.gather [hbm4b:s4+s28], $0x80, s21, s28, $0xb8;
	[tilespmem:$0x1F400] =	vst v63  }
0x1fc: {  	_ =	swait.ge [sflag:s7], $0x3200  }
0x1fd: {  	[sflag:s7] =	ssyncset.done $0x0  }
0x1fe: {  	s22 =	simm.s32 $0x1100;
	[sflag:s7] =	ssyncadd.s32 $0xFFFFCE00  }
0x1ff: {  	[spmem:s1] =	stream.indirect.scatter.add.f32 [tilespmem:s30], [sflag:$0x4], $0x80, s22, s28, $0xb8;
	[tilespmem:$0x1F400] =	vst v63  }
0x200: {  	_ =	swait.ge [sflag:s25], $0x3200  }
0x201: {  	[sflag:s25] =	ssyncset.done $0x0  }
0x202: {  	s31 =	simm.s32 $0x680;
	[sflag:s25] =	ssyncadd.s32 $0xFFFFCE00  }
0x203: {  	[tilespmem:s30], [sflag:$0x2] =	stream.indirect.gather [hbm4b:s4+s28], $0x80, s31, s28, $0xb8;
	[tilespmem:$0x1F400] =	vst v63  }
0x204: {  	_ =	swait.ge [sflag:s10], $0x3200  }
0x205: {  	[sflag:s10] =	ssyncset.done $0x0  }
0x206: {  	s6 =	simm.s32 $0x1180;
	[sflag:s10] =	ssyncadd.s32 $0xFFFFCE00  }
0x207: {  	[spmem:s1] =	stream.indirect.scatter.add.f32 [tilespmem:s0], [sflag:$0x4], $0x80, s6, s28, $0xb8;
	[tilespmem:$0x1F400] =	vst v63  }
0x208: {  	_ =	swait.ge [sflag:s25], $0x3200  }
0x209: {  	[sflag:s25] =	ssyncset.done $0x0  }
0x20a: {  	s9 =	simm.s32 $0x700;
	[sflag:s25] =	ssyncadd.s32 $0xFFFFCE00  }
0x20b: {  	[tilespmem:s0], [sflag:$0x3] =	stream.indirect.gather [hbm4b:s4+s28], $0x80, s9, s28, $0xb8;
	[tilespmem:$0x1F400] =	vst v63  }
0x20c: {  	_ =	swait.ge [sflag:s2], $0x3200  }
0x20d: {  	[sflag:s2] =	ssyncset.done $0x0  }
0x20e: {  	s11 =	simm.s32 $0x1200;
	[sflag:s2] =	ssyncadd.s32 $0xFFFFCE00  }
0x20f: {  	[spmem:s1] =	stream.indirect.scatter.add.f32 [tilespmem:s24], [sflag:$0x4], $0x80, s11, s28, $0xb8;
	[tilespmem:$0x1F400] =	vst v63  }
0x210: {  	_ =	swait.ge [sflag:s25], $0x3200  }
0x211: {  	[sflag:s25] =	ssyncset.done $0x0  }
0x212: {  	s12 =	simm.s32 $0x780;
	[sflag:s25] =	ssyncadd.s32 $0xFFFFCE00  }
0x213: {  	[tilespmem:s24], [sflag:$0x1] =	stream.indirect.gather [hbm4b:s4+s28], $0x80, s12, s28, $0xb8;
	[tilespmem:$0x1F400] =	vst v63  }
0x214: {  	_ =	swait.ge [sflag:s7], $0x3200  }
0x215: {  	[sflag:s7] =	ssyncset.done $0x0  }
0x216: {  	s13 =	simm.s32 $0x1280;
	[sflag:s7] =	ssyncadd.s32 $0xFFFFCE00  }
0x217: {  	[spmem:s1] =	stream.indirect.scatter.add.f32 [tilespmem:s30], [sflag:$0x4], $0x80, s13, s28, $0xb8;
	[tilespmem:$0x1F400] =	vst v63  }
0x218: {  	_ =	swait.ge [sflag:s25], $0x3200  }
0x219: {  	[sflag:s25] =	ssyncset.done $0x0  }
0x21a: {  	s14 =	simm.s32 $0x800;
	[sflag:s25] =	ssyncadd.s32 $0xFFFFCE00  }
0x21b: {  	[tilespmem:s30], [sflag:$0x2] =	stream.indirect.gather [hbm4b:s4+s28], $0x80, s14, s28, $0xb8;
	[tilespmem:$0x1F400] =	vst v63  }
0x21c: {  	_ =	swait.ge [sflag:s10], $0x3200  }
0x21d: {  	[sflag:s10] =	ssyncset.done $0x0  }
0x21e: {  	s15 =	simm.s32 $0x1300;
	[sflag:s10] =	ssyncadd.s32 $0xFFFFCE00  }
0x21f: {  	[spmem:s1] =	stream.indirect.scatter.add.f32 [tilespmem:s0], [sflag:$0x4], $0x80, s15, s28, $0xb8;
	[tilespmem:$0x1F400] =	vst v63  }
0x220: {  	_ =	swait.ge [sflag:s25], $0x3200  }
0x221: {  	[sflag:s25] =	ssyncset.done $0x0  }
0x222: {  	s16 =	simm.s32 $0x880;
	[sflag:s25] =	ssyncadd.s32 $0xFFFFCE00  }
0x223: {  	[tilespmem:s0], [sflag:$0x3] =	stream.indirect.gather [hbm4b:s4+s28], $0x80, s16, s28, $0xb8;
	[tilespmem:$0x1F400] =	vst v63  }
0x224: {  	_ =	swait.ge [sflag:s2], $0x3200  }
0x225: {  	[sflag:s2] =	ssyncset.done $0x0  }
0x226: {  	s17 =	simm.s32 $0x1380;
	[sflag:s2] =	ssyncadd.s32 $0xFFFFCE00  }
0x227: {  	[spmem:s1] =	stream.indirect.scatter.add.f32 [tilespmem:s24], [sflag:$0x4], $0x80, s17, s28, $0xb8;
	[tilespmem:$0x1F400] =	vst v63  }
0x228: {  	_ =	swait.ge [sflag:s25], $0x3200  }
0x229: {  	[sflag:s25] =	ssyncset.done $0x0  }
0x22a: {  	s18 =	simm.s32 $0x900;
	[sflag:s25] =	ssyncadd.s32 $0xFFFFCE00  }
0x22b: {  	[tilespmem:s24], [sflag:$0x1] =	stream.indirect.gather [hbm4b:s4+s28], $0x80, s18, s28, $0xb8;
	[tilespmem:$0x1F400] =	vst v63  }
0x22c: {  	_ =	swait.ge [sflag:s7], $0x3200  }
0x22d: {  	[sflag:s7] =	ssyncset.done $0x0  }
0x22e: {  	s19 =	simm.s32 $0x1400;
	[sflag:s7] =	ssyncadd.s32 $0xFFFFCE00  }
0x22f: {  	[spmem:s1] =	stream.indirect.scatter.add.f32 [tilespmem:s30], [sflag:$0x4], $0x80, s19, s28, $0xb8;
	[tilespmem:$0x1F400] =	vst v63  }
0x230: {  	_ =	swait.ge [sflag:s25], $0x3200  }
0x231: {  	[sflag:s25] =	ssyncset.done $0x0  }
0x232: {  	s20 =	simm.s32 $0x980;
	[sflag:s25] =	ssyncadd.s32 $0xFFFFCE00  }
0x233: {  	[tilespmem:s30], [sflag:$0x2] =	stream.indirect.gather [hbm4b:s4+s28], $0x80, s20, s28, $0xb8;
	[tilespmem:$0x1F400] =	vst v63  }
0x234: {  	_ =	swait.ge [sflag:s10], $0x3200  }
0x235: {  	[sflag:s10] =	ssyncset.done $0x0  }
0x236: {  	s21 =	simm.s32 $0x1480;
	[sflag:s10] =	ssyncadd.s32 $0xFFFFCE00  }
0x237: {  	[spmem:s1] =	stream.indirect.scatter.add.f32 [tilespmem:s0], [sflag:$0x4], $0x80, s21, s28, $0xb8;
	[tilespmem:$0x1F400] =	vst v63  }
0x238: {  	_ =	swait.ge [sflag:s25], $0x3200  }
0x239: {  	[sflag:s25] =	ssyncset.done $0x0  }
0x23a: {  	[sflag:s25] =	ssyncadd.s32 $0xFFFFCE00  }
0x23b: {  	_ =	swait.ge [sflag:s2], $0x3200  }
0x23c: {  	[sflag:s2] =	ssyncset.done $0x0  }
0x23d: {  	s22 =	simm.s32 $0x1500;
	[sflag:s2] =	ssyncadd.s32 $0xFFFFCE00  }
0x23e: {  	[spmem:s1] =	stream.indirect.scatter.add.f32 [tilespmem:s24], [sflag:$0x4], $0x80, s22, s28, $0xb8;
	[tilespmem:$0x1F400] =	vst v63  }
0x23f: {  	_ =	swait.ge [sflag:s25], $0x3200  }
0x240: {  	[sflag:s25] =	ssyncset.done $0x0  }
0x241: {  	[sflag:s25] =	ssyncadd.s32 $0xFFFFCE00  }
0x242: {  	_ =	swait.ge [sflag:s7], $0x3200  }
0x243: {  	[sflag:s7] =	ssyncset.done $0x0  }
0x244: {  	s31 =	simm.s32 $0x1580;
	[sflag:s7] =	ssyncadd.s32 $0xFFFFCE00  }
0x245: {  	[spmem:s1] =	stream.indirect.scatter.add.f32 [tilespmem:s30], [sflag:$0x4], $0x80, s31, s28, $0xb8;
	[tilespmem:$0x1F400] =	vst v63  }
0x246: {  	_ =	swait.ge [sflag:s25], $0x3200  }
0x247: {  	[sflag:s25] =	ssyncset.done $0x0  }
0x248: {  	s5 =	rddreg [dreg:$0xb];
	[sflag:s25] =	ssyncadd.s32 $0xFFFFCE00  }
0x249: {  	[tilespmem:s23], [sflag:$0x4] =	stream.linear.gather [hbm4b:s5+s23], $0xA00, $0x38;
	[tilespmem:$0x1F400] =	vst v63  }
0x24a: {  	_ =	swait.ge [sflag:s25], $0xA00  }
0x24b: {  	[sflag:s25] =	ssyncset.done $0x0  }
0x24c: {  	s9 =	rddreg [dreg:$0xc];
	[sflag:s25] =	ssyncadd.s32 $0xFFFFF600  }
0x24d: {  	[tilespmem:s3], [sflag:$0x4] =	stream.linear.gather [hbm4b:s9+s23], $0xA00, $0x38;
	[tilespmem:$0x1F400] =	vst v63  }
0x24e: {  	_ =	swait.ge [sflag:s25], $0xA00  }
0x24f: {  	[sflag:s25] =	ssyncset.done $0x0  }
0x250: {  	[sflag:s25] =	ssyncadd.s32 $0xFFFFF600  }
0x251: {  	[tilespmem:s24], [sflag:$0x1] =	stream.indirect.gather [hbm4b:s4+s28], $0x80, s23, s28, $0xb8;
	[tilespmem:$0x1F400] =	vst v63  }
0x252: {  	s26 =	simm.s32 $0x80  }
0x253: {  	[tilespmem:s30], [sflag:$0x2] =	stream.indirect.gather [hbm4b:s4+s28], $0x80, s26, s28, $0xb8;
	[tilespmem:$0x1F400] =	vst v63  }
0x254: {  	s11 =	simm.s32 $0x100  }
0x255: {  	[tilespmem:s0], [sflag:$0x3] =	stream.indirect.gather [hbm4b:s4+s28], $0x80, s11, s28, $0xb8;
	[tilespmem:$0x1F400] =	vst v63  }
0x256: {  	_ =	swait.ge [sflag:s2], $0x3200  }
0x257: {  	[sflag:s2] =	ssyncset.done $0x0  }
0x258: {  	[sflag:s2] =	ssyncadd.s32 $0xFFFFCE00  }
0x259: {  	[spmem:s1] =	stream.indirect.scatter.add.f32 [tilespmem:s24], [sflag:$0x4], $0x80, s3, s28, $0xb8;
	[tilespmem:$0x1F400] =	vst v63  }
0x25a: {  	_ =	swait.ge [sflag:s25], $0x3200  }
0x25b: {  	[sflag:s25] =	ssyncset.done $0x0  }
0x25c: {  	s12 =	simm.s32 $0x180;
	[sflag:s25] =	ssyncadd.s32 $0xFFFFCE00  }
0x25d: {  	[tilespmem:s24], [sflag:$0x1] =	stream.indirect.gather [hbm4b:s4+s28], $0x80, s12, s28, $0xb8;
	[tilespmem:$0x1F400] =	vst v63  }
0x25e: {  	_ =	swait.ge [sflag:s7], $0x3200  }
0x25f: {  	[sflag:s7] =	ssyncset.done $0x0  }
0x260: {  	s13 =	simm.s32 $0xC80;
	[sflag:s7] =	ssyncadd.s32 $0xFFFFCE00  }
0x261: {  	[spmem:s1] =	stream.indirect.scatter.add.f32 [tilespmem:s30], [sflag:$0x4], $0x80, s13, s28, $0xb8;
	[tilespmem:$0x1F400] =	vst v63  }
0x262: {  	_ =	swait.ge [sflag:s25], $0x3200  }
0x263: {  	[sflag:s25] =	ssyncset.done $0x0  }
0x264: {  	s14 =	simm.s32 $0x200;
	[sflag:s25] =	ssyncadd.s32 $0xFFFFCE00  }
0x265: {  	[tilespmem:s30], [sflag:$0x2] =	stream.indirect.gather [hbm4b:s4+s28], $0x80, s14, s28, $0xb8;
	[tilespmem:$0x1F400] =	vst v63  }
0x266: {  	_ =	swait.ge [sflag:s10], $0x3200  }
0x267: {  	[sflag:s10] =	ssyncset.done $0x0  }
0x268: {  	s15 =	simm.s32 $0xD00;
	[sflag:s10] =	ssyncadd.s32 $0xFFFFCE00  }
0x269: {  	[spmem:s1] =	stream.indirect.scatter.add.f32 [tilespmem:s0], [sflag:$0x4], $0x80, s15, s28, $0xb8;
	[tilespmem:$0x1F400] =	vst v63  }
0x26a: {  	_ =	swait.ge [sflag:s25], $0x3200  }
0x26b: {  	[sflag:s25] =	ssyncset.done $0x0  }
0x26c: {  	s16 =	simm.s32 $0x280;
	[sflag:s25] =	ssyncadd.s32 $0xFFFFCE00  }
0x26d: {  	[tilespmem:s0], [sflag:$0x3] =	stream.indirect.gather [hbm4b:s4+s28], $0x80, s16, s28, $0xb8;
	[tilespmem:$0x1F400] =	vst v63  }
0x26e: {  	_ =	swait.ge [sflag:s2], $0x3200  }
0x26f: {  	[sflag:s2] =	ssyncset.done $0x0  }
0x270: {  	s17 =	simm.s32 $0xD80;
	[sflag:s2] =	ssyncadd.s32 $0xFFFFCE00  }
0x271: {  	[spmem:s1] =	stream.indirect.scatter.add.f32 [tilespmem:s24], [sflag:$0x4], $0x80, s17, s28, $0xb8;
	[tilespmem:$0x1F400] =	vst v63  }
0x272: {  	_ =	swait.ge [sflag:s25], $0x3200  }
0x273: {  	[sflag:s25] =	ssyncset.done $0x0  }
0x274: {  	s18 =	simm.s32 $0x300;
	[sflag:s25] =	ssyncadd.s32 $0xFFFFCE00  }
0x275: {  	[tilespmem:s24], [sflag:$0x1] =	stream.indirect.gather [hbm4b:s4+s28], $0x80, s18, s28, $0xb8;
	[tilespmem:$0x1F400] =	vst v63  }
0x276: {  	_ =	swait.ge [sflag:s7], $0x3200  }
0x277: {  	[sflag:s7] =	ssyncset.done $0x0  }
0x278: {  	s19 =	simm.s32 $0xE00;
	[sflag:s7] =	ssyncadd.s32 $0xFFFFCE00  }
0x279: {  	[spmem:s1] =	stream.indirect.scatter.add.f32 [tilespmem:s30], [sflag:$0x4], $0x80, s19, s28, $0xb8;
	[tilespmem:$0x1F400] =	vst v63  }
0x27a: {  	_ =	swait.ge [sflag:s25], $0x3200  }
0x27b: {  	[sflag:s25] =	ssyncset.done $0x0  }
0x27c: {  	s20 =	simm.s32 $0x380;
	[sflag:s25] =	ssyncadd.s32 $0xFFFFCE00  }
0x27d: {  	[tilespmem:s30], [sflag:$0x2] =	stream.indirect.gather [hbm4b:s4+s28], $0x80, s20, s28, $0xb8;
	[tilespmem:$0x1F400] =	vst v63  }
0x27e: {  	_ =	swait.ge [sflag:s10], $0x3200  }
0x27f: {  	[sflag:s10] =	ssyncset.done $0x0  }
0x280: {  	s21 =	simm.s32 $0xE80;
	[sflag:s10] =	ssyncadd.s32 $0xFFFFCE00  }
0x281: {  	[spmem:s1] =	stream.indirect.scatter.add.f32 [tilespmem:s0], [sflag:$0x4], $0x80, s21, s28, $0xb8;
	[tilespmem:$0x1F400] =	vst v63  }
0x282: {  	_ =	swait.ge [sflag:s25], $0x3200  }
0x283: {  	[sflag:s25] =	ssyncset.done $0x0  }
0x284: {  	s22 =	simm.s32 $0x400;
	[sflag:s25] =	ssyncadd.s32 $0xFFFFCE00  }
0x285: {  	[tilespmem:s0], [sflag:$0x3] =	stream.indirect.gather [hbm4b:s4+s28], $0x80, s22, s28, $0xb8;
	[tilespmem:$0x1F400] =	vst v63  }
0x286: {  	_ =	swait.ge [sflag:s2], $0x3200  }
0x287: {  	[sflag:s2] =	ssyncset.done $0x0  }
0x288: {  	s26 =	simm.s32 $0xF00;
	[sflag:s2] =	ssyncadd.s32 $0xFFFFCE00  }
0x289: {  	[spmem:s1] =	stream.indirect.scatter.add.f32 [tilespmem:s24], [sflag:$0x4], $0x80, s26, s28, $0xb8;
	[tilespmem:$0x1F400] =	vst v63  }
0x28a: {  	_ =	swait.ge [sflag:s25], $0x3200  }
0x28b: {  	[sflag:s25] =	ssyncset.done $0x0  }
0x28c: {  	s31 =	simm.s32 $0x480;
	[sflag:s25] =	ssyncadd.s32 $0xFFFFCE00  }
0x28d: {  	[tilespmem:s24], [sflag:$0x1] =	stream.indirect.gather [hbm4b:s4+s28], $0x80, s31, s28, $0xb8;
	[tilespmem:$0x1F400] =	vst v63  }
0x28e: {  	_ =	swait.ge [sflag:s7], $0x3200  }
0x28f: {  	[sflag:s7] =	ssyncset.done $0x0  }
0x290: {  	s8 =	simm.s32 $0xF80;
	[sflag:s7] =	ssyncadd.s32 $0xFFFFCE00  }
0x291: {  	[spmem:s1] =	stream.indirect.scatter.add.f32 [tilespmem:s30], [sflag:$0x4], $0x80, s8, s28, $0xb8;
	[tilespmem:$0x1F400] =	vst v63  }
0x292: {  	_ =	swait.ge [sflag:s25], $0x3200  }
0x293: {  	[sflag:s25] =	ssyncset.done $0x0  }
0x294: {  	s8 =	simm.s32 $0x500;
	[sflag:s25] =	ssyncadd.s32 $0xFFFFCE00  }
0x295: {  	[tilespmem:s30], [sflag:$0x2] =	stream.indirect.gather [hbm4b:s4+s28], $0x80, s8, s28, $0xb8;
	[tilespmem:$0x1F400] =	vst v63  }
0x296: {  	_ =	swait.ge [sflag:s10], $0x3200  }
0x297: {  	[sflag:s10] =	ssyncset.done $0x0  }
0x298: {  	s8 =	simm.s32 $0x1000;
	[sflag:s10] =	ssyncadd.s32 $0xFFFFCE00  }
0x299: {  	[spmem:s1] =	stream.indirect.scatter.add.f32 [tilespmem:s0], [sflag:$0x4], $0x80, s8, s28, $0xb8;
	[tilespmem:$0x1F400] =	vst v63  }
0x29a: {  	_ =	swait.ge [sflag:s25], $0x3200  }
0x29b: {  	[sflag:s25] =	ssyncset.done $0x0  }
0x29c: {  	s6 =	simm.s32 $0x580;
	[sflag:s25] =	ssyncadd.s32 $0xFFFFCE00  }
0x29d: {  	[tilespmem:s0], [sflag:$0x3] =	stream.indirect.gather [hbm4b:s4+s28], $0x80, s6, s28, $0xb8;
	[tilespmem:$0x1F400] =	vst v63  }
0x29e: {  	_ =	swait.ge [sflag:s2], $0x3200  }
0x29f: {  	[sflag:s2] =	ssyncset.done $0x0  }
0x2a0: {  	s6 =	simm.s32 $0x1080;
	[sflag:s2] =	ssyncadd.s32 $0xFFFFCE00  }
0x2a1: {  	[spmem:s1] =	stream.indirect.scatter.add.f32 [tilespmem:s24], [sflag:$0x4], $0x80, s6, s28, $0xb8;
	[tilespmem:$0x1F400] =	vst v63  }
0x2a2: {  	_ =	swait.ge [sflag:s25], $0x3200  }
0x2a3: {  	[sflag:s25] =	ssyncset.done $0x0  }
0x2a4: {  	s6 =	simm.s32 $0x600;
	[sflag:s25] =	ssyncadd.s32 $0xFFFFCE00  }
0x2a5: {  	[tilespmem:s24], [sflag:$0x1] =	stream.indirect.gather [hbm4b:s4+s28], $0x80, s6, s28, $0xb8;
	[tilespmem:$0x1F400] =	vst v63  }
0x2a6: {  	_ =	swait.ge [sflag:s7], $0x3200  }
0x2a7: {  	[sflag:s7] =	ssyncset.done $0x0  }
0x2a8: {  	s6 =	simm.s32 $0x1100;
	[sflag:s7] =	ssyncadd.s32 $0xFFFFCE00  }
0x2a9: {  	[spmem:s1] =	stream.indirect.scatter.add.f32 [tilespmem:s30], [sflag:$0x4], $0x80, s6, s28, $0xb8;
	[tilespmem:$0x1F400] =	vst v63  }
0x2aa: {  	_ =	swait.ge [sflag:s25], $0x3200  }
0x2ab: {  	[sflag:s25] =	ssyncset.done $0x0  }
0x2ac: {  	s6 =	simm.s32 $0x680;
	[sflag:s25] =	ssyncadd.s32 $0xFFFFCE00  }
0x2ad: {  	[tilespmem:s30], [sflag:$0x2] =	stream.indirect.gather [hbm4b:s4+s28], $0x80, s6, s28, $0xb8;
	[tilespmem:$0x1F400] =	vst v63  }
0x2ae: {  	_ =	swait.ge [sflag:s10], $0x3200  }
0x2af: {  	[sflag:s10] =	ssyncset.done $0x0  }
0x2b0: {  	s6 =	simm.s32 $0x1180;
	[sflag:s10] =	ssyncadd.s32 $0xFFFFCE00  }
0x2b1: {  	[spmem:s1] =	stream.indirect.scatter.add.f32 [tilespmem:s0], [sflag:$0x4], $0x80, s6, s28, $0xb8;
	[tilespmem:$0x1F400] =	vst v63  }
0x2b2: {  	_ =	swait.ge [sflag:s25], $0x3200  }
0x2b3: {  	[sflag:s25] =	ssyncset.done $0x0  }
0x2b4: {  	s6 =	simm.s32 $0x700;
	[sflag:s25] =	ssyncadd.s32 $0xFFFFCE00  }
0x2b5: {  	[tilespmem:s0], [sflag:$0x3] =	stream.indirect.gather [hbm4b:s4+s28], $0x80, s6, s28, $0xb8;
	[tilespmem:$0x1F400] =	vst v63  }
0x2b6: {  	_ =	swait.ge [sflag:s2], $0x3200  }
0x2b7: {  	[sflag:s2] =	ssyncset.done $0x0  }
0x2b8: {  	s6 =	simm.s32 $0x1200;
	[sflag:s2] =	ssyncadd.s32 $0xFFFFCE00  }
0x2b9: {  	[spmem:s1] =	stream.indirect.scatter.add.f32 [tilespmem:s24], [sflag:$0x4], $0x80, s6, s28, $0xb8;
	[tilespmem:$0x1F400] =	vst v63  }
0x2ba: {  	_ =	swait.ge [sflag:s25], $0x3200  }
0x2bb: {  	[sflag:s25] =	ssyncset.done $0x0  }
0x2bc: {  	s6 =	simm.s32 $0x780;
	[sflag:s25] =	ssyncadd.s32 $0xFFFFCE00  }
0x2bd: {  	[tilespmem:s24], [sflag:$0x1] =	stream.indirect.gather [hbm4b:s4+s28], $0x80, s6, s28, $0xb8;
	[tilespmem:$0x1F400] =	vst v63  }
0x2be: {  	_ =	swait.ge [sflag:s7], $0x3200  }
0x2bf: {  	[sflag:s7] =	ssyncset.done $0x0  }
0x2c0: {  	s6 =	simm.s32 $0x1280;
	[sflag:s7] =	ssyncadd.s32 $0xFFFFCE00  }
0x2c1: {  	[spmem:s1] =	stream.indirect.scatter.add.f32 [tilespmem:s30], [sflag:$0x4], $0x80, s6, s28, $0xb8;
	[tilespmem:$0x1F400] =	vst v63  }
0x2c2: {  	_ =	swait.ge [sflag:s25], $0x3200  }
0x2c3: {  	[sflag:s25] =	ssyncset.done $0x0  }
0x2c4: {  	s6 =	simm.s32 $0x800;
	[sflag:s25] =	ssyncadd.s32 $0xFFFFCE00  }
0x2c5: {  	[tilespmem:s30], [sflag:$0x2] =	stream.indirect.gather [hbm4b:s4+s28], $0x80, s6, s28, $0xb8;
	[tilespmem:$0x1F400] =	vst v63  }
0x2c6: {  	_ =	swait.ge [sflag:s10], $0x3200  }
0x2c7: {  	[sflag:s10] =	ssyncset.done $0x0  }
0x2c8: {  	s6 =	simm.s32 $0x1300;
	[sflag:s10] =	ssyncadd.s32 $0xFFFFCE00  }
0x2c9: {  	[spmem:s1] =	stream.indirect.scatter.add.f32 [tilespmem:s0], [sflag:$0x4], $0x80, s6, s28, $0xb8;
	[tilespmem:$0x1F400] =	vst v63  }
0x2ca: {  	_ =	swait.ge [sflag:s25], $0x3200  }
0x2cb: {  	[sflag:s25] =	ssyncset.done $0x0  }
0x2cc: {  	s6 =	simm.s32 $0x880;
	[sflag:s25] =	ssyncadd.s32 $0xFFFFCE00  }
0x2cd: {  	[tilespmem:s0], [sflag:$0x3] =	stream.indirect.gather [hbm4b:s4+s28], $0x80, s6, s28, $0xb8;
	[tilespmem:$0x1F400] =	vst v63  }
0x2ce: {  	_ =	swait.ge [sflag:s2], $0x3200  }
0x2cf: {  	[sflag:s2] =	ssyncset.done $0x0  }
0x2d0: {  	s6 =	simm.s32 $0x1380;
	[sflag:s2] =	ssyncadd.s32 $0xFFFFCE00  }
0x2d1: {  	[spmem:s1] =	stream.indirect.scatter.add.f32 [tilespmem:s24], [sflag:$0x4], $0x80, s6, s28, $0xb8;
	[tilespmem:$0x1F400] =	vst v63  }
0x2d2: {  	_ =	swait.ge [sflag:s25], $0x3200  }
0x2d3: {  	[sflag:s25] =	ssyncset.done $0x0  }
0x2d4: {  	s6 =	simm.s32 $0x900;
	[sflag:s25] =	ssyncadd.s32 $0xFFFFCE00  }
0x2d5: {  	[tilespmem:s24], [sflag:$0x1] =	stream.indirect.gather [hbm4b:s4+s28], $0x80, s6, s28, $0xb8;
	[tilespmem:$0x1F400] =	vst v63  }
0x2d6: {  	_ =	swait.ge [sflag:s7], $0x3200  }
0x2d7: {  	[sflag:s7] =	ssyncset.done $0x0  }
0x2d8: {  	s6 =	simm.s32 $0x1400;
	[sflag:s7] =	ssyncadd.s32 $0xFFFFCE00  }
0x2d9: {  	[spmem:s1] =	stream.indirect.scatter.add.f32 [tilespmem:s30], [sflag:$0x4], $0x80, s6, s28, $0xb8;
	[tilespmem:$0x1F400] =	vst v63  }
0x2da: {  	_ =	swait.ge [sflag:s25], $0x3200  }
0x2db: {  	[sflag:s25] =	ssyncset.done $0x0  }
0x2dc: {  	s6 =	simm.s32 $0x980;
	[sflag:s25] =	ssyncadd.s32 $0xFFFFCE00  }
0x2dd: {  	[tilespmem:s30], [sflag:$0x2] =	stream.indirect.gather [hbm4b:s4+s28], $0x80, s6, s28, $0xb8;
	[tilespmem:$0x1F400] =	vst v63  }
0x2de: {  	_ =	swait.ge [sflag:s10], $0x3200  }
0x2df: {  	[sflag:s10] =	ssyncset.done $0x0  }
0x2e0: {  	s6 =	simm.s32 $0x1480;
	[sflag:s10] =	ssyncadd.s32 $0xFFFFCE00  }
0x2e1: {  	[spmem:s1] =	stream.indirect.scatter.add.f32 [tilespmem:s0], [sflag:$0x4], $0x80, s6, s28, $0xb8;
	[tilespmem:$0x1F400] =	vst v63  }
0x2e2: {  	_ =	swait.ge [sflag:s25], $0x3200  }
0x2e3: {  	[sflag:s25] =	ssyncset.done $0x0  }
0x2e4: {  	[sflag:s25] =	ssyncadd.s32 $0xFFFFCE00  }
0x2e5: {  	_ =	swait.ge [sflag:s2], $0x3200  }
0x2e6: {  	[sflag:s2] =	ssyncset.done $0x0  }
0x2e7: {  	s6 =	simm.s32 $0x1500;
	[sflag:s2] =	ssyncadd.s32 $0xFFFFCE00  }
0x2e8: {  	[spmem:s1] =	stream.indirect.scatter.add.f32 [tilespmem:s24], [sflag:$0x4], $0x80, s6, s28, $0xb8;
	[tilespmem:$0x1F400] =	vst v63  }
0x2e9: {  	_ =	swait.ge [sflag:s25], $0x3200  }
0x2ea: {  	[sflag:s25] =	ssyncset.done $0x0  }
0x2eb: {  	[sflag:s25] =	ssyncadd.s32 $0xFFFFCE00  }
0x2ec: {  	_ =	swait.ge [sflag:s7], $0x3200  }
0x2ed: {  	[sflag:s7] =	ssyncset.done $0x0  }
0x2ee: {  	s6 =	simm.s32 $0x1580;
	[sflag:s7] =	ssyncadd.s32 $0xFFFFCE00  }
0x2ef: {  	[spmem:s1] =	stream.indirect.scatter.add.f32 [tilespmem:s30], [sflag:$0x4], $0x80, s6, s28, $0xb8;
	[tilespmem:$0x1F400] =	vst v63  }
0x2f0: {  	_ =	swait.ge [sflag:s25], $0x3200  }
0x2f1: {  	[sflag:s25] =	ssyncset.done $0x0  }
0x2f2: {  	s6 =	rddreg [dreg:$0xd];
	[sflag:s25] =	ssyncadd.s32 $0xFFFFCE00  }
0x2f3: {  	[tilespmem:s23], [sflag:$0x4] =	stream.linear.gather [hbm4b:s6+s23], $0xA00, $0x38;
	[tilespmem:$0x1F400] =	vst v63  }
0x2f4: {  	_ =	swait.ge [sflag:s25], $0xA00  }
0x2f5: {  	[sflag:s25] =	ssyncset.done $0x0  }
0x2f6: {  	s6 =	rddreg [dreg:$0xe];
	[sflag:s25] =	ssyncadd.s32 $0xFFFFF600  }
0x2f7: {  	[tilespmem:s3], [sflag:$0x4] =	stream.linear.gather [hbm4b:s6+s23], $0xA00, $0x38;
	[tilespmem:$0x1F400] =	vst v63  }
0x2f8: {  	_ =	swait.ge [sflag:s25], $0xA00  }
0x2f9: {  	[sflag:s25] =	ssyncset.done $0x0  }
0x2fa: {  	[sflag:s25] =	ssyncadd.s32 $0xFFFFF600  }
0x2fb: {  	[tilespmem:s24], [sflag:$0x1] =	stream.indirect.gather [hbm4b:s4+s28], $0x80, s23, s28, $0xb8;
	[tilespmem:$0x1F400] =	vst v63  }
0x2fc: {  	s5 =	simm.s32 $0x80  }
0x2fd: {  	[tilespmem:s30], [sflag:$0x2] =	stream.indirect.gather [hbm4b:s4+s28], $0x80, s5, s28, $0xb8;
	[tilespmem:$0x1F400] =	vst v63  }
0x2fe: {  	s9 =	simm.s32 $0x100  }
0x2ff: {  	[tilespmem:s0], [sflag:$0x3] =	stream.indirect.gather [hbm4b:s4+s28], $0x80, s9, s28, $0xb8;
	[tilespmem:$0x1F400] =	vst v63  }
0x300: {  	_ =	swait.ge [sflag:s2], $0x3200  }
0x301: {  	[sflag:s2] =	ssyncset.done $0x0  }
0x302: {  	[sflag:s2] =	ssyncadd.s32 $0xFFFFCE00  }
0x303: {  	[spmem:s1] =	stream.indirect.scatter.add.f32 [tilespmem:s24], [sflag:$0x4], $0x80, s3, s28, $0xb8;
	[tilespmem:$0x1F400] =	vst v63  }
0x304: {  	_ =	swait.ge [sflag:s25], $0x3200  }
0x305: {  	[sflag:s25] =	ssyncset.done $0x0  }
0x306: {  	s11 =	simm.s32 $0x180;
	[sflag:s25] =	ssyncadd.s32 $0xFFFFCE00  }
0x307: {  	[tilespmem:s24], [sflag:$0x1] =	stream.indirect.gather [hbm4b:s4+s28], $0x80, s11, s28, $0xb8;
	[tilespmem:$0x1F400] =	vst v63  }
0x308: {  	_ =	swait.ge [sflag:s7], $0x3200  }
0x309: {  	[sflag:s7] =	ssyncset.done $0x0  }
0x30a: {  	s12 =	simm.s32 $0xC80;
	[sflag:s7] =	ssyncadd.s32 $0xFFFFCE00  }
0x30b: {  	[spmem:s1] =	stream.indirect.scatter.add.f32 [tilespmem:s30], [sflag:$0x4], $0x80, s12, s28, $0xb8;
	[tilespmem:$0x1F400] =	vst v63  }
0x30c: {  	_ =	swait.ge [sflag:s25], $0x3200  }
0x30d: {  	[sflag:s25] =	ssyncset.done $0x0  }
0x30e: {  	s13 =	simm.s32 $0x200;
	[sflag:s25] =	ssyncadd.s32 $0xFFFFCE00  }
0x30f: {  	[tilespmem:s30], [sflag:$0x2] =	stream.indirect.gather [hbm4b:s4+s28], $0x80, s13, s28, $0xb8;
	[tilespmem:$0x1F400] =	vst v63  }
0x310: {  	_ =	swait.ge [sflag:s10], $0x3200  }
0x311: {  	[sflag:s10] =	ssyncset.done $0x0  }
0x312: {  	s14 =	simm.s32 $0xD00;
	[sflag:s10] =	ssyncadd.s32 $0xFFFFCE00  }
0x313: {  	[spmem:s1] =	stream.indirect.scatter.add.f32 [tilespmem:s0], [sflag:$0x4], $0x80, s14, s28, $0xb8;
	[tilespmem:$0x1F400] =	vst v63  }
0x314: {  	_ =	swait.ge [sflag:s25], $0x3200  }
0x315: {  	[sflag:s25] =	ssyncset.done $0x0  }
0x316: {  	s15 =	simm.s32 $0x280;
	[sflag:s25] =	ssyncadd.s32 $0xFFFFCE00  }
0x317: {  	[tilespmem:s0], [sflag:$0x3] =	stream.indirect.gather [hbm4b:s4+s28], $0x80, s15, s28, $0xb8;
	[tilespmem:$0x1F400] =	vst v63  }
0x318: {  	_ =	swait.ge [sflag:s2], $0x3200  }
0x319: {  	[sflag:s2] =	ssyncset.done $0x0  }
0x31a: {  	s16 =	simm.s32 $0xD80;
	[sflag:s2] =	ssyncadd.s32 $0xFFFFCE00  }
0x31b: {  	[spmem:s1] =	stream.indirect.scatter.add.f32 [tilespmem:s24], [sflag:$0x4], $0x80, s16, s28, $0xb8;
	[tilespmem:$0x1F400] =	vst v63  }
0x31c: {  	_ =	swait.ge [sflag:s25], $0x3200  }
0x31d: {  	[sflag:s25] =	ssyncset.done $0x0  }
0x31e: {  	s17 =	simm.s32 $0x300;
	[sflag:s25] =	ssyncadd.s32 $0xFFFFCE00  }
0x31f: {  	[tilespmem:s24], [sflag:$0x1] =	stream.indirect.gather [hbm4b:s4+s28], $0x80, s17, s28, $0xb8;
	[tilespmem:$0x1F400] =	vst v63  }
0x320: {  	_ =	swait.ge [sflag:s7], $0x3200  }
0x321: {  	[sflag:s7] =	ssyncset.done $0x0  }
0x322: {  	s18 =	simm.s32 $0xE00;
	[sflag:s7] =	ssyncadd.s32 $0xFFFFCE00  }
0x323: {  	[spmem:s1] =	stream.indirect.scatter.add.f32 [tilespmem:s30], [sflag:$0x4], $0x80, s18, s28, $0xb8;
	[tilespmem:$0x1F400] =	vst v63  }
0x324: {  	_ =	swait.ge [sflag:s25], $0x3200  }
0x325: {  	[sflag:s25] =	ssyncset.done $0x0  }
0x326: {  	s19 =	simm.s32 $0x380;
	[sflag:s25] =	ssyncadd.s32 $0xFFFFCE00  }
0x327: {  	[tilespmem:s30], [sflag:$0x2] =	stream.indirect.gather [hbm4b:s4+s28], $0x80, s19, s28, $0xb8;
	[tilespmem:$0x1F400] =	vst v63  }
0x328: {  	_ =	swait.ge [sflag:s10], $0x3200  }
0x329: {  	[sflag:s10] =	ssyncset.done $0x0  }
0x32a: {  	s20 =	simm.s32 $0xE80;
	[sflag:s10] =	ssyncadd.s32 $0xFFFFCE00  }
0x32b: {  	[spmem:s1] =	stream.indirect.scatter.add.f32 [tilespmem:s0], [sflag:$0x4], $0x80, s20, s28, $0xb8;
	[tilespmem:$0x1F400] =	vst v63  }
0x32c: {  	_ =	swait.ge [sflag:s25], $0x3200  }
0x32d: {  	[sflag:s25] =	ssyncset.done $0x0  }
0x32e: {  	s21 =	simm.s32 $0x400;
	[sflag:s25] =	ssyncadd.s32 $0xFFFFCE00  }
0x32f: {  	[tilespmem:s0], [sflag:$0x3] =	stream.indirect.gather [hbm4b:s4+s28], $0x80, s21, s28, $0xb8;
	[tilespmem:$0x1F400] =	vst v63  }
0x330: {  	_ =	swait.ge [sflag:s2], $0x3200  }
0x331: {  	[sflag:s2] =	ssyncset.done $0x0  }
0x332: {  	s22 =	simm.s32 $0xF00;
	[sflag:s2] =	ssyncadd.s32 $0xFFFFCE00  }
0x333: {  	[spmem:s1] =	stream.indirect.scatter.add.f32 [tilespmem:s24], [sflag:$0x4], $0x80, s22, s28, $0xb8;
	[tilespmem:$0x1F400] =	vst v63  }
0x334: {  	_ =	swait.ge [sflag:s25], $0x3200  }
0x335: {  	[sflag:s25] =	ssyncset.done $0x0  }
0x336: {  	s31 =	simm.s32 $0x480;
	[sflag:s25] =	ssyncadd.s32 $0xFFFFCE00  }
0x337: {  	[tilespmem:s24], [sflag:$0x1] =	stream.indirect.gather [hbm4b:s4+s28], $0x80, s31, s28, $0xb8;
	[tilespmem:$0x1F400] =	vst v63  }
0x338: {  	_ =	swait.ge [sflag:s7], $0x3200  }
0x339: {  	[sflag:s7] =	ssyncset.done $0x0  }
0x33a: {  	s26 =	simm.s32 $0xF80;
	[sflag:s7] =	ssyncadd.s32 $0xFFFFCE00  }
0x33b: {  	[spmem:s1] =	stream.indirect.scatter.add.f32 [tilespmem:s30], [sflag:$0x4], $0x80, s26, s28, $0xb8;
	[tilespmem:$0x1F400] =	vst v63  }
0x33c: {  	_ =	swait.ge [sflag:s25], $0x3200  }
0x33d: {  	[sflag:s25] =	ssyncset.done $0x0  }
0x33e: {  	s17 =	simm.s32 $0x500;
	[sflag:s25] =	ssyncadd.s32 $0xFFFFCE00  }
0x33f: {  	[tilespmem:s30], [sflag:$0x2] =	stream.indirect.gather [hbm4b:s4+s28], $0x80, s17, s28, $0xb8;
	[tilespmem:$0x1F400] =	vst v63  }
0x340: {  	_ =	swait.ge [sflag:s10], $0x3200  }
0x341: {  	[sflag:s10] =	ssyncset.done $0x0  }
0x342: {  	s8 =	simm.s32 $0x1000;
	[sflag:s10] =	ssyncadd.s32 $0xFFFFCE00  }
0x343: {  	[spmem:s1] =	stream.indirect.scatter.add.f32 [tilespmem:s0], [sflag:$0x4], $0x80, s8, s28, $0xb8;
	[tilespmem:$0x1F400] =	vst v63  }
0x344: {  	_ =	swait.ge [sflag:s25], $0x3200  }
0x345: {  	[sflag:s25] =	ssyncset.done $0x0  }
0x346: {  	s18 =	simm.s32 $0x580;
	[sflag:s25] =	ssyncadd.s32 $0xFFFFCE00  }
0x347: {  	[tilespmem:s0], [sflag:$0x3] =	stream.indirect.gather [hbm4b:s4+s28], $0x80, s18, s28, $0xb8;
	[tilespmem:$0x1F400] =	vst v63  }
0x348: {  	_ =	swait.ge [sflag:s2], $0x3200  }
0x349: {  	[sflag:s2] =	ssyncset.done $0x0  }
0x34a: {  	s19 =	simm.s32 $0x1080;
	[sflag:s2] =	ssyncadd.s32 $0xFFFFCE00  }
0x34b: {  	[spmem:s1] =	stream.indirect.scatter.add.f32 [tilespmem:s24], [sflag:$0x4], $0x80, s19, s28, $0xb8;
	[tilespmem:$0x1F400] =	vst v63  }
0x34c: {  	_ =	swait.ge [sflag:s25], $0x3200  }
0x34d: {  	[sflag:s25] =	ssyncset.done $0x0  }
0x34e: {  	s20 =	simm.s32 $0x600;
	[sflag:s25] =	ssyncadd.s32 $0xFFFFCE00  }
0x34f: {  	[tilespmem:s24], [sflag:$0x1] =	stream.indirect.gather [hbm4b:s4+s28], $0x80, s20, s28, $0xb8;
	[tilespmem:$0x1F400] =	vst v63  }
0x350: {  	_ =	swait.ge [sflag:s7], $0x3200  }
0x351: {  	[sflag:s7] =	ssyncset.done $0x0  }
0x352: {  	s21 =	simm.s32 $0x1100;
	[sflag:s7] =	ssyncadd.s32 $0xFFFFCE00  }
0x353: {  	[spmem:s1] =	stream.indirect.scatter.add.f32 [tilespmem:s30], [sflag:$0x4], $0x80, s21, s28, $0xb8;
	[tilespmem:$0x1F400] =	vst v63  }
0x354: {  	_ =	swait.ge [sflag:s25], $0x3200  }
0x355: {  	[sflag:s25] =	ssyncset.done $0x0  }
0x356: {  	s22 =	simm.s32 $0x680;
	[sflag:s25] =	ssyncadd.s32 $0xFFFFCE00  }
0x357: {  	[tilespmem:s30], [sflag:$0x2] =	stream.indirect.gather [hbm4b:s4+s28], $0x80, s22, s28, $0xb8;
	[tilespmem:$0x1F400] =	vst v63  }
0x358: {  	_ =	swait.ge [sflag:s10], $0x3200  }
0x359: {  	[sflag:s10] =	ssyncset.done $0x0  }
0x35a: {  	s26 =	simm.s32 $0x1180;
	[sflag:s10] =	ssyncadd.s32 $0xFFFFCE00  }
0x35b: {  	[spmem:s1] =	stream.indirect.scatter.add.f32 [tilespmem:s0], [sflag:$0x4], $0x80, s26, s28, $0xb8;
	[tilespmem:$0x1F400] =	vst v63  }
0x35c: {  	_ =	swait.ge [sflag:s25], $0x3200  }
0x35d: {  	[sflag:s25] =	ssyncset.done $0x0  }
0x35e: {  	s31 =	simm.s32 $0x700;
	[sflag:s25] =	ssyncadd.s32 $0xFFFFCE00  }
0x35f: {  	[tilespmem:s0], [sflag:$0x3] =	stream.indirect.gather [hbm4b:s4+s28], $0x80, s31, s28, $0xb8;
	[tilespmem:$0x1F400] =	vst v63  }
0x360: {  	_ =	swait.ge [sflag:s2], $0x3200  }
0x361: {  	[sflag:s2] =	ssyncset.done $0x0  }
0x362: {  	s5 =	simm.s32 $0x1200;
	[sflag:s2] =	ssyncadd.s32 $0xFFFFCE00  }
0x363: {  	[spmem:s1] =	stream.indirect.scatter.add.f32 [tilespmem:s24], [sflag:$0x4], $0x80, s5, s28, $0xb8;
	[tilespmem:$0x1F400] =	vst v63  }
0x364: {  	_ =	swait.ge [sflag:s25], $0x3200  }
0x365: {  	[sflag:s25] =	ssyncset.done $0x0  }
0x366: {  	s6 =	simm.s32 $0x780;
	[sflag:s25] =	ssyncadd.s32 $0xFFFFCE00  }
0x367: {  	[tilespmem:s24], [sflag:$0x1] =	stream.indirect.gather [hbm4b:s4+s28], $0x80, s6, s28, $0xb8;
	[tilespmem:$0x1F400] =	vst v63  }
0x368: {  	_ =	swait.ge [sflag:s7], $0x3200  }
0x369: {  	[sflag:s7] =	ssyncset.done $0x0  }
0x36a: {  	s8 =	simm.s32 $0x1280;
	[sflag:s7] =	ssyncadd.s32 $0xFFFFCE00  }
0x36b: {  	[spmem:s1] =	stream.indirect.scatter.add.f32 [tilespmem:s30], [sflag:$0x4], $0x80, s8, s28, $0xb8;
	[tilespmem:$0x1F400] =	vst v63  }
0x36c: {  	_ =	swait.ge [sflag:s25], $0x3200  }
0x36d: {  	[sflag:s25] =	ssyncset.done $0x0  }
0x36e: {  	s9 =	simm.s32 $0x800;
	[sflag:s25] =	ssyncadd.s32 $0xFFFFCE00  }
0x36f: {  	[tilespmem:s30], [sflag:$0x2] =	stream.indirect.gather [hbm4b:s4+s28], $0x80, s9, s28, $0xb8;
	[tilespmem:$0x1F400] =	vst v63  }
0x370: {  	_ =	swait.ge [sflag:s10], $0x3200  }
0x371: {  	[sflag:s10] =	ssyncset.done $0x0  }
0x372: {  	s11 =	simm.s32 $0x1300;
	[sflag:s10] =	ssyncadd.s32 $0xFFFFCE00  }
0x373: {  	[spmem:s1] =	stream.indirect.scatter.add.f32 [tilespmem:s0], [sflag:$0x4], $0x80, s11, s28, $0xb8;
	[tilespmem:$0x1F400] =	vst v63  }
0x374: {  	_ =	swait.ge [sflag:s25], $0x3200  }
0x375: {  	[sflag:s25] =	ssyncset.done $0x0  }
0x376: {  	s12 =	simm.s32 $0x880;
	[sflag:s25] =	ssyncadd.s32 $0xFFFFCE00  }
0x377: {  	[tilespmem:s0], [sflag:$0x3] =	stream.indirect.gather [hbm4b:s4+s28], $0x80, s12, s28, $0xb8;
	[tilespmem:$0x1F400] =	vst v63  }
0x378: {  	_ =	swait.ge [sflag:s2], $0x3200  }
0x379: {  	[sflag:s2] =	ssyncset.done $0x0  }
0x37a: {  	s13 =	simm.s32 $0x1380;
	[sflag:s2] =	ssyncadd.s32 $0xFFFFCE00  }
0x37b: {  	[spmem:s1] =	stream.indirect.scatter.add.f32 [tilespmem:s24], [sflag:$0x4], $0x80, s13, s28, $0xb8;
	[tilespmem:$0x1F400] =	vst v63  }
0x37c: {  	_ =	swait.ge [sflag:s25], $0x3200  }
0x37d: {  	[sflag:s25] =	ssyncset.done $0x0  }
0x37e: {  	s14 =	simm.s32 $0x900;
	[sflag:s25] =	ssyncadd.s32 $0xFFFFCE00  }
0x37f: {  	[tilespmem:s24], [sflag:$0x1] =	stream.indirect.gather [hbm4b:s4+s28], $0x80, s14, s28, $0xb8;
	[tilespmem:$0x1F400] =	vst v63  }
0x380: {  	_ =	swait.ge [sflag:s7], $0x3200  }
0x381: {  	[sflag:s7] =	ssyncset.done $0x0  }
0x382: {  	s15 =	simm.s32 $0x1400;
	[sflag:s7] =	ssyncadd.s32 $0xFFFFCE00  }
0x383: {  	[spmem:s1] =	stream.indirect.scatter.add.f32 [tilespmem:s30], [sflag:$0x4], $0x80, s15, s28, $0xb8;
	[tilespmem:$0x1F400] =	vst v63  }
0x384: {  	_ =	swait.ge [sflag:s25], $0x3200  }
0x385: {  	[sflag:s25] =	ssyncset.done $0x0  }
0x386: {  	s16 =	simm.s32 $0x980;
	[sflag:s25] =	ssyncadd.s32 $0xFFFFCE00  }
0x387: {  	[tilespmem:s30], [sflag:$0x2] =	stream.indirect.gather [hbm4b:s4+s28], $0x80, s16, s28, $0xb8;
	[tilespmem:$0x1F400] =	vst v63  }
0x388: {  	_ =	swait.ge [sflag:s10], $0x3200  }
0x389: {  	[sflag:s10] =	ssyncset.done $0x0  }
0x38a: {  	s17 =	simm.s32 $0x1480;
	[sflag:s10] =	ssyncadd.s32 $0xFFFFCE00  }
0x38b: {  	[spmem:s1] =	stream.indirect.scatter.add.f32 [tilespmem:s0], [sflag:$0x4], $0x80, s17, s28, $0xb8;
	[tilespmem:$0x1F400] =	vst v63  }
0x38c: {  	_ =	swait.ge [sflag:s25], $0x3200  }
0x38d: {  	[sflag:s25] =	ssyncset.done $0x0  }
0x38e: {  	[sflag:s25] =	ssyncadd.s32 $0xFFFFCE00  }
0x38f: {  	_ =	swait.ge [sflag:s2], $0x3200  }
0x390: {  	[sflag:s2] =	ssyncset.done $0x0  }
0x391: {  	s18 =	simm.s32 $0x1500;
	[sflag:s2] =	ssyncadd.s32 $0xFFFFCE00  }
0x392: {  	[spmem:s1] =	stream.indirect.scatter.add.f32 [tilespmem:s24], [sflag:$0x4], $0x80, s18, s28, $0xb8;
	[tilespmem:$0x1F400] =	vst v63  }
0x393: {  	_ =	swait.ge [sflag:s25], $0x3200  }
0x394: {  	[sflag:s25] =	ssyncset.done $0x0  }
0x395: {  	[sflag:s25] =	ssyncadd.s32 $0xFFFFCE00  }
0x396: {  	_ =	swait.ge [sflag:s7], $0x3200  }
0x397: {  	[sflag:s7] =	ssyncset.done $0x0  }
0x398: {  	s19 =	simm.s32 $0x1580;
	[sflag:s7] =	ssyncadd.s32 $0xFFFFCE00  }
0x399: {  	[spmem:s1] =	stream.indirect.scatter.add.f32 [tilespmem:s30], [sflag:$0x4], $0x80, s19, s28, $0xb8;
	[tilespmem:$0x1F400] =	vst v63  }
0x39a: {  	_ =	swait.ge [sflag:s25], $0x3200  }
0x39b: {  	[sflag:s25] =	ssyncset.done $0x0  }
0x39c: {  	[sflag:s25] =	ssyncadd.s32 $0xFFFFCE00  }
0x39d: {  	s20 =	stileid.u32;
	[bflag:$0x0] =	sbarrier.arrive $0xFFFF  }
0x39e: {  	s6 =	sshll.u32 s20, $0x6;
	s21 =	rddreg [dreg:$0x3]  }
0x39f: {  	s6 =	sor.u32 $0x1C04, s6;
	s26 =	rddreg [dreg:$0xf];
	s22 =	sshrl.u32 s21, $0x3  }
0x3a0: {  	[hbm:s26], [sflag:s6] =	dma.local [spmem:s22], $0x2800  }
0x3a1: {  	_ =	swait.ge [sflag:s25], $0x2800  }
0x3a2: {  	s29 =	sadd.s32 $0x1, s29;
	s31 =	rddreg [dreg:$0x10]  }
0x3a3: {  	p0 =	sne.s32 s29, s31  }
.Ltmp1:
0x3a4: {  	_ = 	snop;
	(pc) =	sbr.rel @p0 .LBB2_1-.Ltmp1, $3  }
0x3a5: {  	_ =	sdelay $0x1  }
0x3a6: {  	[sflag:s25] =	ssyncset.done $0x0  }
0x3a7: {  	[sflag:s25] =	ssyncadd.s32 $0xFFFFD800  }
0x3a8: {  	_ =	sfence.sel $0x180000  }
0x3a9: {  	[bflag:$0x0] =	sbarrier.arrive $0xFFFF  }
0x3aa: {  	_ =	strace $0x90000047  }
0x3ab: {  	s0 =	stileid.u32;
	[bflag:$0x2] =	sbarrier.arrive $0xFFFF  }
0x3ac: {  	p0 =	sne.s32 s0, $0x0;
	s0 =	rddreg [dreg:$0x2]  }
0x3ad: {  	s0 =	sadd.s32 @!p0 $0x100000, s0  }
0x3ae: {  	[sflag:s0] =	ssyncadd.tile.s32 @!p0 $0x1;
	_ =	shalt  }
.Lfunc_end2:
_tile_overlayer_lowered:
.L_overlay_start_2:
0x3af: {  	(tag) =	ssettag $0x2  }
0x3b0: {  	s0 =	rddreg [dreg:$0x0];
	s2 =	stileid.u32  }
0x3b1: {  	s1 =	rddreg [dreg:$0x1];
	p0 =	sne.s32 s2, $0x0  }
0x3b2: {  	s3 =	rddreg [dreg:$0x2];
	[bflag:$0x3] =	sbarrier.arrive $0xFFFF;
	s2 =	simm.s32 @!p0 $0x1C04  }
0x3b3: {  	[timem:s3], [sflag:s2] =	dma.local @!p0 [hbm:s0], s1  }
0x3b4: {  	s0 =	simm.s32 @!p0 $0x4  }
0x3b5: {  	_ =	swait.ge @!p0 [sflag:s0], s1  }
0x3b6: {  	s1 =	ssub.s32 @!p0 $0x0, s1;
	[sflag:s0] =	ssyncset.done @!p0 $0x0  }
0x3b7: {  	[sflag:s0] =	ssyncadd.s32 @!p0 s1  }
0x3b8: {  	[bflag:$0x3] =	sbarrier.arrive $0xFFFF  }
0x3b9: {  	_ =	shalt  }

</sc_bundles>
